<compile_context>
chip_gen: v7x
topology: tpu7x:2x2x1
jax: 0.10.2.dev20260603
libtpu: 0.0.44.dev20260713+nightly
codegen_flags: <defaults>
</compile_context>

<pallas_src>
import functools

import jax
import jax.numpy as jnp
from jax import lax
from jax.experimental import pallas as pl
from jax.experimental.pallas import tpu as pltpu
from jax.experimental.pallas import tpu_sc as plsc

N = 10000
D = 128
E = 320000
G = 16

NC = 2
NS = 16
NW = NC * NS

CHUNK = 128
NCHUNK = 80
GSZ = 8
GROUPS = NCHUNK // GSZ
EPAD = NW * NCHUNK * CHUNK
DEG_K = 8

NPAD = 10240
RPT = NPAD // NS
DPT = NPAD // NS

BLKA = 1024
NBLKA = NPAD // BLKA
BLK = 1000
NBLK = N // BLK




@functools.cache
def _sc_kernels():
    mesh = plsc.VectorSubcoreMesh(
        core_axis_name="c", subcore_axis_name="s",
        num_cores=NC, num_subcores=NS)

    sc_deg = pl.kernel(
        _sc_deg_body,
        out_type=jax.ShapeDtypeStruct((NC, NPAD), jnp.float32),
        mesh=mesh,
        scratch_types=[
            pltpu.VMEM((NCHUNK, CHUNK), jnp.int32),
            pltpu.VMEM((CHUNK,), jnp.float32),
            pltpu.VMEM((DPT,), jnp.float32),
            pltpu.VMEM_SHARED((NPAD,), jnp.float32),
            pltpu.SemaphoreType.DMA,
        ],
    )
    sc_agg = pl.kernel(
        _sc_agg_body,
        out_type=jax.ShapeDtypeStruct((NC, NPAD, D), jnp.float32),
        mesh=mesh,
        scratch_types=[
            pltpu.VMEM((3, GSZ, CHUNK), jnp.int32),
            pltpu.VMEM((3, GSZ, CHUNK), jnp.int32),
            pltpu.VMEM((CHUNK, D), jnp.float32),
            pltpu.VMEM((CHUNK, D), jnp.float32),
            pltpu.VMEM_SHARED((NPAD, D), jnp.float32),
            pltpu.SemaphoreType.DMA,
            pltpu.SemaphoreType.DMA,
        ],
    )
    return sc_deg, sc_agg


def _sc_deg_body(dst_hbm, out_hbm, didx2, ones, zbuf, deg, sem):
    cid = lax.axis_index("c")
    sid = lax.axis_index("s")
    wid = cid * NS + sid

    pltpu.sync_copy(dst_hbm.at[wid], didx2)

    def fill_ones(i, _):
        ones[pl.ds(i * 16, 16)] = jnp.ones((16,), jnp.float32)
        return 0
    lax.fori_loop(0, CHUNK // 16, fill_ones, 0)

    def fill_zeros(i, _):
        zbuf[pl.ds(i * 16, 16)] = jnp.zeros((16,), jnp.float32)
        return 0
    lax.fori_loop(0, DPT // 16, fill_zeros, 0)

    pltpu.sync_copy(zbuf, deg.at[pl.ds(sid * DPT, DPT)])
    plsc.subcore_barrier()

    def body(j, _):
        descs = [
            pltpu.async_copy(ones, deg.at[didx2.at[j * DEG_K + t]], sem,
                             add=True)
            for t in range(DEG_K)
        ]
        for dsc in descs:
            dsc.wait()
        return 0
    lax.fori_loop(0, NCHUNK // DEG_K, body, 0)

    plsc.subcore_barrier()
    pltpu.sync_copy(deg.at[pl.ds(sid * DPT, DPT)],
                    out_hbm.at[cid, pl.ds(sid * DPT, DPT)])


def _sc_agg_body(u_hbm, src_hbm, dst_hbm, zer_hbm, out_hbm, sibuf, dibuf,
                 rows0, rows1, acc, sem, isem):
    cid = lax.axis_index("c")
    sid = lax.axis_index("s")
    wid = cid * NS + sid

    pltpu.sync_copy(src_hbm.at[wid, pl.ds(0, GSZ)], sibuf.at[0])
    pltpu.sync_copy(dst_hbm.at[wid, pl.ds(0, GSZ)], dibuf.at[0])
    for g0 in (1, 2):
        pltpu.async_copy(src_hbm.at[wid, pl.ds(g0 * GSZ, GSZ)],
                         sibuf.at[g0], isem)
        pltpu.async_copy(dst_hbm.at[wid, pl.ds(g0 * GSZ, GSZ)],
                         dibuf.at[g0], isem)

    zdescs = [
        pltpu.async_copy(zer_hbm, acc.at[pl.ds(sid * RPT + t * CHUNK, CHUNK)],
                         sem)
        for t in range(RPT // CHUNK)
    ]
    for dsc in zdescs:
        dsc.wait()
    pltpu.async_copy(u_hbm.at[sibuf.at[0, 0]], rows0, sem)
    plsc.subcore_barrier()

    def body(g, _):
        p = g % 3

        @pl.when(g < GROUPS - 1)
        def _wait_next_idx_group():
            pltpu.make_async_copy(
                src_hbm.at[wid, pl.ds((g + 1) * GSZ, GSZ)],
                sibuf.at[(g + 1) % 3], isem).wait()
            pltpu.make_async_copy(
                dst_hbm.at[wid, pl.ds((g + 1) * GSZ, GSZ)],
                dibuf.at[(g + 1) % 3], isem).wait()

        for c in range(GSZ):
            buf, nbuf = (rows0, rows1) if c % 2 == 0 else (rows1, rows0)
            if c < GSZ - 1:
                pltpu.async_copy(u_hbm.at[sibuf.at[p, c + 1]], nbuf, sem)
            else:
                @pl.when(g < GROUPS - 1)
                def _fire_next_group():
                    pltpu.async_copy(u_hbm.at[sibuf.at[(g + 1) % 3, 0]],
                                     nbuf, sem)
            pltpu.make_async_copy(u_hbm.at[sibuf.at[p, c]], buf, sem).wait()
            pltpu.sync_copy(buf, acc.at[dibuf.at[p, c]], add=True)

        @pl.when(g < GROUPS - 3)
        def _prefetch_indices():
            pltpu.async_copy(src_hbm.at[wid, pl.ds((g + 3) * GSZ, GSZ)],
                             sibuf.at[p], isem)
            pltpu.async_copy(dst_hbm.at[wid, pl.ds((g + 3) * GSZ, GSZ)],
                             dibuf.at[p], isem)
        return 0
    lax.fori_loop(0, GROUPS, body, 0)

    plsc.subcore_barrier()
    pltpu.sync_copy(acc.at[pl.ds(sid * RPT, RPT)],
                    out_hbm.at[cid, pl.ds(sid * RPT, RPT)])



def _tc_a_body(x_ref, w1_ref, deg_ref, u1_ref, dinv_ref):
    dsum = deg_ref[0] + deg_ref[1] + 1.0
    dinv = lax.rsqrt(dsum)
    h = jnp.dot(x_ref[...], w1_ref[...], preferred_element_type=jnp.float32)
    u1_ref[...] = h * dinv
    dinv_ref[...] = dinv


def _tc_b_body(p_ref, u1_ref, dinv_ref, b1_ref, w2_ref, u2_ref):
    dinv = dinv_ref[...]
    s = p_ref[0] + p_ref[1] + u1_ref[...]
    z = jnp.maximum(s * dinv + b1_ref[...], 0.0)
    u2_ref[...] = jnp.dot(z, w2_ref[...], preferred_element_type=jnp.float32) * dinv


def _tc_c_body(p_ref, u2_ref, dinv_ref, b2_ref, batch_ref, out_ref, cnt_ref):
    i = pl.program_id(0)
    nb = pl.num_programs(0)
    z = (p_ref[0] + p_ref[1] + u2_ref[...]) * dinv_ref[...] + b2_ref[...]
    bt = batch_ref[0]
    oh = (lax.broadcasted_iota(jnp.int32, (G, BLK), 0) == bt).astype(jnp.float32)

    @pl.when(i == 0)
    def _init():
        out_ref[...] = jnp.zeros_like(out_ref)
        cnt_ref[...] = jnp.zeros_like(cnt_ref)

    out_ref[...] += jnp.dot(oh, z, preferred_element_type=jnp.float32)
    cnt_ref[...] += jnp.sum(oh, axis=1, keepdims=True)

    @pl.when(i == nb - 1)
    def _fin():
        out_ref[...] = out_ref[...] / jnp.maximum(cnt_ref[...], 1.0)


_tc_a = pl.pallas_call(
    _tc_a_body,
    grid=(NBLK,),
    in_specs=[
        pl.BlockSpec((BLK, D), lambda i: (i, 0)),
        pl.BlockSpec((D, D), lambda i: (0, 0)),
        pl.BlockSpec((NC, BLK, 1), lambda i: (0, i, 0)),
    ],
    out_specs=[
        pl.BlockSpec((BLK, D), lambda i: (i, 0)),
        pl.BlockSpec((BLK, 1), lambda i: (i, 0)),
    ],
    out_shape=[
        jax.ShapeDtypeStruct((NPAD, D), jnp.float32),
        jax.ShapeDtypeStruct((NPAD, 1), jnp.float32),
    ],
)

_tc_b = pl.pallas_call(
    _tc_b_body,
    grid=(NBLK,),
    in_specs=[
        pl.BlockSpec((NC, BLK, D), lambda i: (0, i, 0)),
        pl.BlockSpec((BLK, D), lambda i: (i, 0)),
        pl.BlockSpec((BLK, 1), lambda i: (i, 0)),
        pl.BlockSpec((1, D), lambda i: (0, 0)),
        pl.BlockSpec((D, D), lambda i: (0, 0)),
    ],
    out_specs=pl.BlockSpec((BLK, D), lambda i: (i, 0)),
    out_shape=jax.ShapeDtypeStruct((NPAD, D), jnp.float32),
)

_tc_c = pl.pallas_call(
    _tc_c_body,
    grid=(NBLK,),
    in_specs=[
        pl.BlockSpec((NC, BLK, D), lambda i: (0, i, 0)),
        pl.BlockSpec((BLK, D), lambda i: (i, 0)),
        pl.BlockSpec((BLK, 1), lambda i: (i, 0)),
        pl.BlockSpec((1, D), lambda i: (0, 0)),
        pl.BlockSpec((1, 1, BLK), lambda i: (i, 0, 0)),
    ],
    out_specs=pl.BlockSpec((G, D), lambda i: (0, 0)),
    out_shape=jax.ShapeDtypeStruct((G, D), jnp.float32),
    scratch_shapes=[pltpu.VMEM((G, 1), jnp.float32)],
)


def kernel(x, edge_index, batch, W1, b1, W2, b2):
    fill = N + jnp.arange(EPAD - E, dtype=jnp.int32) % (NPAD - N)
    src = jnp.concatenate([edge_index[0], fill]).reshape(NW, NCHUNK, CHUNK)
    dst = jnp.concatenate([edge_index[1], fill]).reshape(NW, NCHUNK, CHUNK)
    zer = jnp.zeros((CHUNK, D), jnp.float32)
    sc_deg, sc_agg = _sc_kernels()

    deg_parts = sc_deg(dst)
    degc = deg_parts.reshape(NC, NPAD, 1)

    u1, dinv = _tc_a(x, W1, degc)
    parts1 = sc_agg(u1, src, dst, zer)
    u2 = _tc_b(parts1, u1, dinv, b1.reshape(1, D), W2)
    parts2 = sc_agg(u2, src, dst, zer)
    out = _tc_c(parts2, u2, dinv, b2.reshape(1, D),
                batch.reshape(NBLK, 1, BLK))
    return out

# --- scband reference (transcript-rebuilt; emitter-appended) ---
"""Pipeline reference for scband-gnn-81071802679800 (READ-ONLY COPY).

The authoritative reference and input builder live on the scoring server;
editing this copy changes nothing except your own understanding.
"""

import jax, jax.numpy as jnp
import numpy as np

N = 10000
E = 320000
D = 128
G = 16


def setup_inputs(seed: int = 0) -> dict:
    key = jax.random.key(seed)
    ks = jax.random.split(key, 8)
    x = jax.random.normal(ks[0], (N, D), dtype=jnp.float32)
    edge_index = jax.random.randint(ks[1], (2, E), 0, N, dtype=jnp.int32)
    batch = jnp.sort(jax.random.randint(ks[2], (N,), 0, G, dtype=jnp.int32))
    # GCN (torch_geometric BasicGNN) params: 2 GCNConv layers, 128 -> 128 -> 128
    W1 = jax.random.normal(ks[3], (D, D), dtype=jnp.float32) * 0.05
    b1 = jnp.zeros((D,), dtype=jnp.float32)
    W2 = jax.random.normal(ks[4], (D, D), dtype=jnp.float32) * 0.05
    b2 = jnp.zeros((D,), dtype=jnp.float32)
    return {"x": x, "edge_index": edge_index, "batch": batch,
            "W1": W1, "b1": b1, "W2": W2, "b2": b2}


def _gcn_conv(x, src, dst, W, b, num_nodes):
    # GCNConv: x' = D^{-1/2} (A + I) D^{-1/2} (x W) + b, with self-loops added.
    loop = jnp.arange(num_nodes, dtype=src.dtype)
    s = jnp.concatenate([src, loop])
    d = jnp.concatenate([dst, loop])
    ones = jnp.ones(s.shape[0], dtype=x.dtype)
    deg = jax.ops.segment_sum(ones, d, num_segments=num_nodes)
    dinv = jnp.where(deg > 0, deg ** -0.5, 0.0)
    norm = dinv[s] * dinv[d]
    h = x @ W
    msgs = h[s] * norm[:, None]
    out = jax.ops.segment_sum(msgs, d, num_segments=num_nodes)
    return out + b


def _global_mean_pool(x, batch, num_graphs):
    sums = jax.ops.segment_sum(x, batch, num_segments=num_graphs)
    cnts = jax.ops.segment_sum(jnp.ones(x.shape[0], dtype=x.dtype), batch, num_segments=num_graphs)
    return sums / jnp.clip(cnts, 1.0)[:, None]


def reference(x, edge_index, batch, W1, b1, W2, b2):
    src, dst = edge_index[0], edge_index[1]
    h = _gcn_conv(x, src, dst, W1, b1, N)
    h = jax.nn.relu(h)  # BasicGNN applies act between layers
    h = _gcn_conv(h, src, dst, W2, b2, N)
    out = _global_mean_pool(h, batch, G)
    return out

if __name__ == "__main__":
    import jax
    _d = setup_inputs()
    print(jax.jit(kernel)(*tuple(_d.values())))

</pallas_src>

<mosaic_0001>
#map = affine_map<(d0, d1) -> (0, 0, 0)>
#map1 = affine_map<(d0, d1) -> (0, 0)>
module attributes {stable_mosaic.version = 14 : i64} {
  func.func @_sc_deg_body(%arg0: i32, %arg1: i32, %arg2: memref<32x80x128xi32, #tpu.memory_space<hbm>>, %arg3: memref<2x10240xf32, #tpu.memory_space<hbm>>, %arg4: memref<80x128xi32, #tpu.memory_space<vmem>>, %arg5: memref<128xf32, #tpu.memory_space<vmem>>, %arg6: memref<640xf32, #tpu.memory_space<vmem>>, %arg7: memref<10240xf32, #tpu.memory_space<vmem_shared>>, %arg8: memref<!tpu.dma_semaphore, #tpu.memory_space<semaphore_mem>>) attributes {dimension_semantics = [#tpu.dimension_semantics<core_parallel>, #tpu.dimension_semantics<subcore_parallel>], iteration_bounds = array<i64: 2, 16>, scalar_prefetch = 0 : i64, scratch_operands = 5 : i64, tpu.core_type = #tpu.core_type<sc_vector_subcore>, window_params = [{transform_indices = #map}, {transform_indices = #map1}]} {
    %mul3A = arith.constant 16 : i32
    %mul3A_0 = arith.muli %arg0, %mul3A : i32
    %add3A = arith.addi %mul3A_0, %arg1 : i32
    "tpu.region"() ({
      %run_scoped3A = tpu.sem_alloc : memref<!tpu.dma_semaphore, #tpu.memory_space<semaphore_mem>>
      %dma_start3A = arith.constant 0 : i32
      %dma_start3A_28 = arith.constant 0 : i32
      %dma_start3A_29 = tpu.memref_slice %arg2[%add3A, %dma_start3A, %dma_start3A_28] : memref<32x80x128xi32, #tpu.memory_space<hbm>> -> memref<1x80x128xi32, #tpu.memory_space<hbm>>
      %dma_start3A_30 = tpu.memref_squeeze %dma_start3A_29 : memref<1x80x128xi32, #tpu.memory_space<hbm>> -> memref<80x128xi32, #tpu.memory_space<hbm>>
      %dma_start3A_31 = arith.constant 0 : i32
      %dma_start3A_32 = arith.constant 0 : i32
      %dma_start3A_33 = tpu.memref_slice %arg2[%add3A, %dma_start3A_31, %dma_start3A_32] : memref<32x80x128xi32, #tpu.memory_space<hbm>> -> memref<1x80x128xi32, #tpu.memory_space<hbm>>
      %dma_start3A_34 = tpu.memref_squeeze %dma_start3A_33 : memref<1x80x128xi32, #tpu.memory_space<hbm>> -> memref<80x128xi32, #tpu.memory_space<hbm>>
      tpu.enqueue_dma source(%dma_start3A_34 : memref<80x128xi32, #tpu.memory_space<hbm>>) target(%arg4 : memref<80x128xi32, #tpu.memory_space<vmem>>) target_semaphore(%run_scoped3A : memref<!tpu.dma_semaphore, #tpu.memory_space<semaphore_mem>>)
      %dma_wait3A = arith.constant 0 : i32
      %dma_wait3A_35 = arith.constant 0 : i32
      %dma_wait3A_36 = tpu.memref_slice %arg2[%add3A, %dma_wait3A, %dma_wait3A_35] : memref<32x80x128xi32, #tpu.memory_space<hbm>> -> memref<1x80x128xi32, #tpu.memory_space<hbm>>
      %dma_wait3A_37 = tpu.memref_squeeze %dma_wait3A_36 : memref<1x80x128xi32, #tpu.memory_space<hbm>> -> memref<80x128xi32, #tpu.memory_space<hbm>>
      %dma_wait3A_38 = arith.constant 0 : i32
      %dma_wait3A_39 = arith.constant 0 : i32
      %dma_wait3A_40 = tpu.memref_slice %arg2[%add3A, %dma_wait3A_38, %dma_wait3A_39] : memref<32x80x128xi32, #tpu.memory_space<hbm>> -> memref<1x80x128xi32, #tpu.memory_space<hbm>>
      %dma_wait3A_41 = tpu.memref_squeeze %dma_wait3A_40 : memref<1x80x128xi32, #tpu.memory_space<hbm>> -> memref<80x128xi32, #tpu.memory_space<hbm>>
      tpu.wait_dma2 semaphore(%run_scoped3A : memref<!tpu.dma_semaphore, #tpu.memory_space<semaphore_mem>>) src(%dma_wait3A_41 : memref<80x128xi32, #tpu.memory_space<hbm>>) dst(%arg4 : memref<80x128xi32, #tpu.memory_space<vmem>>)
      tpu.yield
    }) : () -> ()
    %scan3A = arith.constant 0 : i32
    %scan3A_1 = arith.constant 0 : i32
    %scan3A_2 = arith.constant 8 : i32
    %scan3A_3 = arith.addi %scan3A_1, %scan3A_2 : i32
    %scan3A_4 = arith.constant 1 : i32
    %scan3A_5 = scf.for %scan3A_28 = %scan3A_1 to %scan3A_3 step %scan3A_4 iter_args(%scan3A_29 = %scan3A) -> (i32)  : i32 {
      %broadcast_in_dim3A = arith.constant 1.000000e+00 : f32
      %broadcast_in_dim3A_30 = vector.broadcast %broadcast_in_dim3A : f32 to vector<16xf32>
      %mul3A_31 = arith.constant 16 : i32
      %mul3A_32 = arith.muli %scan3A_28, %mul3A_31 : i32
      %swap3A = arith.index_cast %mul3A_32 : i32 to index
      %swap3A_33 = tpu.vector_load %arg5[%swap3A] {strides = array<i32>} : memref<128xf32, #tpu.memory_space<vmem>>, vector<16xf32>,
      %swap3A_34 = vector.shape_cast %swap3A_33 : vector<16xf32> to vector<16xf32>
      %swap3A_35 = vector.shape_cast %broadcast_in_dim3A_30 : vector<16xf32> to vector<16xf32>
      tpu.vector_store %arg5[%swap3A], %swap3A_35 {strides = array<i32>} : memref<128xf32, #tpu.memory_space<vmem>>, vector<16xf32>,
      %scan3A_36 = arith.constant 0 : i32
      scf.yield %scan3A_36 : i32
    }
    %scan3A_6 = arith.constant 8 : i32
    %scan3A_7 = arith.constant 0 : i32
    %scan3A_8 = arith.constant 0 : i32
    %scan3A_9 = arith.constant 40 : i32
    %scan3A_10 = arith.addi %scan3A_8, %scan3A_9 : i32
    %scan3A_11 = arith.constant 1 : i32
    %scan3A_12 = scf.for %scan3A_28 = %scan3A_8 to %scan3A_10 step %scan3A_11 iter_args(%scan3A_29 = %scan3A_7) -> (i32)  : i32 {
      %broadcast_in_dim3A = arith.constant 0.000000e+00 : f32
      %broadcast_in_dim3A_30 = vector.broadcast %broadcast_in_dim3A : f32 to vector<16xf32>
      %mul3A_31 = arith.constant 16 : i32
      %mul3A_32 = arith.muli %scan3A_28, %mul3A_31 : i32
      %swap3A = arith.index_cast %mul3A_32 : i32 to index
      %swap3A_33 = tpu.vector_load %arg6[%swap3A] {strides = array<i32>} : memref<640xf32, #tpu.memory_space<vmem>>, vector<16xf32>,
      %swap3A_34 = vector.shape_cast %swap3A_33 : vector<16xf32> to vector<16xf32>
      %swap3A_35 = vector.shape_cast %broadcast_in_dim3A_30 : vector<16xf32> to vector<16xf32>
      tpu.vector_store %arg6[%swap3A], %swap3A_35 {strides = array<i32>} : memref<640xf32, #tpu.memory_space<vmem>>, vector<16xf32>,
      %scan3A_36 = arith.constant 0 : i32
      scf.yield %scan3A_36 : i32
    }
    %scan3A_13 = arith.constant 40 : i32
    %mul3A_14 = arith.constant 640 : i32
    %mul3A_15 = arith.muli %arg1, %mul3A_14 : i32
    "tpu.region"() ({
      %run_scoped3A = tpu.sem_alloc : memref<!tpu.dma_semaphore, #tpu.memory_space<semaphore_mem>>
      %dma_start3A = tpu.memref_slice %arg7[%mul3A_15] : memref<10240xf32, #tpu.memory_space<vmem_shared>> -> memref<640xf32, #tpu.memory_space<vmem_shared>>
      %dma_start3A_28 = tpu.memref_slice %arg7[%mul3A_15] : memref<10240xf32, #tpu.memory_space<vmem_shared>> -> memref<640xf32, #tpu.memory_space<vmem_shared>>
      tpu.enqueue_dma source(%arg6 : memref<640xf32, #tpu.memory_space<vmem>>) target(%dma_start3A_28 : memref<640xf32, #tpu.memory_space<vmem_shared>>) target_semaphore(%run_scoped3A : memref<!tpu.dma_semaphore, #tpu.memory_space<semaphore_mem>>)
      %dma_wait3A = tpu.memref_slice %arg7[%mul3A_15] : memref<10240xf32, #tpu.memory_space<vmem_shared>> -> memref<640xf32, #tpu.memory_space<vmem_shared>>
      %dma_wait3A_29 = tpu.memref_slice %arg7[%mul3A_15] : memref<10240xf32, #tpu.memory_space<vmem_shared>> -> memref<640xf32, #tpu.memory_space<vmem_shared>>
      tpu.wait_dma2 semaphore(%run_scoped3A : memref<!tpu.dma_semaphore, #tpu.memory_space<semaphore_mem>>) src(%arg6 : memref<640xf32, #tpu.memory_space<vmem>>) dst(%dma_wait3A_29 : memref<640xf32, #tpu.memory_space<vmem_shared>>)
      tpu.yield
    }) : () -> ()
    %barrier3A = arith.constant 0 : index
    tpu.barrier barrier_id(%barrier3A)
    %scan3A_16 = arith.constant 0 : i32
    %scan3A_17 = arith.constant 0 : i32
    %scan3A_18 = arith.constant 10 : i32
    %scan3A_19 = arith.addi %scan3A_17, %scan3A_18 : i32
    %scan3A_20 = arith.constant 1 : i32
    %scan3A_21 = scf.for %scan3A_28 = %scan3A_17 to %scan3A_19 step %scan3A_20 iter_args(%scan3A_29 = %scan3A_16) -> (i32)  : i32 {
      %mul3A_30 = arith.constant 8 : i32
      %mul3A_31 = arith.muli %scan3A_28, %mul3A_30 : i32
      %add3A_32 = arith.constant 0 : i32
      %add3A_33 = arith.addi %mul3A_31, %add3A_32 : i32
      %dma_start3A = arith.constant 0 : i32
      %dma_start3A_34 = tpu.memref_slice %arg4[%add3A_33, %dma_start3A] : memref<80x128xi32, #tpu.memory_space<vmem>> -> memref<1x128xi32, #tpu.memory_space<vmem>>
      %dma_start3A_35 = tpu.memref_squeeze %dma_start3A_34 : memref<1x128xi32, #tpu.memory_space<vmem>> -> memref<128xi32, #tpu.memory_space<vmem>>
      %dma_start3A_36 = arith.constant 0 : i32
      %dma_start3A_37 = tpu.memref_slice %arg7[%dma_start3A_36] : memref<10240xf32, #tpu.memory_space<vmem_shared>> -> memref<10240xf32, #tpu.memory_space<vmem_shared>>
      tpu.enqueue_indirect_dma source(%arg5 : memref<128xf32, #tpu.memory_space<vmem>>) target(%dma_start3A_37 : memref<10240xf32, #tpu.memory_space<vmem_shared>>) offsets(%dma_start3A_35 : memref<128xi32, #tpu.memory_space<vmem>>) semaphore(%arg8 : memref<!tpu.dma_semaphore, #tpu.memory_space<semaphore_mem>>) {add = true}
      %mul3A_38 = arith.constant 8 : i32
      %mul3A_39 = arith.muli %scan3A_28, %mul3A_38 : i32
      %add3A_40 = arith.constant 1 : i32
      %add3A_41 = arith.addi %mul3A_39, %add3A_40 : i32
      %dma_start3A_42 = arith.constant 0 : i32
      %dma_start3A_43 = tpu.memref_slice %arg4[%add3A_41, %dma_start3A_42] : memref<80x128xi32, #tpu.memory_space<vmem>> -> memref<1x128xi32, #tpu.memory_space<vmem>>
      %dma_start3A_44 = tpu.memref_squeeze %dma_start3A_43 : memref<1x128xi32, #tpu.memory_space<vmem>> -> memref<128xi32, #tpu.memory_space<vmem>>
      %dma_start3A_45 = arith.constant 0 : i32
      %dma_start3A_46 = tpu.memref_slice %arg7[%dma_start3A_45] : memref<10240xf32, #tpu.memory_space<vmem_shared>> -> memref<10240xf32, #tpu.memory_space<vmem_shared>>
      tpu.enqueue_indirect_dma source(%arg5 : memref<128xf32, #tpu.memory_space<vmem>>) target(%dma_start3A_46 : memref<10240xf32, #tpu.memory_space<vmem_shared>>) offsets(%dma_start3A_44 : memref<128xi32, #tpu.memory_space<vmem>>) semaphore(%arg8 : memref<!tpu.dma_semaphore, #tpu.memory_space<semaphore_mem>>) {add = true}
      %mul3A_47 = arith.constant 8 : i32
      %mul3A_48 = arith.muli %scan3A_28, %mul3A_47 : i32
      %add3A_49 = arith.constant 2 : i32
      %add3A_50 = arith.addi %mul3A_48, %add3A_49 : i32
      %dma_start3A_51 = arith.constant 0 : i32
      %dma_start3A_52 = tpu.memref_slice %arg4[%add3A_50, %dma_start3A_51] : memref<80x128xi32, #tpu.memory_space<vmem>> -> memref<1x128xi32, #tpu.memory_space<vmem>>
      %dma_start3A_53 = tpu.memref_squeeze %dma_start3A_52 : memref<1x128xi32, #tpu.memory_space<vmem>> -> memref<128xi32, #tpu.memory_space<vmem>>
      %dma_start3A_54 = arith.constant 0 : i32
      %dma_start3A_55 = tpu.memref_slice %arg7[%dma_start3A_54] : memref<10240xf32, #tpu.memory_space<vmem_shared>> -> memref<10240xf32, #tpu.memory_space<vmem_shared>>
      tpu.enqueue_indirect_dma source(%arg5 : memref<128xf32, #tpu.memory_space<vmem>>) target(%dma_start3A_55 : memref<10240xf32, #tpu.memory_space<vmem_shared>>) offsets(%dma_start3A_53 : memref<128xi32, #tpu.memory_space<vmem>>) semaphore(%arg8 : memref<!tpu.dma_semaphore, #tpu.memory_space<semaphore_mem>>) {add = true}
      %mul3A_56 = arith.constant 8 : i32
      %mul3A_57 = arith.muli %scan3A_28, %mul3A_56 : i32
      %add3A_58 = arith.constant 3 : i32
      %add3A_59 = arith.addi %mul3A_57, %add3A_58 : i32
      %dma_start3A_60 = arith.constant 0 : i32
      %dma_start3A_61 = tpu.memref_slice %arg4[%add3A_59, %dma_start3A_60] : memref<80x128xi32, #tpu.memory_space<vmem>> -> memref<1x128xi32, #tpu.memory_space<vmem>>
      %dma_start3A_62 = tpu.memref_squeeze %dma_start3A_61 : memref<1x128xi32, #tpu.memory_space<vmem>> -> memref<128xi32, #tpu.memory_space<vmem>>
      %dma_start3A_63 = arith.constant 0 : i32
      %dma_start3A_64 = tpu.memref_slice %arg7[%dma_start3A_63] : memref<10240xf32, #tpu.memory_space<vmem_shared>> -> memref<10240xf32, #tpu.memory_space<vmem_shared>>
      tpu.enqueue_indirect_dma source(%arg5 : memref<128xf32, #tpu.memory_space<vmem>>) target(%dma_start3A_64 : memref<10240xf32, #tpu.memory_space<vmem_shared>>) offsets(%dma_start3A_62 : memref<128xi32, #tpu.memory_space<vmem>>) semaphore(%arg8 : memref<!tpu.dma_semaphore, #tpu.memory_space<semaphore_mem>>) {add = true}
      %mul3A_65 = arith.constant 8 : i32
      %mul3A_66 = arith.muli %scan3A_28, %mul3A_65 : i32
      %add3A_67 = arith.constant 4 : i32
      %add3A_68 = arith.addi %mul3A_66, %add3A_67 : i32
      %dma_start3A_69 = arith.constant 0 : i32
      %dma_start3A_70 = tpu.memref_slice %arg4[%add3A_68, %dma_start3A_69] : memref<80x128xi32, #tpu.memory_space<vmem>> -> memref<1x128xi32, #tpu.memory_space<vmem>>
      %dma_start3A_71 = tpu.memref_squeeze %dma_start3A_70 : memref<1x128xi32, #tpu.memory_space<vmem>> -> memref<128xi32, #tpu.memory_space<vmem>>
      %dma_start3A_72 = arith.constant 0 : i32
      %dma_start3A_73 = tpu.memref_slice %arg7[%dma_start3A_72] : memref<10240xf32, #tpu.memory_space<vmem_shared>> -> memref<10240xf32, #tpu.memory_space<vmem_shared>>
      tpu.enqueue_indirect_dma source(%arg5 : memref<128xf32, #tpu.memory_space<vmem>>) target(%dma_start3A_73 : memref<10240xf32, #tpu.memory_space<vmem_shared>>) offsets(%dma_start3A_71 : memref<128xi32, #tpu.memory_space<vmem>>) semaphore(%arg8 : memref<!tpu.dma_semaphore, #tpu.memory_space<semaphore_mem>>) {add = true}
      %mul3A_74 = arith.constant 8 : i32
      %mul3A_75 = arith.muli %scan3A_28, %mul3A_74 : i32
      %add3A_76 = arith.constant 5 : i32
      %add3A_77 = arith.addi %mul3A_75, %add3A_76 : i32
      %dma_start3A_78 = arith.constant 0 : i32
      %dma_start3A_79 = tpu.memref_slice %arg4[%add3A_77, %dma_start3A_78] : memref<80x128xi32, #tpu.memory_space<vmem>> -> memref<1x128xi32, #tpu.memory_space<vmem>>
      %dma_start3A_80 = tpu.memref_squeeze %dma_start3A_79 : memref<1x128xi32, #tpu.memory_space<vmem>> -> memref<128xi32, #tpu.memory_space<vmem>>
      %dma_start3A_81 = arith.constant 0 : i32
      %dma_start3A_82 = tpu.memref_slice %arg7[%dma_start3A_81] : memref<10240xf32, #tpu.memory_space<vmem_shared>> -> memref<10240xf32, #tpu.memory_space<vmem_shared>>
      tpu.enqueue_indirect_dma source(%arg5 : memref<128xf32, #tpu.memory_space<vmem>>) target(%dma_start3A_82 : memref<10240xf32, #tpu.memory_space<vmem_shared>>) offsets(%dma_start3A_80 : memref<128xi32, #tpu.memory_space<vmem>>) semaphore(%arg8 : memref<!tpu.dma_semaphore, #tpu.memory_space<semaphore_mem>>) {add = true}
      %mul3A_83 = arith.constant 8 : i32
      %mul3A_84 = arith.muli %scan3A_28, %mul3A_83 : i32
      %add3A_85 = arith.constant 6 : i32
      %add3A_86 = arith.addi %mul3A_84, %add3A_85 : i32
      %dma_start3A_87 = arith.constant 0 : i32
      %dma_start3A_88 = tpu.memref_slice %arg4[%add3A_86, %dma_start3A_87] : memref<80x128xi32, #tpu.memory_space<vmem>> -> memref<1x128xi32, #tpu.memory_space<vmem>>
      %dma_start3A_89 = tpu.memref_squeeze %dma_start3A_88 : memref<1x128xi32, #tpu.memory_space<vmem>> -> memref<128xi32, #tpu.memory_space<vmem>>
      %dma_start3A_90 = arith.constant 0 : i32
      %dma_start3A_91 = tpu.memref_slice %arg7[%dma_start3A_90] : memref<10240xf32, #tpu.memory_space<vmem_shared>> -> memref<10240xf32, #tpu.memory_space<vmem_shared>>
      tpu.enqueue_indirect_dma source(%arg5 : memref<128xf32, #tpu.memory_space<vmem>>) target(%dma_start3A_91 : memref<10240xf32, #tpu.memory_space<vmem_shared>>) offsets(%dma_start3A_89 : memref<128xi32, #tpu.memory_space<vmem>>) semaphore(%arg8 : memref<!tpu.dma_semaphore, #tpu.memory_space<semaphore_mem>>) {add = true}
      %mul3A_92 = arith.constant 8 : i32
      %mul3A_93 = arith.muli %scan3A_28, %mul3A_92 : i32
      %add3A_94 = arith.constant 7 : i32
      %add3A_95 = arith.addi %mul3A_93, %add3A_94 : i32
      %dma_start3A_96 = arith.constant 0 : i32
      %dma_start3A_97 = tpu.memref_slice %arg4[%add3A_95, %dma_start3A_96] : memref<80x128xi32, #tpu.memory_space<vmem>> -> memref<1x128xi32, #tpu.memory_space<vmem>>
      %dma_start3A_98 = tpu.memref_squeeze %dma_start3A_97 : memref<1x128xi32, #tpu.memory_space<vmem>> -> memref<128xi32, #tpu.memory_space<vmem>>
      %dma_start3A_99 = arith.constant 0 : i32
      %dma_start3A_100 = tpu.memref_slice %arg7[%dma_start3A_99] : memref<10240xf32, #tpu.memory_space<vmem_shared>> -> memref<10240xf32, #tpu.memory_space<vmem_shared>>
      tpu.enqueue_indirect_dma source(%arg5 : memref<128xf32, #tpu.memory_space<vmem>>) target(%dma_start3A_100 : memref<10240xf32, #tpu.memory_space<vmem_shared>>) offsets(%dma_start3A_98 : memref<128xi32, #tpu.memory_space<vmem>>) semaphore(%arg8 : memref<!tpu.dma_semaphore, #tpu.memory_space<semaphore_mem>>) {add = true}
      %dma_wait3A = arith.constant 0 : i32
      %dma_wait3A_101 = tpu.memref_slice %arg4[%add3A_33, %dma_wait3A] : memref<80x128xi32, #tpu.memory_space<vmem>> -> memref<1x128xi32, #tpu.memory_space<vmem>>
      %dma_wait3A_102 = tpu.memref_squeeze %dma_wait3A_101 : memref<1x128xi32, #tpu.memory_space<vmem>> -> memref<128xi32, #tpu.memory_space<vmem>>
      %dma_wait3A_103 = arith.constant 0 : i32
      %dma_wait3A_104 = tpu.memref_slice %arg7[%dma_wait3A_103] : memref<10240xf32, #tpu.memory_space<vmem_shared>> -> memref<10240xf32, #tpu.memory_space<vmem_shared>>
      tpu.wait_indirect_dma semaphore(%arg8 : memref<!tpu.dma_semaphore, #tpu.memory_space<semaphore_mem>>) src(%arg5 : memref<128xf32, #tpu.memory_space<vmem>>) dst(%dma_wait3A_104 : memref<10240xf32, #tpu.memory_space<vmem_shared>>)
      %dma_wait3A_105 = arith.constant 0 : i32
      %dma_wait3A_106 = tpu.memref_slice %arg4[%add3A_41, %dma_wait3A_105] : memref<80x128xi32, #tpu.memory_space<vmem>> -> memref<1x128xi32, #tpu.memory_space<vmem>>
      %dma_wait3A_107 = tpu.memref_squeeze %dma_wait3A_106 : memref<1x128xi32, #tpu.memory_space<vmem>> -> memref<128xi32, #tpu.memory_space<vmem>>
      %dma_wait3A_108 = arith.constant 0 : i32
      %dma_wait3A_109 = tpu.memref_slice %arg7[%dma_wait3A_108] : memref<10240xf32, #tpu.memory_space<vmem_shared>> -> memref<10240xf32, #tpu.memory_space<vmem_shared>>
      tpu.wait_indirect_dma semaphore(%arg8 : memref<!tpu.dma_semaphore, #tpu.memory_space<semaphore_mem>>) src(%arg5 : memref<128xf32, #tpu.memory_space<vmem>>) dst(%dma_wait3A_109 : memref<10240xf32, #tpu.memory_space<vmem_shared>>)
      %dma_wait3A_110 = arith.constant 0 : i32
      %dma_wait3A_111 = tpu.memref_slice %arg4[%add3A_50, %dma_wait3A_110] : memref<80x128xi32, #tpu.memory_space<vmem>> -> memref<1x128xi32, #tpu.memory_space<vmem>>
      %dma_wait3A_112 = tpu.memref_squeeze %dma_wait3A_111 : memref<1x128xi32, #tpu.memory_space<vmem>> -> memref<128xi32, #tpu.memory_space<vmem>>
      %dma_wait3A_113 = arith.constant 0 : i32
      %dma_wait3A_114 = tpu.memref_slice %arg7[%dma_wait3A_113] : memref<10240xf32, #tpu.memory_space<vmem_shared>> -> memref<10240xf32, #tpu.memory_space<vmem_shared>>
      tpu.wait_indirect_dma semaphore(%arg8 : memref<!tpu.dma_semaphore, #tpu.memory_space<semaphore_mem>>) src(%arg5 : memref<128xf32, #tpu.memory_space<vmem>>) dst(%dma_wait3A_114 : memref<10240xf32, #tpu.memory_space<vmem_shared>>)
      %dma_wait3A_115 = arith.constant 0 : i32
      %dma_wait3A_116 = tpu.memref_slice %arg4[%add3A_59, %dma_wait3A_115] : memref<80x128xi32, #tpu.memory_space<vmem>> -> memref<1x128xi32, #tpu.memory_space<vmem>>
      %dma_wait3A_117 = tpu.memref_squeeze %dma_wait3A_116 : memref<1x128xi32, #tpu.memory_space<vmem>> -> memref<128xi32, #tpu.memory_space<vmem>>
      %dma_wait3A_118 = arith.constant 0 : i32
      %dma_wait3A_119 = tpu.memref_slice %arg7[%dma_wait3A_118] : memref<10240xf32, #tpu.memory_space<vmem_shared>> -> memref<10240xf32, #tpu.memory_space<vmem_shared>>
      tpu.wait_indirect_dma semaphore(%arg8 : memref<!tpu.dma_semaphore, #tpu.memory_space<semaphore_mem>>) src(%arg5 : memref<128xf32, #tpu.memory_space<vmem>>) dst(%dma_wait3A_119 : memref<10240xf32, #tpu.memory_space<vmem_shared>>)
      %dma_wait3A_120 = arith.constant 0 : i32
      %dma_wait3A_121 = tpu.memref_slice %arg4[%add3A_68, %dma_wait3A_120] : memref<80x128xi32, #tpu.memory_space<vmem>> -> memref<1x128xi32, #tpu.memory_space<vmem>>
      %dma_wait3A_122 = tpu.memref_squeeze %dma_wait3A_121 : memref<1x128xi32, #tpu.memory_space<vmem>> -> memref<128xi32, #tpu.memory_space<vmem>>
      %dma_wait3A_123 = arith.constant 0 : i32
      %dma_wait3A_124 = tpu.memref_slice %arg7[%dma_wait3A_123] : memref<10240xf32, #tpu.memory_space<vmem_shared>> -> memref<10240xf32, #tpu.memory_space<vmem_shared>>
      tpu.wait_indirect_dma semaphore(%arg8 : memref<!tpu.dma_semaphore, #tpu.memory_space<semaphore_mem>>) src(%arg5 : memref<128xf32, #tpu.memory_space<vmem>>) dst(%dma_wait3A_124 : memref<10240xf32, #tpu.memory_space<vmem_shared>>)
      %dma_wait3A_125 = arith.constant 0 : i32
      %dma_wait3A_126 = tpu.memref_slice %arg4[%add3A_77, %dma_wait3A_125] : memref<80x128xi32, #tpu.memory_space<vmem>> -> memref<1x128xi32, #tpu.memory_space<vmem>>
      %dma_wait3A_127 = tpu.memref_squeeze %dma_wait3A_126 : memref<1x128xi32, #tpu.memory_space<vmem>> -> memref<128xi32, #tpu.memory_space<vmem>>
      %dma_wait3A_128 = arith.constant 0 : i32
      %dma_wait3A_129 = tpu.memref_slice %arg7[%dma_wait3A_128] : memref<10240xf32, #tpu.memory_space<vmem_shared>> -> memref<10240xf32, #tpu.memory_space<vmem_shared>>
      tpu.wait_indirect_dma semaphore(%arg8 : memref<!tpu.dma_semaphore, #tpu.memory_space<semaphore_mem>>) src(%arg5 : memref<128xf32, #tpu.memory_space<vmem>>) dst(%dma_wait3A_129 : memref<10240xf32, #tpu.memory_space<vmem_shared>>)
      %dma_wait3A_130 = arith.constant 0 : i32
      %dma_wait3A_131 = tpu.memref_slice %arg4[%add3A_86, %dma_wait3A_130] : memref<80x128xi32, #tpu.memory_space<vmem>> -> memref<1x128xi32, #tpu.memory_space<vmem>>
      %dma_wait3A_132 = tpu.memref_squeeze %dma_wait3A_131 : memref<1x128xi32, #tpu.memory_space<vmem>> -> memref<128xi32, #tpu.memory_space<vmem>>
      %dma_wait3A_133 = arith.constant 0 : i32
      %dma_wait3A_134 = tpu.memref_slice %arg7[%dma_wait3A_133] : memref<10240xf32, #tpu.memory_space<vmem_shared>> -> memref<10240xf32, #tpu.memory_space<vmem_shared>>
      tpu.wait_indirect_dma semaphore(%arg8 : memref<!tpu.dma_semaphore, #tpu.memory_space<semaphore_mem>>) src(%arg5 : memref<128xf32, #tpu.memory_space<vmem>>) dst(%dma_wait3A_134 : memref<10240xf32, #tpu.memory_space<vmem_shared>>)
      %dma_wait3A_135 = arith.constant 0 : i32
      %dma_wait3A_136 = tpu.memref_slice %arg4[%add3A_95, %dma_wait3A_135] : memref<80x128xi32, #tpu.memory_space<vmem>> -> memref<1x128xi32, #tpu.memory_space<vmem>>
      %dma_wait3A_137 = tpu.memref_squeeze %dma_wait3A_136 : memref<1x128xi32, #tpu.memory_space<vmem>> -> memref<128xi32, #tpu.memory_space<vmem>>
      %dma_wait3A_138 = arith.constant 0 : i32
      %dma_wait3A_139 = tpu.memref_slice %arg7[%dma_wait3A_138] : memref<10240xf32, #tpu.memory_space<vmem_shared>> -> memref<10240xf32, #tpu.memory_space<vmem_shared>>
      tpu.wait_indirect_dma semaphore(%arg8 : memref<!tpu.dma_semaphore, #tpu.memory_space<semaphore_mem>>) src(%arg5 : memref<128xf32, #tpu.memory_space<vmem>>) dst(%dma_wait3A_139 : memref<10240xf32, #tpu.memory_space<vmem_shared>>)
      %scan3A_140 = arith.constant 0 : i32
      scf.yield %scan3A_140 : i32
    }
    %scan3A_22 = arith.constant 10 : i32
    %barrier3A_23 = arith.constant 0 : index
    tpu.barrier barrier_id(%barrier3A_23)
    %mul3A_24 = arith.constant 640 : i32
    %mul3A_25 = arith.muli %arg1, %mul3A_24 : i32
    %mul3A_26 = arith.constant 640 : i32
    %mul3A_27 = arith.muli %arg1, %mul3A_26 : i32
    "tpu.region"() ({
      %run_scoped3A = tpu.sem_alloc : memref<!tpu.dma_semaphore, #tpu.memory_space<semaphore_mem>>
      %dma_start3A = tpu.memref_slice %arg3[%arg0, %mul3A_27] : memref<2x10240xf32, #tpu.memory_space<hbm>> -> memref<1x640xf32, #tpu.memory_space<hbm>>
      %dma_start3A_28 = tpu.memref_squeeze %dma_start3A : memref<1x640xf32, #tpu.memory_space<hbm>> -> memref<640xf32, #tpu.memory_space<hbm>>
      %dma_start3A_29 = tpu.memref_slice %arg7[%mul3A_25] : memref<10240xf32, #tpu.memory_space<vmem_shared>> -> memref<640xf32, #tpu.memory_space<vmem_shared>>
      tpu.enqueue_dma source(%dma_start3A_29 : memref<640xf32, #tpu.memory_space<vmem_shared>>) target(%dma_start3A_28 : memref<640xf32, #tpu.memory_space<hbm>>) target_semaphore(%run_scoped3A : memref<!tpu.dma_semaphore, #tpu.memory_space<semaphore_mem>>)
      %dma_wait3A = tpu.memref_slice %arg3[%arg0, %mul3A_27] : memref<2x10240xf32, #tpu.memory_space<hbm>> -> memref<1x640xf32, #tpu.memory_space<hbm>>
      %dma_wait3A_30 = tpu.memref_squeeze %dma_wait3A : memref<1x640xf32, #tpu.memory_space<hbm>> -> memref<640xf32, #tpu.memory_space<hbm>>
      %dma_wait3A_31 = tpu.memref_slice %arg7[%mul3A_25] : memref<10240xf32, #tpu.memory_space<vmem_shared>> -> memref<640xf32, #tpu.memory_space<vmem_shared>>
      tpu.wait_dma2 semaphore(%run_scoped3A : memref<!tpu.dma_semaphore, #tpu.memory_space<semaphore_mem>>) src(%dma_wait3A_31 : memref<640xf32, #tpu.memory_space<vmem_shared>>) dst(%dma_wait3A_30 : memref<640xf32, #tpu.memory_space<hbm>>)
      tpu.yield
    }) : () -> ()
    return
  }
}

#map = affine_map<(d0, d1) -> (0, 0)>
#map1 = affine_map<(d0, d1) -> (0, 0, 0)>
module attributes {stable_mosaic.version = 14 : i64} {
  func.func @_sc_agg_body(%arg0: i32, %arg1: i32, %arg2: memref<10240x128xf32, #tpu.memory_space<hbm>>, %arg3: memref<32x80x128xi32, #tpu.memory_space<hbm>>, %arg4: memref<32x80x128xi32, #tpu.memory_space<hbm>>, %arg5: memref<128x128xf32, #tpu.memory_space<hbm>>, %arg6: memref<2x10240x128xf32, #tpu.memory_space<hbm>>, %arg7: memref<3x8x128xi32, #tpu.memory_space<vmem>>, %arg8: memref<3x8x128xi32, #tpu.memory_space<vmem>>, %arg9: memref<128x128xf32, #tpu.memory_space<vmem>>, %arg10: memref<128x128xf32, #tpu.memory_space<vmem>>, %arg11: memref<10240x128xf32, #tpu.memory_space<vmem_shared>>, %arg12: memref<!tpu.dma_semaphore, #tpu.memory_space<semaphore_mem>>, %arg13: memref<!tpu.dma_semaphore, #tpu.memory_space<semaphore_mem>>) attributes {dimension_semantics = [#tpu.dimension_semantics<core_parallel>, #tpu.dimension_semantics<subcore_parallel>], iteration_bounds = array<i64: 2, 16>, scalar_prefetch = 0 : i64, scratch_operands = 7 : i64, tpu.core_type = #tpu.core_type<sc_vector_subcore>, window_params = [{transform_indices = #map}, {transform_indices = #map1}, {transform_indices = #map1}, {transform_indices = #map}, {transform_indices = #map1}]} {
    %mul3A = arith.constant 16 : i32
    %mul3A_0 = arith.muli %arg0, %mul3A : i32
    %add3A = arith.addi %mul3A_0, %arg1 : i32
    %run_scoped3A = arith.constant 0 : i32
    "tpu.region"() ({
      %run_scoped3A_127 = tpu.sem_alloc : memref<!tpu.dma_semaphore, #tpu.memory_space<semaphore_mem>>
      %dma_start3A_128 = arith.constant 0 : i32
      %dma_start3A_129 = arith.constant 0 : i32
      %dma_start3A_130 = tpu.memref_slice %arg7[%run_scoped3A, %dma_start3A_128, %dma_start3A_129] : memref<3x8x128xi32, #tpu.memory_space<vmem>> -> memref<1x8x128xi32, #tpu.memory_space<vmem>>
      %dma_start3A_131 = tpu.memref_squeeze %dma_start3A_130 : memref<1x8x128xi32, #tpu.memory_space<vmem>> -> memref<8x128xi32, #tpu.memory_space<vmem>>
      %dma_start3A_132 = arith.constant 0 : i32
      %dma_start3A_133 = arith.constant 0 : i32
      %dma_start3A_134 = tpu.memref_slice %arg3[%add3A, %dma_start3A_132, %dma_start3A_133] : memref<32x80x128xi32, #tpu.memory_space<hbm>> -> memref<1x8x128xi32, #tpu.memory_space<hbm>>
      %dma_start3A_135 = tpu.memref_squeeze %dma_start3A_134 : memref<1x8x128xi32, #tpu.memory_space<hbm>> -> memref<8x128xi32, #tpu.memory_space<hbm>>
      %dma_start3A_136 = arith.constant 0 : i32
      %dma_start3A_137 = arith.constant 0 : i32
      %dma_start3A_138 = tpu.memref_slice %arg7[%run_scoped3A, %dma_start3A_136, %dma_start3A_137] : memref<3x8x128xi32, #tpu.memory_space<vmem>> -> memref<1x8x128xi32, #tpu.memory_space<vmem>>
      %dma_start3A_139 = tpu.memref_squeeze %dma_start3A_138 : memref<1x8x128xi32, #tpu.memory_space<vmem>> -> memref<8x128xi32, #tpu.memory_space<vmem>>
      %dma_start3A_140 = arith.constant 0 : i32
      %dma_start3A_141 = arith.constant 0 : i32
      %dma_start3A_142 = tpu.memref_slice %arg3[%add3A, %dma_start3A_140, %dma_start3A_141] : memref<32x80x128xi32, #tpu.memory_space<hbm>> -> memref<1x8x128xi32, #tpu.memory_space<hbm>>
      %dma_start3A_143 = tpu.memref_squeeze %dma_start3A_142 : memref<1x8x128xi32, #tpu.memory_space<hbm>> -> memref<8x128xi32, #tpu.memory_space<hbm>>
      tpu.enqueue_dma source(%dma_start3A_143 : memref<8x128xi32, #tpu.memory_space<hbm>>) target(%dma_start3A_139 : memref<8x128xi32, #tpu.memory_space<vmem>>) target_semaphore(%run_scoped3A_127 : memref<!tpu.dma_semaphore, #tpu.memory_space<semaphore_mem>>)
      %dma_wait3A_144 = arith.constant 0 : i32
      %dma_wait3A_145 = arith.constant 0 : i32
      %dma_wait3A_146 = tpu.memref_slice %arg7[%run_scoped3A, %dma_wait3A_144, %dma_wait3A_145] : memref<3x8x128xi32, #tpu.memory_space<vmem>> -> memref<1x8x128xi32, #tpu.memory_space<vmem>>
      %dma_wait3A_147 = tpu.memref_squeeze %dma_wait3A_146 : memref<1x8x128xi32, #tpu.memory_space<vmem>> -> memref<8x128xi32, #tpu.memory_space<vmem>>
      %dma_wait3A_148 = arith.constant 0 : i32
      %dma_wait3A_149 = arith.constant 0 : i32
      %dma_wait3A_150 = tpu.memref_slice %arg3[%add3A, %dma_wait3A_148, %dma_wait3A_149] : memref<32x80x128xi32, #tpu.memory_space<hbm>> -> memref<1x8x128xi32, #tpu.memory_space<hbm>>
      %dma_wait3A_151 = tpu.memref_squeeze %dma_wait3A_150 : memref<1x8x128xi32, #tpu.memory_space<hbm>> -> memref<8x128xi32, #tpu.memory_space<hbm>>
      %dma_wait3A_152 = arith.constant 0 : i32
      %dma_wait3A_153 = arith.constant 0 : i32
      %dma_wait3A_154 = tpu.memref_slice %arg7[%run_scoped3A, %dma_wait3A_152, %dma_wait3A_153] : memref<3x8x128xi32, #tpu.memory_space<vmem>> -> memref<1x8x128xi32, #tpu.memory_space<vmem>>
      %dma_wait3A_155 = tpu.memref_squeeze %dma_wait3A_154 : memref<1x8x128xi32, #tpu.memory_space<vmem>> -> memref<8x128xi32, #tpu.memory_space<vmem>>
      %dma_wait3A_156 = arith.constant 0 : i32
      %dma_wait3A_157 = arith.constant 0 : i32
      %dma_wait3A_158 = tpu.memref_slice %arg3[%add3A, %dma_wait3A_156, %dma_wait3A_157] : memref<32x80x128xi32, #tpu.memory_space<hbm>> -> memref<1x8x128xi32, #tpu.memory_space<hbm>>
      %dma_wait3A_159 = tpu.memref_squeeze %dma_wait3A_158 : memref<1x8x128xi32, #tpu.memory_space<hbm>> -> memref<8x128xi32, #tpu.memory_space<hbm>>
      tpu.wait_dma2 semaphore(%run_scoped3A_127 : memref<!tpu.dma_semaphore, #tpu.memory_space<semaphore_mem>>) src(%dma_wait3A_159 : memref<8x128xi32, #tpu.memory_space<hbm>>) dst(%dma_wait3A_155 : memref<8x128xi32, #tpu.memory_space<vmem>>)
      tpu.yield
    }) : () -> ()
    %run_scoped3A_1 = arith.constant 0 : i32
    "tpu.region"() ({
      %run_scoped3A_127 = tpu.sem_alloc : memref<!tpu.dma_semaphore, #tpu.memory_space<semaphore_mem>>
      %dma_start3A_128 = arith.constant 0 : i32
      %dma_start3A_129 = arith.constant 0 : i32
      %dma_start3A_130 = tpu.memref_slice %arg8[%run_scoped3A_1, %dma_start3A_128, %dma_start3A_129] : memref<3x8x128xi32, #tpu.memory_space<vmem>> -> memref<1x8x128xi32, #tpu.memory_space<vmem>>
      %dma_start3A_131 = tpu.memref_squeeze %dma_start3A_130 : memref<1x8x128xi32, #tpu.memory_space<vmem>> -> memref<8x128xi32, #tpu.memory_space<vmem>>
      %dma_start3A_132 = arith.constant 0 : i32
      %dma_start3A_133 = arith.constant 0 : i32
      %dma_start3A_134 = tpu.memref_slice %arg4[%add3A, %dma_start3A_132, %dma_start3A_133] : memref<32x80x128xi32, #tpu.memory_space<hbm>> -> memref<1x8x128xi32, #tpu.memory_space<hbm>>
      %dma_start3A_135 = tpu.memref_squeeze %dma_start3A_134 : memref<1x8x128xi32, #tpu.memory_space<hbm>> -> memref<8x128xi32, #tpu.memory_space<hbm>>
      %dma_start3A_136 = arith.constant 0 : i32
      %dma_start3A_137 = arith.constant 0 : i32
      %dma_start3A_138 = tpu.memref_slice %arg8[%run_scoped3A_1, %dma_start3A_136, %dma_start3A_137] : memref<3x8x128xi32, #tpu.memory_space<vmem>> -> memref<1x8x128xi32, #tpu.memory_space<vmem>>
      %dma_start3A_139 = tpu.memref_squeeze %dma_start3A_138 : memref<1x8x128xi32, #tpu.memory_space<vmem>> -> memref<8x128xi32, #tpu.memory_space<vmem>>
      %dma_start3A_140 = arith.constant 0 : i32
      %dma_start3A_141 = arith.constant 0 : i32
      %dma_start3A_142 = tpu.memref_slice %arg4[%add3A, %dma_start3A_140, %dma_start3A_141] : memref<32x80x128xi32, #tpu.memory_space<hbm>> -> memref<1x8x128xi32, #tpu.memory_space<hbm>>
      %dma_start3A_143 = tpu.memref_squeeze %dma_start3A_142 : memref<1x8x128xi32, #tpu.memory_space<hbm>> -> memref<8x128xi32, #tpu.memory_space<hbm>>
      tpu.enqueue_dma source(%dma_start3A_143 : memref<8x128xi32, #tpu.memory_space<hbm>>) target(%dma_start3A_139 : memref<8x128xi32, #tpu.memory_space<vmem>>) target_semaphore(%run_scoped3A_127 : memref<!tpu.dma_semaphore, #tpu.memory_space<semaphore_mem>>)
      %dma_wait3A_144 = arith.constant 0 : i32
      %dma_wait3A_145 = arith.constant 0 : i32
      %dma_wait3A_146 = tpu.memref_slice %arg8[%run_scoped3A_1, %dma_wait3A_144, %dma_wait3A_145] : memref<3x8x128xi32, #tpu.memory_space<vmem>> -> memref<1x8x128xi32, #tpu.memory_space<vmem>>
      %dma_wait3A_147 = tpu.memref_squeeze %dma_wait3A_146 : memref<1x8x128xi32, #tpu.memory_space<vmem>> -> memref<8x128xi32, #tpu.memory_space<vmem>>
      %dma_wait3A_148 = arith.constant 0 : i32
      %dma_wait3A_149 = arith.constant 0 : i32
      %dma_wait3A_150 = tpu.memref_slice %arg4[%add3A, %dma_wait3A_148, %dma_wait3A_149] : memref<32x80x128xi32, #tpu.memory_space<hbm>> -> memref<1x8x128xi32, #tpu.memory_space<hbm>>
      %dma_wait3A_151 = tpu.memref_squeeze %dma_wait3A_150 : memref<1x8x128xi32, #tpu.memory_space<hbm>> -> memref<8x128xi32, #tpu.memory_space<hbm>>
      %dma_wait3A_152 = arith.constant 0 : i32
      %dma_wait3A_153 = arith.constant 0 : i32
      %dma_wait3A_154 = tpu.memref_slice %arg8[%run_scoped3A_1, %dma_wait3A_152, %dma_wait3A_153] : memref<3x8x128xi32, #tpu.memory_space<vmem>> -> memref<1x8x128xi32, #tpu.memory_space<vmem>>
      %dma_wait3A_155 = tpu.memref_squeeze %dma_wait3A_154 : memref<1x8x128xi32, #tpu.memory_space<vmem>> -> memref<8x128xi32, #tpu.memory_space<vmem>>
      %dma_wait3A_156 = arith.constant 0 : i32
      %dma_wait3A_157 = arith.constant 0 : i32
      %dma_wait3A_158 = tpu.memref_slice %arg4[%add3A, %dma_wait3A_156, %dma_wait3A_157] : memref<32x80x128xi32, #tpu.memory_space<hbm>> -> memref<1x8x128xi32, #tpu.memory_space<hbm>>
      %dma_wait3A_159 = tpu.memref_squeeze %dma_wait3A_158 : memref<1x8x128xi32, #tpu.memory_space<hbm>> -> memref<8x128xi32, #tpu.memory_space<hbm>>
      tpu.wait_dma2 semaphore(%run_scoped3A_127 : memref<!tpu.dma_semaphore, #tpu.memory_space<semaphore_mem>>) src(%dma_wait3A_159 : memref<8x128xi32, #tpu.memory_space<hbm>>) dst(%dma_wait3A_155 : memref<8x128xi32, #tpu.memory_space<vmem>>)
      tpu.yield
    }) : () -> ()
    %dma_start3A = arith.constant 1 : i32
    %dma_start3A_2 = arith.constant 0 : i32
    %dma_start3A_3 = arith.constant 0 : i32
    %dma_start3A_4 = tpu.memref_slice %arg7[%dma_start3A, %dma_start3A_2, %dma_start3A_3] : memref<3x8x128xi32, #tpu.memory_space<vmem>> -> memref<1x8x128xi32, #tpu.memory_space<vmem>>
    %dma_start3A_5 = tpu.memref_squeeze %dma_start3A_4 : memref<1x8x128xi32, #tpu.memory_space<vmem>> -> memref<8x128xi32, #tpu.memory_space<vmem>>
    %dma_start3A_6 = arith.constant 8 : i32
    %dma_start3A_7 = arith.constant 0 : i32
    %dma_start3A_8 = tpu.memref_slice %arg3[%add3A, %dma_start3A_6, %dma_start3A_7] : memref<32x80x128xi32, #tpu.memory_space<hbm>> -> memref<1x8x128xi32, #tpu.memory_space<hbm>>
    %dma_start3A_9 = tpu.memref_squeeze %dma_start3A_8 : memref<1x8x128xi32, #tpu.memory_space<hbm>> -> memref<8x128xi32, #tpu.memory_space<hbm>>
    %dma_start3A_10 = arith.constant 0 : i32
    %dma_start3A_11 = arith.constant 0 : i32
    %dma_start3A_12 = tpu.memref_slice %arg7[%dma_start3A, %dma_start3A_10, %dma_start3A_11] : memref<3x8x128xi32, #tpu.memory_space<vmem>> -> memref<1x8x128xi32, #tpu.memory_space<vmem>>
    %dma_start3A_13 = tpu.memref_squeeze %dma_start3A_12 : memref<1x8x128xi32, #tpu.memory_space<vmem>> -> memref<8x128xi32, #tpu.memory_space<vmem>>
    %dma_start3A_14 = arith.constant 8 : i32
    %dma_start3A_15 = arith.constant 0 : i32
    %dma_start3A_16 = tpu.memref_slice %arg3[%add3A, %dma_start3A_14, %dma_start3A_15] : memref<32x80x128xi32, #tpu.memory_space<hbm>> -> memref<1x8x128xi32, #tpu.memory_space<hbm>>
    %dma_start3A_17 = tpu.memref_squeeze %dma_start3A_16 : memref<1x8x128xi32, #tpu.memory_space<hbm>> -> memref<8x128xi32, #tpu.memory_space<hbm>>
    tpu.enqueue_dma source(%dma_start3A_17 : memref<8x128xi32, #tpu.memory_space<hbm>>) target(%dma_start3A_13 : memref<8x128xi32, #tpu.memory_space<vmem>>) target_semaphore(%arg13 : memref<!tpu.dma_semaphore, #tpu.memory_space<semaphore_mem>>)
    %dma_start3A_18 = arith.constant 1 : i32
    %dma_start3A_19 = arith.constant 0 : i32
    %dma_start3A_20 = arith.constant 0 : i32
    %dma_start3A_21 = tpu.memref_slice %arg8[%dma_start3A_18, %dma_start3A_19, %dma_start3A_20] : memref<3x8x128xi32, #tpu.memory_space<vmem>> -> memref<1x8x128xi32, #tpu.memory_space<vmem>>
    %dma_start3A_22 = tpu.memref_squeeze %dma_start3A_21 : memref<1x8x128xi32, #tpu.memory_space<vmem>> -> memref<8x128xi32, #tpu.memory_space<vmem>>
    %dma_start3A_23 = arith.constant 8 : i32
    %dma_start3A_24 = arith.constant 0 : i32
    %dma_start3A_25 = tpu.memref_slice %arg4[%add3A, %dma_start3A_23, %dma_start3A_24] : memref<32x80x128xi32, #tpu.memory_space<hbm>> -> memref<1x8x128xi32, #tpu.memory_space<hbm>>
    %dma_start3A_26 = tpu.memref_squeeze %dma_start3A_25 : memref<1x8x128xi32, #tpu.memory_space<hbm>> -> memref<8x128xi32, #tpu.memory_space<hbm>>
    %dma_start3A_27 = arith.constant 0 : i32
    %dma_start3A_28 = arith.constant 0 : i32
    %dma_start3A_29 = tpu.memref_slice %arg8[%dma_start3A_18, %dma_start3A_27, %dma_start3A_28] : memref<3x8x128xi32, #tpu.memory_space<vmem>> -> memref<1x8x128xi32, #tpu.memory_space<vmem>>
    %dma_start3A_30 = tpu.memref_squeeze %dma_start3A_29 : memref<1x8x128xi32, #tpu.memory_space<vmem>> -> memref<8x128xi32, #tpu.memory_space<vmem>>
    %dma_start3A_31 = arith.constant 8 : i32
    %dma_start3A_32 = arith.constant 0 : i32
    %dma_start3A_33 = tpu.memref_slice %arg4[%add3A, %dma_start3A_31, %dma_start3A_32] : memref<32x80x128xi32, #tpu.memory_space<hbm>> -> memref<1x8x128xi32, #tpu.memory_space<hbm>>
    %dma_start3A_34 = tpu.memref_squeeze %dma_start3A_33 : memref<1x8x128xi32, #tpu.memory_space<hbm>> -> memref<8x128xi32, #tpu.memory_space<hbm>>
    tpu.enqueue_dma source(%dma_start3A_34 : memref<8x128xi32, #tpu.memory_space<hbm>>) target(%dma_start3A_30 : memref<8x128xi32, #tpu.memory_space<vmem>>) target_semaphore(%arg13 : memref<!tpu.dma_semaphore, #tpu.memory_space<semaphore_mem>>)
    %dma_start3A_35 = arith.constant 2 : i32
    %dma_start3A_36 = arith.constant 0 : i32
    %dma_start3A_37 = arith.constant 0 : i32
    %dma_start3A_38 = tpu.memref_slice %arg7[%dma_start3A_35, %dma_start3A_36, %dma_start3A_37] : memref<3x8x128xi32, #tpu.memory_space<vmem>> -> memref<1x8x128xi32, #tpu.memory_space<vmem>>
    %dma_start3A_39 = tpu.memref_squeeze %dma_start3A_38 : memref<1x8x128xi32, #tpu.memory_space<vmem>> -> memref<8x128xi32, #tpu.memory_space<vmem>>
    %dma_start3A_40 = arith.constant 16 : i32
    %dma_start3A_41 = arith.constant 0 : i32
    %dma_start3A_42 = tpu.memref_slice %arg3[%add3A, %dma_start3A_40, %dma_start3A_41] : memref<32x80x128xi32, #tpu.memory_space<hbm>> -> memref<1x8x128xi32, #tpu.memory_space<hbm>>
    %dma_start3A_43 = tpu.memref_squeeze %dma_start3A_42 : memref<1x8x128xi32, #tpu.memory_space<hbm>> -> memref<8x128xi32, #tpu.memory_space<hbm>>
    %dma_start3A_44 = arith.constant 0 : i32
    %dma_start3A_45 = arith.constant 0 : i32
    %dma_start3A_46 = tpu.memref_slice %arg7[%dma_start3A_35, %dma_start3A_44, %dma_start3A_45] : memref<3x8x128xi32, #tpu.memory_space<vmem>> -> memref<1x8x128xi32, #tpu.memory_space<vmem>>
    %dma_start3A_47 = tpu.memref_squeeze %dma_start3A_46 : memref<1x8x128xi32, #tpu.memory_space<vmem>> -> memref<8x128xi32, #tpu.memory_space<vmem>>
    %dma_start3A_48 = arith.constant 16 : i32
    %dma_start3A_49 = arith.constant 0 : i32
    %dma_start3A_50 = tpu.memref_slice %arg3[%add3A, %dma_start3A_48, %dma_start3A_49] : memref<32x80x128xi32, #tpu.memory_space<hbm>> -> memref<1x8x128xi32, #tpu.memory_space<hbm>>
    %dma_start3A_51 = tpu.memref_squeeze %dma_start3A_50 : memref<1x8x128xi32, #tpu.memory_space<hbm>> -> memref<8x128xi32, #tpu.memory_space<hbm>>
    tpu.enqueue_dma source(%dma_start3A_51 : memref<8x128xi32, #tpu.memory_space<hbm>>) target(%dma_start3A_47 : memref<8x128xi32, #tpu.memory_space<vmem>>) target_semaphore(%arg13 : memref<!tpu.dma_semaphore, #tpu.memory_space<semaphore_mem>>)
    %dma_start3A_52 = arith.constant 2 : i32
    %dma_start3A_53 = arith.constant 0 : i32
    %dma_start3A_54 = arith.constant 0 : i32
    %dma_start3A_55 = tpu.memref_slice %arg8[%dma_start3A_52, %dma_start3A_53, %dma_start3A_54] : memref<3x8x128xi32, #tpu.memory_space<vmem>> -> memref<1x8x128xi32, #tpu.memory_space<vmem>>
    %dma_start3A_56 = tpu.memref_squeeze %dma_start3A_55 : memref<1x8x128xi32, #tpu.memory_space<vmem>> -> memref<8x128xi32, #tpu.memory_space<vmem>>
    %dma_start3A_57 = arith.constant 16 : i32
    %dma_start3A_58 = arith.constant 0 : i32
    %dma_start3A_59 = tpu.memref_slice %arg4[%add3A, %dma_start3A_57, %dma_start3A_58] : memref<32x80x128xi32, #tpu.memory_space<hbm>> -> memref<1x8x128xi32, #tpu.memory_space<hbm>>
    %dma_start3A_60 = tpu.memref_squeeze %dma_start3A_59 : memref<1x8x128xi32, #tpu.memory_space<hbm>> -> memref<8x128xi32, #tpu.memory_space<hbm>>
    %dma_start3A_61 = arith.constant 0 : i32
    %dma_start3A_62 = arith.constant 0 : i32
    %dma_start3A_63 = tpu.memref_slice %arg8[%dma_start3A_52, %dma_start3A_61, %dma_start3A_62] : memref<3x8x128xi32, #tpu.memory_space<vmem>> -> memref<1x8x128xi32, #tpu.memory_space<vmem>>
    %dma_start3A_64 = tpu.memref_squeeze %dma_start3A_63 : memref<1x8x128xi32, #tpu.memory_space<vmem>> -> memref<8x128xi32, #tpu.memory_space<vmem>>
    %dma_start3A_65 = arith.constant 16 : i32
    %dma_start3A_66 = arith.constant 0 : i32
    %dma_start3A_67 = tpu.memref_slice %arg4[%add3A, %dma_start3A_65, %dma_start3A_66] : memref<32x80x128xi32, #tpu.memory_space<hbm>> -> memref<1x8x128xi32, #tpu.memory_space<hbm>>
    %dma_start3A_68 = tpu.memref_squeeze %dma_start3A_67 : memref<1x8x128xi32, #tpu.memory_space<hbm>> -> memref<8x128xi32, #tpu.memory_space<hbm>>
    tpu.enqueue_dma source(%dma_start3A_68 : memref<8x128xi32, #tpu.memory_space<hbm>>) target(%dma_start3A_64 : memref<8x128xi32, #tpu.memory_space<vmem>>) target_semaphore(%arg13 : memref<!tpu.dma_semaphore, #tpu.memory_space<semaphore_mem>>)
    %mul3A_69 = arith.constant 640 : i32
    %mul3A_70 = arith.muli %arg1, %mul3A_69 : i32
    %add3A_71 = arith.constant 0 : i32
    %add3A_72 = arith.addi %mul3A_70, %add3A_71 : i32
    %dma_start3A_73 = arith.constant 0 : i32
    %dma_start3A_74 = tpu.memref_slice %arg11[%add3A_72, %dma_start3A_73] : memref<10240x128xf32, #tpu.memory_space<vmem_shared>> -> memref<128x128xf32, #tpu.memory_space<vmem_shared>>
    tpu.enqueue_dma source(%arg5 : memref<128x128xf32, #tpu.memory_space<hbm>>) target(%dma_start3A_74 : memref<128x128xf32, #tpu.memory_space<vmem_shared>>) target_semaphore(%arg12 : memref<!tpu.dma_semaphore, #tpu.memory_space<semaphore_mem>>)
    %mul3A_75 = arith.constant 640 : i32
    %mul3A_76 = arith.muli %arg1, %mul3A_75 : i32
    %add3A_77 = arith.constant 128 : i32
    %add3A_78 = arith.addi %mul3A_76, %add3A_77 : i32
    %dma_start3A_79 = arith.constant 0 : i32
    %dma_start3A_80 = tpu.memref_slice %arg11[%add3A_78, %dma_start3A_79] : memref<10240x128xf32, #tpu.memory_space<vmem_shared>> -> memref<128x128xf32, #tpu.memory_space<vmem_shared>>
    tpu.enqueue_dma source(%arg5 : memref<128x128xf32, #tpu.memory_space<hbm>>) target(%dma_start3A_80 : memref<128x128xf32, #tpu.memory_space<vmem_shared>>) target_semaphore(%arg12 : memref<!tpu.dma_semaphore, #tpu.memory_space<semaphore_mem>>)
    %mul3A_81 = arith.constant 640 : i32
    %mul3A_82 = arith.muli %arg1, %mul3A_81 : i32
    %add3A_83 = arith.constant 256 : i32
    %add3A_84 = arith.addi %mul3A_82, %add3A_83 : i32
    %dma_start3A_85 = arith.constant 0 : i32
    %dma_start3A_86 = tpu.memref_slice %arg11[%add3A_84, %dma_start3A_85] : memref<10240x128xf32, #tpu.memory_space<vmem_shared>> -> memref<128x128xf32, #tpu.memory_space<vmem_shared>>
    tpu.enqueue_dma source(%arg5 : memref<128x128xf32, #tpu.memory_space<hbm>>) target(%dma_start3A_86 : memref<128x128xf32, #tpu.memory_space<vmem_shared>>) target_semaphore(%arg12 : memref<!tpu.dma_semaphore, #tpu.memory_space<semaphore_mem>>)
    %mul3A_87 = arith.constant 640 : i32
    %mul3A_88 = arith.muli %arg1, %mul3A_87 : i32
    %add3A_89 = arith.constant 384 : i32
    %add3A_90 = arith.addi %mul3A_88, %add3A_89 : i32
    %dma_start3A_91 = arith.constant 0 : i32
    %dma_start3A_92 = tpu.memref_slice %arg11[%add3A_90, %dma_start3A_91] : memref<10240x128xf32, #tpu.memory_space<vmem_shared>> -> memref<128x128xf32, #tpu.memory_space<vmem_shared>>
    tpu.enqueue_dma source(%arg5 : memref<128x128xf32, #tpu.memory_space<hbm>>) target(%dma_start3A_92 : memref<128x128xf32, #tpu.memory_space<vmem_shared>>) target_semaphore(%arg12 : memref<!tpu.dma_semaphore, #tpu.memory_space<semaphore_mem>>)
    %mul3A_93 = arith.constant 640 : i32
    %mul3A_94 = arith.muli %arg1, %mul3A_93 : i32
    %add3A_95 = arith.constant 512 : i32
    %add3A_96 = arith.addi %mul3A_94, %add3A_95 : i32
    %dma_start3A_97 = arith.constant 0 : i32
    %dma_start3A_98 = tpu.memref_slice %arg11[%add3A_96, %dma_start3A_97] : memref<10240x128xf32, #tpu.memory_space<vmem_shared>> -> memref<128x128xf32, #tpu.memory_space<vmem_shared>>
    tpu.enqueue_dma source(%arg5 : memref<128x128xf32, #tpu.memory_space<hbm>>) target(%dma_start3A_98 : memref<128x128xf32, #tpu.memory_space<vmem_shared>>) target_semaphore(%arg12 : memref<!tpu.dma_semaphore, #tpu.memory_space<semaphore_mem>>)
    %dma_wait3A = arith.constant 0 : i32
    %dma_wait3A_99 = tpu.memref_slice %arg11[%add3A_72, %dma_wait3A] : memref<10240x128xf32, #tpu.memory_space<vmem_shared>> -> memref<128x128xf32, #tpu.memory_space<vmem_shared>>
    tpu.wait_dma2 semaphore(%arg12 : memref<!tpu.dma_semaphore, #tpu.memory_space<semaphore_mem>>) src(%arg5 : memref<128x128xf32, #tpu.memory_space<hbm>>) dst(%dma_wait3A_99 : memref<128x128xf32, #tpu.memory_space<vmem_shared>>)
    %dma_wait3A_100 = arith.constant 0 : i32
    %dma_wait3A_101 = tpu.memref_slice %arg11[%add3A_78, %dma_wait3A_100] : memref<10240x128xf32, #tpu.memory_space<vmem_shared>> -> memref<128x128xf32, #tpu.memory_space<vmem_shared>>
    tpu.wait_dma2 semaphore(%arg12 : memref<!tpu.dma_semaphore, #tpu.memory_space<semaphore_mem>>) src(%arg5 : memref<128x128xf32, #tpu.memory_space<hbm>>) dst(%dma_wait3A_101 : memref<128x128xf32, #tpu.memory_space<vmem_shared>>)
    %dma_wait3A_102 = arith.constant 0 : i32
    %dma_wait3A_103 = tpu.memref_slice %arg11[%add3A_84, %dma_wait3A_102] : memref<10240x128xf32, #tpu.memory_space<vmem_shared>> -> memref<128x128xf32, #tpu.memory_space<vmem_shared>>
    tpu.wait_dma2 semaphore(%arg12 : memref<!tpu.dma_semaphore, #tpu.memory_space<semaphore_mem>>) src(%arg5 : memref<128x128xf32, #tpu.memory_space<hbm>>) dst(%dma_wait3A_103 : memref<128x128xf32, #tpu.memory_space<vmem_shared>>)
    %dma_wait3A_104 = arith.constant 0 : i32
    %dma_wait3A_105 = tpu.memref_slice %arg11[%add3A_90, %dma_wait3A_104] : memref<10240x128xf32, #tpu.memory_space<vmem_shared>> -> memref<128x128xf32, #tpu.memory_space<vmem_shared>>
    tpu.wait_dma2 semaphore(%arg12 : memref<!tpu.dma_semaphore, #tpu.memory_space<semaphore_mem>>) src(%arg5 : memref<128x128xf32, #tpu.memory_space<hbm>>) dst(%dma_wait3A_105 : memref<128x128xf32, #tpu.memory_space<vmem_shared>>)
    %dma_wait3A_106 = arith.constant 0 : i32
    %dma_wait3A_107 = tpu.memref_slice %arg11[%add3A_96, %dma_wait3A_106] : memref<10240x128xf32, #tpu.memory_space<vmem_shared>> -> memref<128x128xf32, #tpu.memory_space<vmem_shared>>
    tpu.wait_dma2 semaphore(%arg12 : memref<!tpu.dma_semaphore, #tpu.memory_space<semaphore_mem>>) src(%arg5 : memref<128x128xf32, #tpu.memory_space<hbm>>) dst(%dma_wait3A_107 : memref<128x128xf32, #tpu.memory_space<vmem_shared>>)
    %dma_start3A_108 = arith.constant 0 : i32
    %dma_start3A_109 = arith.constant 0 : i32
    %dma_start3A_110 = arith.constant 0 : i32
    %dma_start3A_111 = tpu.memref_slice %arg7[%dma_start3A_108, %dma_start3A_109, %dma_start3A_110] : memref<3x8x128xi32, #tpu.memory_space<vmem>> -> memref<1x1x128xi32, #tpu.memory_space<vmem>>
    %dma_start3A_112 = tpu.memref_squeeze %dma_start3A_111 : memref<1x1x128xi32, #tpu.memory_space<vmem>> -> memref<128xi32, #tpu.memory_space<vmem>>
    %dma_start3A_113 = arith.constant 0 : i32
    %dma_start3A_114 = arith.constant 0 : i32
    %dma_start3A_115 = tpu.memref_slice %arg2[%dma_start3A_113, %dma_start3A_114] : memref<10240x128xf32, #tpu.memory_space<hbm>> -> memref<10240x128xf32, #tpu.memory_space<hbm>>
    tpu.enqueue_indirect_dma source(%dma_start3A_115 : memref<10240x128xf32, #tpu.memory_space<hbm>>) target(%arg9 : memref<128x128xf32, #tpu.memory_space<vmem>>) offsets(%dma_start3A_112 : memref<128xi32, #tpu.memory_space<vmem>>) semaphore(%arg12 : memref<!tpu.dma_semaphore, #tpu.memory_space<semaphore_mem>>)
    %barrier3A = arith.constant 0 : index
    tpu.barrier barrier_id(%barrier3A)
    %scan3A = arith.constant 0 : i32
    %scan3A_116 = arith.constant 0 : i32
    %scan3A_117 = arith.constant 10 : i32
    %scan3A_118 = arith.addi %scan3A_116, %scan3A_117 : i32
    %scan3A_119 = arith.constant 1 : i32
    %scan3A_120 = scf.for %scan3A_127 = %scan3A_116 to %scan3A_118 step %scan3A_119 iter_args(%scan3A_128 = %scan3A) -> (i32)  : i32 {
      %jit3A = arith.constant 3 : i32
      %eq3A = arith.constant 0 : i32
      %eq3A_129 = arith.cmpi eq, %jit3A, %eq3A : i32
      %jit3A_130 = arith.constant 1 : i32
      %select_n3A = arith.select %eq3A_129, %jit3A_130, %jit3A : i32
      %rem3A = arith.remsi %scan3A_127, %select_n3A : i32
      %ne3A = arith.constant 0 : i32
      %ne3A_131 = arith.cmpi ne, %rem3A, %ne3A : i32
      %lt3A = arith.constant 0 : i32
      %lt3A_132 = arith.cmpi slt, %rem3A, %lt3A : i32
      %lt3A_133 = arith.constant 0 : i32
      %lt3A_134 = arith.cmpi slt, %select_n3A, %lt3A_133 : i32
      %ne3A_135 = arith.xori %lt3A_132, %lt3A_134 : i1
      %and3A = arith.andi %ne3A_135, %ne3A_131 : i1
      %add3A_136 = arith.addi %rem3A, %select_n3A : i32
      %select_n3A_137 = arith.select %and3A, %add3A_136, %rem3A : i32
      %lt3A_138 = arith.constant 9 : i32
      %lt3A_139 = arith.cmpi slt, %scan3A_127, %lt3A_138 : i32
      %convert_element_type3A = arith.extui %lt3A_139 : i1 to i32
      %cond3A = arith.constant 0 : i32
      %cond3A_140 = arith.cmpi ne, %convert_element_type3A, %cond3A : i32
      scf.if %cond3A_140 {
        %add3A_265 = arith.constant 1 : i32
        %add3A_266 = arith.addi %scan3A_127, %add3A_265 : i32
        %mul3A_267 = arith.constant 8 : i32
        %mul3A_268 = arith.muli %add3A_266, %mul3A_267 : i32
        %add3A_269 = arith.constant 1 : i32
        %add3A_270 = arith.addi %scan3A_127, %add3A_269 : i32
        %jit3A_271 = arith.constant 3 : i32
        %eq3A_272 = arith.constant 0 : i32
        %eq3A_273 = arith.cmpi eq, %jit3A_271, %eq3A_272 : i32
        %jit3A_274 = arith.constant 1 : i32
        %select_n3A_275 = arith.select %eq3A_273, %jit3A_274, %jit3A_271 : i32
        %rem3A_276 = arith.remsi %add3A_270, %select_n3A_275 : i32
        %ne3A_277 = arith.constant 0 : i32
        %ne3A_278 = arith.cmpi ne, %rem3A_276, %ne3A_277 : i32
        %lt3A_279 = arith.constant 0 : i32
        %lt3A_280 = arith.cmpi slt, %rem3A_276, %lt3A_279 : i32
        %lt3A_281 = arith.constant 0 : i32
        %lt3A_282 = arith.cmpi slt, %select_n3A_275, %lt3A_281 : i32
        %ne3A_283 = arith.xori %lt3A_280, %lt3A_282 : i1
        %and3A_284 = arith.andi %ne3A_283, %ne3A_278 : i1
        %add3A_285 = arith.addi %rem3A_276, %select_n3A_275 : i32
        %select_n3A_286 = arith.select %and3A_284, %add3A_285, %rem3A_276 : i32
        %dma_wait3A_287 = arith.constant 0 : i32
        %dma_wait3A_288 = arith.constant 0 : i32
        %dma_wait3A_289 = tpu.memref_slice %arg7[%select_n3A_286, %dma_wait3A_287, %dma_wait3A_288] : memref<3x8x128xi32, #tpu.memory_space<vmem>> -> memref<1x8x128xi32, #tpu.memory_space<vmem>>
        %dma_wait3A_290 = tpu.memref_squeeze %dma_wait3A_289 : memref<1x8x128xi32, #tpu.memory_space<vmem>> -> memref<8x128xi32, #tpu.memory_space<vmem>>
        %dma_wait3A_291 = arith.constant 0 : i32
        %dma_wait3A_292 = tpu.memref_slice %arg3[%add3A, %mul3A_268, %dma_wait3A_291] : memref<32x80x128xi32, #tpu.memory_space<hbm>> -> memref<1x8x128xi32, #tpu.memory_space<hbm>>
        %dma_wait3A_293 = tpu.memref_squeeze %dma_wait3A_292 : memref<1x8x128xi32, #tpu.memory_space<hbm>> -> memref<8x128xi32, #tpu.memory_space<hbm>>
        %dma_wait3A_294 = arith.constant 0 : i32
        %dma_wait3A_295 = arith.constant 0 : i32
        %dma_wait3A_296 = tpu.memref_slice %arg7[%select_n3A_286, %dma_wait3A_294, %dma_wait3A_295] : memref<3x8x128xi32, #tpu.memory_space<vmem>> -> memref<1x8x128xi32, #tpu.memory_space<vmem>>
        %dma_wait3A_297 = tpu.memref_squeeze %dma_wait3A_296 : memref<1x8x128xi32, #tpu.memory_space<vmem>> -> memref<8x128xi32, #tpu.memory_space<vmem>>
        %dma_wait3A_298 = arith.constant 0 : i32
        %dma_wait3A_299 = tpu.memref_slice %arg3[%add3A, %mul3A_268, %dma_wait3A_298] : memref<32x80x128xi32, #tpu.memory_space<hbm>> -> memref<1x8x128xi32, #tpu.memory_space<hbm>>
        %dma_wait3A_300 = tpu.memref_squeeze %dma_wait3A_299 : memref<1x8x128xi32, #tpu.memory_space<hbm>> -> memref<8x128xi32, #tpu.memory_space<hbm>>
        tpu.wait_dma2 semaphore(%arg13 : memref<!tpu.dma_semaphore, #tpu.memory_space<semaphore_mem>>) src(%dma_wait3A_300 : memref<8x128xi32, #tpu.memory_space<hbm>>) dst(%dma_wait3A_297 : memref<8x128xi32, #tpu.memory_space<vmem>>)
        %add3A_301 = arith.constant 1 : i32
        %add3A_302 = arith.addi %scan3A_127, %add3A_301 : i32
        %mul3A_303 = arith.constant 8 : i32
        %mul3A_304 = arith.muli %add3A_302, %mul3A_303 : i32
        %add3A_305 = arith.constant 1 : i32
        %add3A_306 = arith.addi %scan3A_127, %add3A_305 : i32
        %jit3A_307 = arith.constant 3 : i32
        %eq3A_308 = arith.constant 0 : i32
        %eq3A_309 = arith.cmpi eq, %jit3A_307, %eq3A_308 : i32
        %jit3A_310 = arith.constant 1 : i32
        %select_n3A_311 = arith.select %eq3A_309, %jit3A_310, %jit3A_307 : i32
        %rem3A_312 = arith.remsi %add3A_306, %select_n3A_311 : i32
        %ne3A_313 = arith.constant 0 : i32
        %ne3A_314 = arith.cmpi ne, %rem3A_312, %ne3A_313 : i32
        %lt3A_315 = arith.constant 0 : i32
        %lt3A_316 = arith.cmpi slt, %rem3A_312, %lt3A_315 : i32
        %lt3A_317 = arith.constant 0 : i32
        %lt3A_318 = arith.cmpi slt, %select_n3A_311, %lt3A_317 : i32
        %ne3A_319 = arith.xori %lt3A_316, %lt3A_318 : i1
        %and3A_320 = arith.andi %ne3A_319, %ne3A_314 : i1
        %add3A_321 = arith.addi %rem3A_312, %select_n3A_311 : i32
        %select_n3A_322 = arith.select %and3A_320, %add3A_321, %rem3A_312 : i32
        %dma_wait3A_323 = arith.constant 0 : i32
        %dma_wait3A_324 = arith.constant 0 : i32
        %dma_wait3A_325 = tpu.memref_slice %arg8[%select_n3A_322, %dma_wait3A_323, %dma_wait3A_324] : memref<3x8x128xi32, #tpu.memory_space<vmem>> -> memref<1x8x128xi32, #tpu.memory_space<vmem>>
        %dma_wait3A_326 = tpu.memref_squeeze %dma_wait3A_325 : memref<1x8x128xi32, #tpu.memory_space<vmem>> -> memref<8x128xi32, #tpu.memory_space<vmem>>
        %dma_wait3A_327 = arith.constant 0 : i32
        %dma_wait3A_328 = tpu.memref_slice %arg4[%add3A, %mul3A_304, %dma_wait3A_327] : memref<32x80x128xi32, #tpu.memory_space<hbm>> -> memref<1x8x128xi32, #tpu.memory_space<hbm>>
        %dma_wait3A_329 = tpu.memref_squeeze %dma_wait3A_328 : memref<1x8x128xi32, #tpu.memory_space<hbm>> -> memref<8x128xi32, #tpu.memory_space<hbm>>
        %dma_wait3A_330 = arith.constant 0 : i32
        %dma_wait3A_331 = arith.constant 0 : i32
        %dma_wait3A_332 = tpu.memref_slice %arg8[%select_n3A_322, %dma_wait3A_330, %dma_wait3A_331] : memref<3x8x128xi32, #tpu.memory_space<vmem>> -> memref<1x8x128xi32, #tpu.memory_space<vmem>>
        %dma_wait3A_333 = tpu.memref_squeeze %dma_wait3A_332 : memref<1x8x128xi32, #tpu.memory_space<vmem>> -> memref<8x128xi32, #tpu.memory_space<vmem>>
        %dma_wait3A_334 = arith.constant 0 : i32
        %dma_wait3A_335 = tpu.memref_slice %arg4[%add3A, %mul3A_304, %dma_wait3A_334] : memref<32x80x128xi32, #tpu.memory_space<hbm>> -> memref<1x8x128xi32, #tpu.memory_space<hbm>>
        %dma_wait3A_336 = tpu.memref_squeeze %dma_wait3A_335 : memref<1x8x128xi32, #tpu.memory_space<hbm>> -> memref<8x128xi32, #tpu.memory_space<hbm>>
        tpu.wait_dma2 semaphore(%arg13 : memref<!tpu.dma_semaphore, #tpu.memory_space<semaphore_mem>>) src(%dma_wait3A_336 : memref<8x128xi32, #tpu.memory_space<hbm>>) dst(%dma_wait3A_333 : memref<8x128xi32, #tpu.memory_space<vmem>>)
      } else {
      }
      %dma_start3A_141 = arith.constant 1 : i32
      %dma_start3A_142 = arith.constant 0 : i32
      %dma_start3A_143 = tpu.memref_slice %arg7[%select_n3A_137, %dma_start3A_141, %dma_start3A_142] : memref<3x8x128xi32, #tpu.memory_space<vmem>> -> memref<1x1x128xi32, #tpu.memory_space<vmem>>
      %dma_start3A_144 = tpu.memref_squeeze %dma_start3A_143 : memref<1x1x128xi32, #tpu.memory_space<vmem>> -> memref<128xi32, #tpu.memory_space<vmem>>
      %dma_start3A_145 = arith.constant 0 : i32
      %dma_start3A_146 = arith.constant 0 : i32
      %dma_start3A_147 = tpu.memref_slice %arg2[%dma_start3A_145, %dma_start3A_146] : memref<10240x128xf32, #tpu.memory_space<hbm>> -> memref<10240x128xf32, #tpu.memory_space<hbm>>
      tpu.enqueue_indirect_dma source(%dma_start3A_147 : memref<10240x128xf32, #tpu.memory_space<hbm>>) target(%arg10 : memref<128x128xf32, #tpu.memory_space<vmem>>) offsets(%dma_start3A_144 : memref<128xi32, #tpu.memory_space<vmem>>) semaphore(%arg12 : memref<!tpu.dma_semaphore, #tpu.memory_space<semaphore_mem>>)
      %dma_wait3A_148 = arith.constant 0 : i32
      %dma_wait3A_149 = arith.constant 0 : i32
      %dma_wait3A_150 = tpu.memref_slice %arg7[%select_n3A_137, %dma_wait3A_148, %dma_wait3A_149] : memref<3x8x128xi32, #tpu.memory_space<vmem>> -> memref<1x1x128xi32, #tpu.memory_space<vmem>>
      %dma_wait3A_151 = tpu.memref_squeeze %dma_wait3A_150 : memref<1x1x128xi32, #tpu.memory_space<vmem>> -> memref<128xi32, #tpu.memory_space<vmem>>
      %dma_wait3A_152 = arith.constant 0 : i32
      %dma_wait3A_153 = arith.constant 0 : i32
      %dma_wait3A_154 = tpu.memref_slice %arg2[%dma_wait3A_152, %dma_wait3A_153] : memref<10240x128xf32, #tpu.memory_space<hbm>> -> memref<10240x128xf32, #tpu.memory_space<hbm>>
      tpu.wait_indirect_dma semaphore(%arg12 : memref<!tpu.dma_semaphore, #tpu.memory_space<semaphore_mem>>) src(%dma_wait3A_154 : memref<10240x128xf32, #tpu.memory_space<hbm>>) dst(%arg9 : memref<128x128xf32, #tpu.memory_space<vmem>>)
      %run_scoped3A_155 = arith.constant 0 : i32
      "tpu.region"() ({
        %run_scoped3A_265 = tpu.sem_alloc : memref<!tpu.dma_semaphore, #tpu.memory_space<semaphore_mem>>
        %dma_start3A_266 = arith.constant 0 : i32
        %dma_start3A_267 = tpu.memref_slice %arg8[%select_n3A_137, %run_scoped3A_155, %dma_start3A_266] : memref<3x8x128xi32, #tpu.memory_space<vmem>> -> memref<1x1x128xi32, #tpu.memory_space<vmem>>
        %dma_start3A_268 = tpu.memref_squeeze %dma_start3A_267 : memref<1x1x128xi32, #tpu.memory_space<vmem>> -> memref<128xi32, #tpu.memory_space<vmem>>
        %dma_start3A_269 = arith.constant 0 : i32
        %dma_start3A_270 = arith.constant 0 : i32
        %dma_start3A_271 = tpu.memref_slice %arg11[%dma_start3A_269, %dma_start3A_270] : memref<10240x128xf32, #tpu.memory_space<vmem_shared>> -> memref<10240x128xf32, #tpu.memory_space<vmem_shared>>
        tpu.enqueue_indirect_dma source(%arg9 : memref<128x128xf32, #tpu.memory_space<vmem>>) target(%dma_start3A_271 : memref<10240x128xf32, #tpu.memory_space<vmem_shared>>) offsets(%dma_start3A_268 : memref<128xi32, #tpu.memory_space<vmem>>) semaphore(%run_scoped3A_265 : memref<!tpu.dma_semaphore, #tpu.memory_space<semaphore_mem>>) {add = true}
        %dma_wait3A_272 = arith.constant 0 : i32
        %dma_wait3A_273 = tpu.memref_slice %arg8[%select_n3A_137, %run_scoped3A_155, %dma_wait3A_272] : memref<3x8x128xi32, #tpu.memory_space<vmem>> -> memref<1x1x128xi32, #tpu.memory_space<vmem>>
        %dma_wait3A_274 = tpu.memref_squeeze %dma_wait3A_273 : memref<1x1x128xi32, #tpu.memory_space<vmem>> -> memref<128xi32, #tpu.memory_space<vmem>>
        %dma_wait3A_275 = arith.constant 0 : i32
        %dma_wait3A_276 = arith.constant 0 : i32
        %dma_wait3A_277 = tpu.memref_slice %arg11[%dma_wait3A_275, %dma_wait3A_276] : memref<10240x128xf32, #tpu.memory_space<vmem_shared>> -> memref<10240x128xf32, #tpu.memory_space<vmem_shared>>
        tpu.wait_indirect_dma semaphore(%run_scoped3A_265 : memref<!tpu.dma_semaphore, #tpu.memory_space<semaphore_mem>>) src(%arg9 : memref<128x128xf32, #tpu.memory_space<vmem>>) dst(%dma_wait3A_277 : memref<10240x128xf32, #tpu.memory_space<vmem_shared>>)
        tpu.yield
      }) : () -> ()
      %dma_start3A_156 = arith.constant 2 : i32
      %dma_start3A_157 = arith.constant 0 : i32
      %dma_start3A_158 = tpu.memref_slice %arg7[%select_n3A_137, %dma_start3A_156, %dma_start3A_157] : memref<3x8x128xi32, #tpu.memory_space<vmem>> -> memref<1x1x128xi32, #tpu.memory_space<vmem>>
      %dma_start3A_159 = tpu.memref_squeeze %dma_start3A_158 : memref<1x1x128xi32, #tpu.memory_space<vmem>> -> memref<128xi32, #tpu.memory_space<vmem>>
      %dma_start3A_160 = arith.constant 0 : i32
      %dma_start3A_161 = arith.constant 0 : i32
      %dma_start3A_162 = tpu.memref_slice %arg2[%dma_start3A_160, %dma_start3A_161] : memref<10240x128xf32, #tpu.memory_space<hbm>> -> memref<10240x128xf32, #tpu.memory_space<hbm>>
      tpu.enqueue_indirect_dma source(%dma_start3A_162 : memref<10240x128xf32, #tpu.memory_space<hbm>>) target(%arg9 : memref<128x128xf32, #tpu.memory_space<vmem>>) offsets(%dma_start3A_159 : memref<128xi32, #tpu.memory_space<vmem>>) semaphore(%arg12 : memref<!tpu.dma_semaphore, #tpu.memory_space<semaphore_mem>>)
      %dma_wait3A_163 = arith.constant 1 : i32
      %dma_wait3A_164 = arith.constant 0 : i32
      %dma_wait3A_165 = tpu.memref_slice %arg7[%select_n3A_137, %dma_wait3A_163, %dma_wait3A_164] : memref<3x8x128xi32, #tpu.memory_space<vmem>> -> memref<1x1x128xi32, #tpu.memory_space<vmem>>
      %dma_wait3A_166 = tpu.memref_squeeze %dma_wait3A_165 : memref<1x1x128xi32, #tpu.memory_space<vmem>> -> memref<128xi32, #tpu.memory_space<vmem>>
      %dma_wait3A_167 = arith.constant 0 : i32
      %dma_wait3A_168 = arith.constant 0 : i32
      %dma_wait3A_169 = tpu.memref_slice %arg2[%dma_wait3A_167, %dma_wait3A_168] : memref<10240x128xf32, #tpu.memory_space<hbm>> -> memref<10240x128xf32, #tpu.memory_space<hbm>>
      tpu.wait_indirect_dma semaphore(%arg12 : memref<!tpu.dma_semaphore, #tpu.memory_space<semaphore_mem>>) src(%dma_wait3A_169 : memref<10240x128xf32, #tpu.memory_space<hbm>>) dst(%arg10 : memref<128x128xf32, #tpu.memory_space<vmem>>)
      %run_scoped3A_170 = arith.constant 1 : i32
      "tpu.region"() ({
        %run_scoped3A_265 = tpu.sem_alloc : memref<!tpu.dma_semaphore, #tpu.memory_space<semaphore_mem>>
        %dma_start3A_266 = arith.constant 0 : i32
        %dma_start3A_267 = tpu.memref_slice %arg8[%select_n3A_137, %run_scoped3A_170, %dma_start3A_266] : memref<3x8x128xi32, #tpu.memory_space<vmem>> -> memref<1x1x128xi32, #tpu.memory_space<vmem>>
        %dma_start3A_268 = tpu.memref_squeeze %dma_start3A_267 : memref<1x1x128xi32, #tpu.memory_space<vmem>> -> memref<128xi32, #tpu.memory_space<vmem>>
        %dma_start3A_269 = arith.constant 0 : i32
        %dma_start3A_270 = arith.constant 0 : i32
        %dma_start3A_271 = tpu.memref_slice %arg11[%dma_start3A_269, %dma_start3A_270] : memref<10240x128xf32, #tpu.memory_space<vmem_shared>> -> memref<10240x128xf32, #tpu.memory_space<vmem_shared>>
        tpu.enqueue_indirect_dma source(%arg10 : memref<128x128xf32, #tpu.memory_space<vmem>>) target(%dma_start3A_271 : memref<10240x128xf32, #tpu.memory_space<vmem_shared>>) offsets(%dma_start3A_268 : memref<128xi32, #tpu.memory_space<vmem>>) semaphore(%run_scoped3A_265 : memref<!tpu.dma_semaphore, #tpu.memory_space<semaphore_mem>>) {add = true}
        %dma_wait3A_272 = arith.constant 0 : i32
        %dma_wait3A_273 = tpu.memref_slice %arg8[%select_n3A_137, %run_scoped3A_170, %dma_wait3A_272] : memref<3x8x128xi32, #tpu.memory_space<vmem>> -> memref<1x1x128xi32, #tpu.memory_space<vmem>>
        %dma_wait3A_274 = tpu.memref_squeeze %dma_wait3A_273 : memref<1x1x128xi32, #tpu.memory_space<vmem>> -> memref<128xi32, #tpu.memory_space<vmem>>
        %dma_wait3A_275 = arith.constant 0 : i32
        %dma_wait3A_276 = arith.constant 0 : i32
        %dma_wait3A_277 = tpu.memref_slice %arg11[%dma_wait3A_275, %dma_wait3A_276] : memref<10240x128xf32, #tpu.memory_space<vmem_shared>> -> memref<10240x128xf32, #tpu.memory_space<vmem_shared>>
        tpu.wait_indirect_dma semaphore(%run_scoped3A_265 : memref<!tpu.dma_semaphore, #tpu.memory_space<semaphore_mem>>) src(%arg10 : memref<128x128xf32, #tpu.memory_space<vmem>>) dst(%dma_wait3A_277 : memref<10240x128xf32, #tpu.memory_space<vmem_shared>>)
        tpu.yield
      }) : () -> ()
      %dma_start3A_171 = arith.constant 3 : i32
      %dma_start3A_172 = arith.constant 0 : i32
      %dma_start3A_173 = tpu.memref_slice %arg7[%select_n3A_137, %dma_start3A_171, %dma_start3A_172] : memref<3x8x128xi32, #tpu.memory_space<vmem>> -> memref<1x1x128xi32, #tpu.memory_space<vmem>>
      %dma_start3A_174 = tpu.memref_squeeze %dma_start3A_173 : memref<1x1x128xi32, #tpu.memory_space<vmem>> -> memref<128xi32, #tpu.memory_space<vmem>>
      %dma_start3A_175 = arith.constant 0 : i32
      %dma_start3A_176 = arith.constant 0 : i32
      %dma_start3A_177 = tpu.memref_slice %arg2[%dma_start3A_175, %dma_start3A_176] : memref<10240x128xf32, #tpu.memory_space<hbm>> -> memref<10240x128xf32, #tpu.memory_space<hbm>>
      tpu.enqueue_indirect_dma source(%dma_start3A_177 : memref<10240x128xf32, #tpu.memory_space<hbm>>) target(%arg10 : memref<128x128xf32, #tpu.memory_space<vmem>>) offsets(%dma_start3A_174 : memref<128xi32, #tpu.memory_space<vmem>>) semaphore(%arg12 : memref<!tpu.dma_semaphore, #tpu.memory_space<semaphore_mem>>)
      %dma_wait3A_178 = arith.constant 2 : i32
      %dma_wait3A_179 = arith.constant 0 : i32
      %dma_wait3A_180 = tpu.memref_slice %arg7[%select_n3A_137, %dma_wait3A_178, %dma_wait3A_179] : memref<3x8x128xi32, #tpu.memory_space<vmem>> -> memref<1x1x128xi32, #tpu.memory_space<vmem>>
      %dma_wait3A_181 = tpu.memref_squeeze %dma_wait3A_180 : memref<1x1x128xi32, #tpu.memory_space<vmem>> -> memref<128xi32, #tpu.memory_space<vmem>>
      %dma_wait3A_182 = arith.constant 0 : i32
      %dma_wait3A_183 = arith.constant 0 : i32
      %dma_wait3A_184 = tpu.memref_slice %arg2[%dma_wait3A_182, %dma_wait3A_183] : memref<10240x128xf32, #tpu.memory_space<hbm>> -> memref<10240x128xf32, #tpu.memory_space<hbm>>
      tpu.wait_indirect_dma semaphore(%arg12 : memref<!tpu.dma_semaphore, #tpu.memory_space<semaphore_mem>>) src(%dma_wait3A_184 : memref<10240x128xf32, #tpu.memory_space<hbm>>) dst(%arg9 : memref<128x128xf32, #tpu.memory_space<vmem>>)
      %run_scoped3A_185 = arith.constant 2 : i32
      "tpu.region"() ({
        %run_scoped3A_265 = tpu.sem_alloc : memref<!tpu.dma_semaphore, #tpu.memory_space<semaphore_mem>>
        %dma_start3A_266 = arith.constant 0 : i32
        %dma_start3A_267 = tpu.memref_slice %arg8[%select_n3A_137, %run_scoped3A_185, %dma_start3A_266] : memref<3x8x128xi32, #tpu.memory_space<vmem>> -> memref<1x1x128xi32, #tpu.memory_space<vmem>>
        %dma_start3A_268 = tpu.memref_squeeze %dma_start3A_267 : memref<1x1x128xi32, #tpu.memory_space<vmem>> -> memref<128xi32, #tpu.memory_space<vmem>>
        %dma_start3A_269 = arith.constant 0 : i32
        %dma_start3A_270 = arith.constant 0 : i32
        %dma_start3A_271 = tpu.memref_slice %arg11[%dma_start3A_269, %dma_start3A_270] : memref<10240x128xf32, #tpu.memory_space<vmem_shared>> -> memref<10240x128xf32, #tpu.memory_space<vmem_shared>>
        tpu.enqueue_indirect_dma source(%arg9 : memref<128x128xf32, #tpu.memory_space<vmem>>) target(%dma_start3A_271 : memref<10240x128xf32, #tpu.memory_space<vmem_shared>>) offsets(%dma_start3A_268 : memref<128xi32, #tpu.memory_space<vmem>>) semaphore(%run_scoped3A_265 : memref<!tpu.dma_semaphore, #tpu.memory_space<semaphore_mem>>) {add = true}
        %dma_wait3A_272 = arith.constant 0 : i32
        %dma_wait3A_273 = tpu.memref_slice %arg8[%select_n3A_137, %run_scoped3A_185, %dma_wait3A_272] : memref<3x8x128xi32, #tpu.memory_space<vmem>> -> memref<1x1x128xi32, #tpu.memory_space<vmem>>
        %dma_wait3A_274 = tpu.memref_squeeze %dma_wait3A_273 : memref<1x1x128xi32, #tpu.memory_space<vmem>> -> memref<128xi32, #tpu.memory_space<vmem>>
        %dma_wait3A_275 = arith.constant 0 : i32
        %dma_wait3A_276 = arith.constant 0 : i32
        %dma_wait3A_277 = tpu.memref_slice %arg11[%dma_wait3A_275, %dma_wait3A_276] : memref<10240x128xf32, #tpu.memory_space<vmem_shared>> -> memref<10240x128xf32, #tpu.memory_space<vmem_shared>>
        tpu.wait_indirect_dma semaphore(%run_scoped3A_265 : memref<!tpu.dma_semaphore, #tpu.memory_space<semaphore_mem>>) src(%arg9 : memref<128x128xf32, #tpu.memory_space<vmem>>) dst(%dma_wait3A_277 : memref<10240x128xf32, #tpu.memory_space<vmem_shared>>)
        tpu.yield
      }) : () -> ()
      %dma_start3A_186 = arith.constant 4 : i32
      %dma_start3A_187 = arith.constant 0 : i32
      %dma_start3A_188 = tpu.memref_slice %arg7[%select_n3A_137, %dma_start3A_186, %dma_start3A_187] : memref<3x8x128xi32, #tpu.memory_space<vmem>> -> memref<1x1x128xi32, #tpu.memory_space<vmem>>
      %dma_start3A_189 = tpu.memref_squeeze %dma_start3A_188 : memref<1x1x128xi32, #tpu.memory_space<vmem>> -> memref<128xi32, #tpu.memory_space<vmem>>
      %dma_start3A_190 = arith.constant 0 : i32
      %dma_start3A_191 = arith.constant 0 : i32
      %dma_start3A_192 = tpu.memref_slice %arg2[%dma_start3A_190, %dma_start3A_191] : memref<10240x128xf32, #tpu.memory_space<hbm>> -> memref<10240x128xf32, #tpu.memory_space<hbm>>
      tpu.enqueue_indirect_dma source(%dma_start3A_192 : memref<10240x128xf32, #tpu.memory_space<hbm>>) target(%arg9 : memref<128x128xf32, #tpu.memory_space<vmem>>) offsets(%dma_start3A_189 : memref<128xi32, #tpu.memory_space<vmem>>) semaphore(%arg12 : memref<!tpu.dma_semaphore, #tpu.memory_space<semaphore_mem>>)
      %dma_wait3A_193 = arith.constant 3 : i32
      %dma_wait3A_194 = arith.constant 0 : i32
      %dma_wait3A_195 = tpu.memref_slice %arg7[%select_n3A_137, %dma_wait3A_193, %dma_wait3A_194] : memref<3x8x128xi32, #tpu.memory_space<vmem>> -> memref<1x1x128xi32, #tpu.memory_space<vmem>>
      %dma_wait3A_196 = tpu.memref_squeeze %dma_wait3A_195 : memref<1x1x128xi32, #tpu.memory_space<vmem>> -> memref<128xi32, #tpu.memory_space<vmem>>
      %dma_wait3A_197 = arith.constant 0 : i32
      %dma_wait3A_198 = arith.constant 0 : i32
      %dma_wait3A_199 = tpu.memref_slice %arg2[%dma_wait3A_197, %dma_wait3A_198] : memref<10240x128xf32, #tpu.memory_space<hbm>> -> memref<10240x128xf32, #tpu.memory_space<hbm>>
      tpu.wait_indirect_dma semaphore(%arg12 : memref<!tpu.dma_semaphore, #tpu.memory_space<semaphore_mem>>) src(%dma_wait3A_199 : memref<10240x128xf32, #tpu.memory_space<hbm>>) dst(%arg10 : memref<128x128xf32, #tpu.memory_space<vmem>>)
      %run_scoped3A_200 = arith.constant 3 : i32
      "tpu.region"() ({
        %run_scoped3A_265 = tpu.sem_alloc : memref<!tpu.dma_semaphore, #tpu.memory_space<semaphore_mem>>
        %dma_start3A_266 = arith.constant 0 : i32
        %dma_start3A_267 = tpu.memref_slice %arg8[%select_n3A_137, %run_scoped3A_200, %dma_start3A_266] : memref<3x8x128xi32, #tpu.memory_space<vmem>> -> memref<1x1x128xi32, #tpu.memory_space<vmem>>
        %dma_start3A_268 = tpu.memref_squeeze %dma_start3A_267 : memref<1x1x128xi32, #tpu.memory_space<vmem>> -> memref<128xi32, #tpu.memory_space<vmem>>
        %dma_start3A_269 = arith.constant 0 : i32
        %dma_start3A_270 = arith.constant 0 : i32
        %dma_start3A_271 = tpu.memref_slice %arg11[%dma_start3A_269, %dma_start3A_270] : memref<10240x128xf32, #tpu.memory_space<vmem_shared>> -> memref<10240x128xf32, #tpu.memory_space<vmem_shared>>
        tpu.enqueue_indirect_dma source(%arg10 : memref<128x128xf32, #tpu.memory_space<vmem>>) target(%dma_start3A_271 : memref<10240x128xf32, #tpu.memory_space<vmem_shared>>) offsets(%dma_start3A_268 : memref<128xi32, #tpu.memory_space<vmem>>) semaphore(%run_scoped3A_265 : memref<!tpu.dma_semaphore, #tpu.memory_space<semaphore_mem>>) {add = true}
        %dma_wait3A_272 = arith.constant 0 : i32
        %dma_wait3A_273 = tpu.memref_slice %arg8[%select_n3A_137, %run_scoped3A_200, %dma_wait3A_272] : memref<3x8x128xi32, #tpu.memory_space<vmem>> -> memref<1x1x128xi32, #tpu.memory_space<vmem>>
        %dma_wait3A_274 = tpu.memref_squeeze %dma_wait3A_273 : memref<1x1x128xi32, #tpu.memory_space<vmem>> -> memref<128xi32, #tpu.memory_space<vmem>>
        %dma_wait3A_275 = arith.constant 0 : i32
        %dma_wait3A_276 = arith.constant 0 : i32
        %dma_wait3A_277 = tpu.memref_slice %arg11[%dma_wait3A_275, %dma_wait3A_276] : memref<10240x128xf32, #tpu.memory_space<vmem_shared>> -> memref<10240x128xf32, #tpu.memory_space<vmem_shared>>
        tpu.wait_indirect_dma semaphore(%run_scoped3A_265 : memref<!tpu.dma_semaphore, #tpu.memory_space<semaphore_mem>>) src(%arg10 : memref<128x128xf32, #tpu.memory_space<vmem>>) dst(%dma_wait3A_277 : memref<10240x128xf32, #tpu.memory_space<vmem_shared>>)
        tpu.yield
      }) : () -> ()
      %dma_start3A_201 = arith.constant 5 : i32
      %dma_start3A_202 = arith.constant 0 : i32
      %dma_start3A_203 = tpu.memref_slice %arg7[%select_n3A_137, %dma_start3A_201, %dma_start3A_202] : memref<3x8x128xi32, #tpu.memory_space<vmem>> -> memref<1x1x128xi32, #tpu.memory_space<vmem>>
      %dma_start3A_204 = tpu.memref_squeeze %dma_start3A_203 : memref<1x1x128xi32, #tpu.memory_space<vmem>> -> memref<128xi32, #tpu.memory_space<vmem>>
      %dma_start3A_205 = arith.constant 0 : i32
      %dma_start3A_206 = arith.constant 0 : i32
      %dma_start3A_207 = tpu.memref_slice %arg2[%dma_start3A_205, %dma_start3A_206] : memref<10240x128xf32, #tpu.memory_space<hbm>> -> memref<10240x128xf32, #tpu.memory_space<hbm>>
      tpu.enqueue_indirect_dma source(%dma_start3A_207 : memref<10240x128xf32, #tpu.memory_space<hbm>>) target(%arg10 : memref<128x128xf32, #tpu.memory_space<vmem>>) offsets(%dma_start3A_204 : memref<128xi32, #tpu.memory_space<vmem>>) semaphore(%arg12 : memref<!tpu.dma_semaphore, #tpu.memory_space<semaphore_mem>>)
      %dma_wait3A_208 = arith.constant 4 : i32
      %dma_wait3A_209 = arith.constant 0 : i32
      %dma_wait3A_210 = tpu.memref_slice %arg7[%select_n3A_137, %dma_wait3A_208, %dma_wait3A_209] : memref<3x8x128xi32, #tpu.memory_space<vmem>> -> memref<1x1x128xi32, #tpu.memory_space<vmem>>
      %dma_wait3A_211 = tpu.memref_squeeze %dma_wait3A_210 : memref<1x1x128xi32, #tpu.memory_space<vmem>> -> memref<128xi32, #tpu.memory_space<vmem>>
      %dma_wait3A_212 = arith.constant 0 : i32
      %dma_wait3A_213 = arith.constant 0 : i32
      %dma_wait3A_214 = tpu.memref_slice %arg2[%dma_wait3A_212, %dma_wait3A_213] : memref<10240x128xf32, #tpu.memory_space<hbm>> -> memref<10240x128xf32, #tpu.memory_space<hbm>>
      tpu.wait_indirect_dma semaphore(%arg12 : memref<!tpu.dma_semaphore, #tpu.memory_space<semaphore_mem>>) src(%dma_wait3A_214 : memref<10240x128xf32, #tpu.memory_space<hbm>>) dst(%arg9 : memref<128x128xf32, #tpu.memory_space<vmem>>)
      %run_scoped3A_215 = arith.constant 4 : i32
      "tpu.region"() ({
        %run_scoped3A_265 = tpu.sem_alloc : memref<!tpu.dma_semaphore, #tpu.memory_space<semaphore_mem>>
        %dma_start3A_266 = arith.constant 0 : i32
        %dma_start3A_267 = tpu.memref_slice %arg8[%select_n3A_137, %run_scoped3A_215, %dma_start3A_266] : memref<3x8x128xi32, #tpu.memory_space<vmem>> -> memref<1x1x128xi32, #tpu.memory_space<vmem>>
        %dma_start3A_268 = tpu.memref_squeeze %dma_start3A_267 : memref<1x1x128xi32, #tpu.memory_space<vmem>> -> memref<128xi32, #tpu.memory_space<vmem>>
        %dma_start3A_269 = arith.constant 0 : i32
        %dma_start3A_270 = arith.constant 0 : i32
        %dma_start3A_271 = tpu.memref_slice %arg11[%dma_start3A_269, %dma_start3A_270] : memref<10240x128xf32, #tpu.memory_space<vmem_shared>> -> memref<10240x128xf32, #tpu.memory_space<vmem_shared>>
        tpu.enqueue_indirect_dma source(%arg9 : memref<128x128xf32, #tpu.memory_space<vmem>>) target(%dma_start3A_271 : memref<10240x128xf32, #tpu.memory_space<vmem_shared>>) offsets(%dma_start3A_268 : memref<128xi32, #tpu.memory_space<vmem>>) semaphore(%run_scoped3A_265 : memref<!tpu.dma_semaphore, #tpu.memory_space<semaphore_mem>>) {add = true}
        %dma_wait3A_272 = arith.constant 0 : i32
        %dma_wait3A_273 = tpu.memref_slice %arg8[%select_n3A_137, %run_scoped3A_215, %dma_wait3A_272] : memref<3x8x128xi32, #tpu.memory_space<vmem>> -> memref<1x1x128xi32, #tpu.memory_space<vmem>>
        %dma_wait3A_274 = tpu.memref_squeeze %dma_wait3A_273 : memref<1x1x128xi32, #tpu.memory_space<vmem>> -> memref<128xi32, #tpu.memory_space<vmem>>
        %dma_wait3A_275 = arith.constant 0 : i32
        %dma_wait3A_276 = arith.constant 0 : i32
        %dma_wait3A_277 = tpu.memref_slice %arg11[%dma_wait3A_275, %dma_wait3A_276] : memref<10240x128xf32, #tpu.memory_space<vmem_shared>> -> memref<10240x128xf32, #tpu.memory_space<vmem_shared>>
        tpu.wait_indirect_dma semaphore(%run_scoped3A_265 : memref<!tpu.dma_semaphore, #tpu.memory_space<semaphore_mem>>) src(%arg9 : memref<128x128xf32, #tpu.memory_space<vmem>>) dst(%dma_wait3A_277 : memref<10240x128xf32, #tpu.memory_space<vmem_shared>>)
        tpu.yield
      }) : () -> ()
      %dma_start3A_216 = arith.constant 6 : i32
      %dma_start3A_217 = arith.constant 0 : i32
      %dma_start3A_218 = tpu.memref_slice %arg7[%select_n3A_137, %dma_start3A_216, %dma_start3A_217] : memref<3x8x128xi32, #tpu.memory_space<vmem>> -> memref<1x1x128xi32, #tpu.memory_space<vmem>>
      %dma_start3A_219 = tpu.memref_squeeze %dma_start3A_218 : memref<1x1x128xi32, #tpu.memory_space<vmem>> -> memref<128xi32, #tpu.memory_space<vmem>>
      %dma_start3A_220 = arith.constant 0 : i32
      %dma_start3A_221 = arith.constant 0 : i32
      %dma_start3A_222 = tpu.memref_slice %arg2[%dma_start3A_220, %dma_start3A_221] : memref<10240x128xf32, #tpu.memory_space<hbm>> -> memref<10240x128xf32, #tpu.memory_space<hbm>>
      tpu.enqueue_indirect_dma source(%dma_start3A_222 : memref<10240x128xf32, #tpu.memory_space<hbm>>) target(%arg9 : memref<128x128xf32, #tpu.memory_space<vmem>>) offsets(%dma_start3A_219 : memref<128xi32, #tpu.memory_space<vmem>>) semaphore(%arg12 : memref<!tpu.dma_semaphore, #tpu.memory_space<semaphore_mem>>)
      %dma_wait3A_223 = arith.constant 5 : i32
      %dma_wait3A_224 = arith.constant 0 : i32
      %dma_wait3A_225 = tpu.memref_slice %arg7[%select_n3A_137, %dma_wait3A_223, %dma_wait3A_224] : memref<3x8x128xi32, #tpu.memory_space<vmem>> -> memref<1x1x128xi32, #tpu.memory_space<vmem>>
      %dma_wait3A_226 = tpu.memref_squeeze %dma_wait3A_225 : memref<1x1x128xi32, #tpu.memory_space<vmem>> -> memref<128xi32, #tpu.memory_space<vmem>>
      %dma_wait3A_227 = arith.constant 0 : i32
      %dma_wait3A_228 = arith.constant 0 : i32
      %dma_wait3A_229 = tpu.memref_slice %arg2[%dma_wait3A_227, %dma_wait3A_228] : memref<10240x128xf32, #tpu.memory_space<hbm>> -> memref<10240x128xf32, #tpu.memory_space<hbm>>
      tpu.wait_indirect_dma semaphore(%arg12 : memref<!tpu.dma_semaphore, #tpu.memory_space<semaphore_mem>>) src(%dma_wait3A_229 : memref<10240x128xf32, #tpu.memory_space<hbm>>) dst(%arg10 : memref<128x128xf32, #tpu.memory_space<vmem>>)
      %run_scoped3A_230 = arith.constant 5 : i32
      "tpu.region"() ({
        %run_scoped3A_265 = tpu.sem_alloc : memref<!tpu.dma_semaphore, #tpu.memory_space<semaphore_mem>>
        %dma_start3A_266 = arith.constant 0 : i32
        %dma_start3A_267 = tpu.memref_slice %arg8[%select_n3A_137, %run_scoped3A_230, %dma_start3A_266] : memref<3x8x128xi32, #tpu.memory_space<vmem>> -> memref<1x1x128xi32, #tpu.memory_space<vmem>>
        %dma_start3A_268 = tpu.memref_squeeze %dma_start3A_267 : memref<1x1x128xi32, #tpu.memory_space<vmem>> -> memref<128xi32, #tpu.memory_space<vmem>>
        %dma_start3A_269 = arith.constant 0 : i32
        %dma_start3A_270 = arith.constant 0 : i32
        %dma_start3A_271 = tpu.memref_slice %arg11[%dma_start3A_269, %dma_start3A_270] : memref<10240x128xf32, #tpu.memory_space<vmem_shared>> -> memref<10240x128xf32, #tpu.memory_space<vmem_shared>>
        tpu.enqueue_indirect_dma source(%arg10 : memref<128x128xf32, #tpu.memory_space<vmem>>) target(%dma_start3A_271 : memref<10240x128xf32, #tpu.memory_space<vmem_shared>>) offsets(%dma_start3A_268 : memref<128xi32, #tpu.memory_space<vmem>>) semaphore(%run_scoped3A_265 : memref<!tpu.dma_semaphore, #tpu.memory_space<semaphore_mem>>) {add = true}
        %dma_wait3A_272 = arith.constant 0 : i32
        %dma_wait3A_273 = tpu.memref_slice %arg8[%select_n3A_137, %run_scoped3A_230, %dma_wait3A_272] : memref<3x8x128xi32, #tpu.memory_space<vmem>> -> memref<1x1x128xi32, #tpu.memory_space<vmem>>
        %dma_wait3A_274 = tpu.memref_squeeze %dma_wait3A_273 : memref<1x1x128xi32, #tpu.memory_space<vmem>> -> memref<128xi32, #tpu.memory_space<vmem>>
        %dma_wait3A_275 = arith.constant 0 : i32
        %dma_wait3A_276 = arith.constant 0 : i32
        %dma_wait3A_277 = tpu.memref_slice %arg11[%dma_wait3A_275, %dma_wait3A_276] : memref<10240x128xf32, #tpu.memory_space<vmem_shared>> -> memref<10240x128xf32, #tpu.memory_space<vmem_shared>>
        tpu.wait_indirect_dma semaphore(%run_scoped3A_265 : memref<!tpu.dma_semaphore, #tpu.memory_space<semaphore_mem>>) src(%arg10 : memref<128x128xf32, #tpu.memory_space<vmem>>) dst(%dma_wait3A_277 : memref<10240x128xf32, #tpu.memory_space<vmem_shared>>)
        tpu.yield
      }) : () -> ()
      %dma_start3A_231 = arith.constant 7 : i32
      %dma_start3A_232 = arith.constant 0 : i32
      %dma_start3A_233 = tpu.memref_slice %arg7[%select_n3A_137, %dma_start3A_231, %dma_start3A_232] : memref<3x8x128xi32, #tpu.memory_space<vmem>> -> memref<1x1x128xi32, #tpu.memory_space<vmem>>
      %dma_start3A_234 = tpu.memref_squeeze %dma_start3A_233 : memref<1x1x128xi32, #tpu.memory_space<vmem>> -> memref<128xi32, #tpu.memory_space<vmem>>
      %dma_start3A_235 = arith.constant 0 : i32
      %dma_start3A_236 = arith.constant 0 : i32
      %dma_start3A_237 = tpu.memref_slice %arg2[%dma_start3A_235, %dma_start3A_236] : memref<10240x128xf32, #tpu.memory_space<hbm>> -> memref<10240x128xf32, #tpu.memory_space<hbm>>
      tpu.enqueue_indirect_dma source(%dma_start3A_237 : memref<10240x128xf32, #tpu.memory_space<hbm>>) target(%arg10 : memref<128x128xf32, #tpu.memory_space<vmem>>) offsets(%dma_start3A_234 : memref<128xi32, #tpu.memory_space<vmem>>) semaphore(%arg12 : memref<!tpu.dma_semaphore, #tpu.memory_space<semaphore_mem>>)
      %dma_wait3A_238 = arith.constant 6 : i32
      %dma_wait3A_239 = arith.constant 0 : i32
      %dma_wait3A_240 = tpu.memref_slice %arg7[%select_n3A_137, %dma_wait3A_238, %dma_wait3A_239] : memref<3x8x128xi32, #tpu.memory_space<vmem>> -> memref<1x1x128xi32, #tpu.memory_space<vmem>>
      %dma_wait3A_241 = tpu.memref_squeeze %dma_wait3A_240 : memref<1x1x128xi32, #tpu.memory_space<vmem>> -> memref<128xi32, #tpu.memory_space<vmem>>
      %dma_wait3A_242 = arith.constant 0 : i32
      %dma_wait3A_243 = arith.constant 0 : i32
      %dma_wait3A_244 = tpu.memref_slice %arg2[%dma_wait3A_242, %dma_wait3A_243] : memref<10240x128xf32, #tpu.memory_space<hbm>> -> memref<10240x128xf32, #tpu.memory_space<hbm>>
      tpu.wait_indirect_dma semaphore(%arg12 : memref<!tpu.dma_semaphore, #tpu.memory_space<semaphore_mem>>) src(%dma_wait3A_244 : memref<10240x128xf32, #tpu.memory_space<hbm>>) dst(%arg9 : memref<128x128xf32, #tpu.memory_space<vmem>>)
      %run_scoped3A_245 = arith.constant 6 : i32
      "tpu.region"() ({
        %run_scoped3A_265 = tpu.sem_alloc : memref<!tpu.dma_semaphore, #tpu.memory_space<semaphore_mem>>
        %dma_start3A_266 = arith.constant 0 : i32
        %dma_start3A_267 = tpu.memref_slice %arg8[%select_n3A_137, %run_scoped3A_245, %dma_start3A_266] : memref<3x8x128xi32, #tpu.memory_space<vmem>> -> memref<1x1x128xi32, #tpu.memory_space<vmem>>
        %dma_start3A_268 = tpu.memref_squeeze %dma_start3A_267 : memref<1x1x128xi32, #tpu.memory_space<vmem>> -> memref<128xi32, #tpu.memory_space<vmem>>
        %dma_start3A_269 = arith.constant 0 : i32
        %dma_start3A_270 = arith.constant 0 : i32
        %dma_start3A_271 = tpu.memref_slice %arg11[%dma_start3A_269, %dma_start3A_270] : memref<10240x128xf32, #tpu.memory_space<vmem_shared>> -> memref<10240x128xf32, #tpu.memory_space<vmem_shared>>
        tpu.enqueue_indirect_dma source(%arg9 : memref<128x128xf32, #tpu.memory_space<vmem>>) target(%dma_start3A_271 : memref<10240x128xf32, #tpu.memory_space<vmem_shared>>) offsets(%dma_start3A_268 : memref<128xi32, #tpu.memory_space<vmem>>) semaphore(%run_scoped3A_265 : memref<!tpu.dma_semaphore, #tpu.memory_space<semaphore_mem>>) {add = true}
        %dma_wait3A_272 = arith.constant 0 : i32
        %dma_wait3A_273 = tpu.memref_slice %arg8[%select_n3A_137, %run_scoped3A_245, %dma_wait3A_272] : memref<3x8x128xi32, #tpu.memory_space<vmem>> -> memref<1x1x128xi32, #tpu.memory_space<vmem>>
        %dma_wait3A_274 = tpu.memref_squeeze %dma_wait3A_273 : memref<1x1x128xi32, #tpu.memory_space<vmem>> -> memref<128xi32, #tpu.memory_space<vmem>>
        %dma_wait3A_275 = arith.constant 0 : i32
        %dma_wait3A_276 = arith.constant 0 : i32
        %dma_wait3A_277 = tpu.memref_slice %arg11[%dma_wait3A_275, %dma_wait3A_276] : memref<10240x128xf32, #tpu.memory_space<vmem_shared>> -> memref<10240x128xf32, #tpu.memory_space<vmem_shared>>
        tpu.wait_indirect_dma semaphore(%run_scoped3A_265 : memref<!tpu.dma_semaphore, #tpu.memory_space<semaphore_mem>>) src(%arg9 : memref<128x128xf32, #tpu.memory_space<vmem>>) dst(%dma_wait3A_277 : memref<10240x128xf32, #tpu.memory_space<vmem_shared>>)
        tpu.yield
      }) : () -> ()
      %lt3A_246 = arith.constant 9 : i32
      %lt3A_247 = arith.cmpi slt, %scan3A_127, %lt3A_246 : i32
      %convert_element_type3A_248 = arith.extui %lt3A_247 : i1 to i32
      %cond3A_249 = arith.constant 0 : i32
      %cond3A_250 = arith.cmpi ne, %convert_element_type3A_248, %cond3A_249 : i32
      scf.if %cond3A_250 {
        %add3A_265 = arith.constant 1 : i32
        %add3A_266 = arith.addi %scan3A_127, %add3A_265 : i32
        %jit3A_267 = arith.constant 3 : i32
        %eq3A_268 = arith.constant 0 : i32
        %eq3A_269 = arith.cmpi eq, %jit3A_267, %eq3A_268 : i32
        %jit3A_270 = arith.constant 1 : i32
        %select_n3A_271 = arith.select %eq3A_269, %jit3A_270, %jit3A_267 : i32
        %rem3A_272 = arith.remsi %add3A_266, %select_n3A_271 : i32
        %ne3A_273 = arith.constant 0 : i32
        %ne3A_274 = arith.cmpi ne, %rem3A_272, %ne3A_273 : i32
        %lt3A_275 = arith.constant 0 : i32
        %lt3A_276 = arith.cmpi slt, %rem3A_272, %lt3A_275 : i32
        %lt3A_277 = arith.constant 0 : i32
        %lt3A_278 = arith.cmpi slt, %select_n3A_271, %lt3A_277 : i32
        %ne3A_279 = arith.xori %lt3A_276, %lt3A_278 : i1
        %and3A_280 = arith.andi %ne3A_279, %ne3A_274 : i1
        %add3A_281 = arith.addi %rem3A_272, %select_n3A_271 : i32
        %select_n3A_282 = arith.select %and3A_280, %add3A_281, %rem3A_272 : i32
        %dma_start3A_283 = arith.constant 0 : i32
        %dma_start3A_284 = arith.constant 0 : i32
        %dma_start3A_285 = tpu.memref_slice %arg7[%select_n3A_282, %dma_start3A_283, %dma_start3A_284] : memref<3x8x128xi32, #tpu.memory_space<vmem>> -> memref<1x1x128xi32, #tpu.memory_space<vmem>>
        %dma_start3A_286 = tpu.memref_squeeze %dma_start3A_285 : memref<1x1x128xi32, #tpu.memory_space<vmem>> -> memref<128xi32, #tpu.memory_space<vmem>>
        %dma_start3A_287 = arith.constant 0 : i32
        %dma_start3A_288 = arith.constant 0 : i32
        %dma_start3A_289 = tpu.memref_slice %arg2[%dma_start3A_287, %dma_start3A_288] : memref<10240x128xf32, #tpu.memory_space<hbm>> -> memref<10240x128xf32, #tpu.memory_space<hbm>>
        tpu.enqueue_indirect_dma source(%dma_start3A_289 : memref<10240x128xf32, #tpu.memory_space<hbm>>) target(%arg9 : memref<128x128xf32, #tpu.memory_space<vmem>>) offsets(%dma_start3A_286 : memref<128xi32, #tpu.memory_space<vmem>>) semaphore(%arg12 : memref<!tpu.dma_semaphore, #tpu.memory_space<semaphore_mem>>)
      } else {
      }
      %dma_wait3A_251 = arith.constant 7 : i32
      %dma_wait3A_252 = arith.constant 0 : i32
      %dma_wait3A_253 = tpu.memref_slice %arg7[%select_n3A_137, %dma_wait3A_251, %dma_wait3A_252] : memref<3x8x128xi32, #tpu.memory_space<vmem>> -> memref<1x1x128xi32, #tpu.memory_space<vmem>>
      %dma_wait3A_254 = tpu.memref_squeeze %dma_wait3A_253 : memref<1x1x128xi32, #tpu.memory_space<vmem>> -> memref<128xi32, #tpu.memory_space<vmem>>
      %dma_wait3A_255 = arith.constant 0 : i32
      %dma_wait3A_256 = arith.constant 0 : i32
      %dma_wait3A_257 = tpu.memref_slice %arg2[%dma_wait3A_255, %dma_wait3A_256] : memref<10240x128xf32, #tpu.memory_space<hbm>> -> memref<10240x128xf32, #tpu.memory_space<hbm>>
      tpu.wait_indirect_dma semaphore(%arg12 : memref<!tpu.dma_semaphore, #tpu.memory_space<semaphore_mem>>) src(%dma_wait3A_257 : memref<10240x128xf32, #tpu.memory_space<hbm>>) dst(%arg10 : memref<128x128xf32, #tpu.memory_space<vmem>>)
      %run_scoped3A_258 = arith.constant 7 : i32
      "tpu.region"() ({
        %run_scoped3A_265 = tpu.sem_alloc : memref<!tpu.dma_semaphore, #tpu.memory_space<semaphore_mem>>
        %dma_start3A_266 = arith.constant 0 : i32
        %dma_start3A_267 = tpu.memref_slice %arg8[%select_n3A_137, %run_scoped3A_258, %dma_start3A_266] : memref<3x8x128xi32, #tpu.memory_space<vmem>> -> memref<1x1x128xi32, #tpu.memory_space<vmem>>
        %dma_start3A_268 = tpu.memref_squeeze %dma_start3A_267 : memref<1x1x128xi32, #tpu.memory_space<vmem>> -> memref<128xi32, #tpu.memory_space<vmem>>
        %dma_start3A_269 = arith.constant 0 : i32
        %dma_start3A_270 = arith.constant 0 : i32
        %dma_start3A_271 = tpu.memref_slice %arg11[%dma_start3A_269, %dma_start3A_270] : memref<10240x128xf32, #tpu.memory_space<vmem_shared>> -> memref<10240x128xf32, #tpu.memory_space<vmem_shared>>
        tpu.enqueue_indirect_dma source(%arg10 : memref<128x128xf32, #tpu.memory_space<vmem>>) target(%dma_start3A_271 : memref<10240x128xf32, #tpu.memory_space<vmem_shared>>) offsets(%dma_start3A_268 : memref<128xi32, #tpu.memory_space<vmem>>) semaphore(%run_scoped3A_265 : memref<!tpu.dma_semaphore, #tpu.memory_space<semaphore_mem>>) {add = true}
        %dma_wait3A_272 = arith.constant 0 : i32
        %dma_wait3A_273 = tpu.memref_slice %arg8[%select_n3A_137, %run_scoped3A_258, %dma_wait3A_272] : memref<3x8x128xi32, #tpu.memory_space<vmem>> -> memref<1x1x128xi32, #tpu.memory_space<vmem>>
        %dma_wait3A_274 = tpu.memref_squeeze %dma_wait3A_273 : memref<1x1x128xi32, #tpu.memory_space<vmem>> -> memref<128xi32, #tpu.memory_space<vmem>>
        %dma_wait3A_275 = arith.constant 0 : i32
        %dma_wait3A_276 = arith.constant 0 : i32
        %dma_wait3A_277 = tpu.memref_slice %arg11[%dma_wait3A_275, %dma_wait3A_276] : memref<10240x128xf32, #tpu.memory_space<vmem_shared>> -> memref<10240x128xf32, #tpu.memory_space<vmem_shared>>
        tpu.wait_indirect_dma semaphore(%run_scoped3A_265 : memref<!tpu.dma_semaphore, #tpu.memory_space<semaphore_mem>>) src(%arg10 : memref<128x128xf32, #tpu.memory_space<vmem>>) dst(%dma_wait3A_277 : memref<10240x128xf32, #tpu.memory_space<vmem_shared>>)
        tpu.yield
      }) : () -> ()
      %lt3A_259 = arith.constant 7 : i32
      %lt3A_260 = arith.cmpi slt, %scan3A_127, %lt3A_259 : i32
      %convert_element_type3A_261 = arith.extui %lt3A_260 : i1 to i32
      %cond3A_262 = arith.constant 0 : i32
      %cond3A_263 = arith.cmpi ne, %convert_element_type3A_261, %cond3A_262 : i32
      scf.if %cond3A_263 {
        %add3A_265 = arith.constant 3 : i32
        %add3A_266 = arith.addi %scan3A_127, %add3A_265 : i32
        %mul3A_267 = arith.constant 8 : i32
        %mul3A_268 = arith.muli %add3A_266, %mul3A_267 : i32
        %dma_start3A_269 = arith.constant 0 : i32
        %dma_start3A_270 = arith.constant 0 : i32
        %dma_start3A_271 = tpu.memref_slice %arg7[%select_n3A_137, %dma_start3A_269, %dma_start3A_270] : memref<3x8x128xi32, #tpu.memory_space<vmem>> -> memref<1x8x128xi32, #tpu.memory_space<vmem>>
        %dma_start3A_272 = tpu.memref_squeeze %dma_start3A_271 : memref<1x8x128xi32, #tpu.memory_space<vmem>> -> memref<8x128xi32, #tpu.memory_space<vmem>>
        %dma_start3A_273 = arith.constant 0 : i32
        %dma_start3A_274 = tpu.memref_slice %arg3[%add3A, %mul3A_268, %dma_start3A_273] : memref<32x80x128xi32, #tpu.memory_space<hbm>> -> memref<1x8x128xi32, #tpu.memory_space<hbm>>
        %dma_start3A_275 = tpu.memref_squeeze %dma_start3A_274 : memref<1x8x128xi32, #tpu.memory_space<hbm>> -> memref<8x128xi32, #tpu.memory_space<hbm>>
        %dma_start3A_276 = arith.constant 0 : i32
        %dma_start3A_277 = arith.constant 0 : i32
        %dma_start3A_278 = tpu.memref_slice %arg7[%select_n3A_137, %dma_start3A_276, %dma_start3A_277] : memref<3x8x128xi32, #tpu.memory_space<vmem>> -> memref<1x8x128xi32, #tpu.memory_space<vmem>>
        %dma_start3A_279 = tpu.memref_squeeze %dma_start3A_278 : memref<1x8x128xi32, #tpu.memory_space<vmem>> -> memref<8x128xi32, #tpu.memory_space<vmem>>
        %dma_start3A_280 = arith.constant 0 : i32
        %dma_start3A_281 = tpu.memref_slice %arg3[%add3A, %mul3A_268, %dma_start3A_280] : memref<32x80x128xi32, #tpu.memory_space<hbm>> -> memref<1x8x128xi32, #tpu.memory_space<hbm>>
        %dma_start3A_282 = tpu.memref_squeeze %dma_start3A_281 : memref<1x8x128xi32, #tpu.memory_space<hbm>> -> memref<8x128xi32, #tpu.memory_space<hbm>>
        tpu.enqueue_dma source(%dma_start3A_282 : memref<8x128xi32, #tpu.memory_space<hbm>>) target(%dma_start3A_279 : memref<8x128xi32, #tpu.memory_space<vmem>>) target_semaphore(%arg13 : memref<!tpu.dma_semaphore, #tpu.memory_space<semaphore_mem>>)
        %add3A_283 = arith.constant 3 : i32
        %add3A_284 = arith.addi %scan3A_127, %add3A_283 : i32
        %mul3A_285 = arith.constant 8 : i32
        %mul3A_286 = arith.muli %add3A_284, %mul3A_285 : i32
        %dma_start3A_287 = arith.constant 0 : i32
        %dma_start3A_288 = arith.constant 0 : i32
        %dma_start3A_289 = tpu.memref_slice %arg8[%select_n3A_137, %dma_start3A_287, %dma_start3A_288] : memref<3x8x128xi32, #tpu.memory_space<vmem>> -> memref<1x8x128xi32, #tpu.memory_space<vmem>>
        %dma_start3A_290 = tpu.memref_squeeze %dma_start3A_289 : memref<1x8x128xi32, #tpu.memory_space<vmem>> -> memref<8x128xi32, #tpu.memory_space<vmem>>
        %dma_start3A_291 = arith.constant 0 : i32
        %dma_start3A_292 = tpu.memref_slice %arg4[%add3A, %mul3A_286, %dma_start3A_291] : memref<32x80x128xi32, #tpu.memory_space<hbm>> -> memref<1x8x128xi32, #tpu.memory_space<hbm>>
        %dma_start3A_293 = tpu.memref_squeeze %dma_start3A_292 : memref<1x8x128xi32, #tpu.memory_space<hbm>> -> memref<8x128xi32, #tpu.memory_space<hbm>>
        %dma_start3A_294 = arith.constant 0 : i32
        %dma_start3A_295 = arith.constant 0 : i32
        %dma_start3A_296 = tpu.memref_slice %arg8[%select_n3A_137, %dma_start3A_294, %dma_start3A_295] : memref<3x8x128xi32, #tpu.memory_space<vmem>> -> memref<1x8x128xi32, #tpu.memory_space<vmem>>
        %dma_start3A_297 = tpu.memref_squeeze %dma_start3A_296 : memref<1x8x128xi32, #tpu.memory_space<vmem>> -> memref<8x128xi32, #tpu.memory_space<vmem>>
        %dma_start3A_298 = arith.constant 0 : i32
        %dma_start3A_299 = tpu.memref_slice %arg4[%add3A, %mul3A_286, %dma_start3A_298] : memref<32x80x128xi32, #tpu.memory_space<hbm>> -> memref<1x8x128xi32, #tpu.memory_space<hbm>>
        %dma_start3A_300 = tpu.memref_squeeze %dma_start3A_299 : memref<1x8x128xi32, #tpu.memory_space<hbm>> -> memref<8x128xi32, #tpu.memory_space<hbm>>
        tpu.enqueue_dma source(%dma_start3A_300 : memref<8x128xi32, #tpu.memory_space<hbm>>) target(%dma_start3A_297 : memref<8x128xi32, #tpu.memory_space<vmem>>) target_semaphore(%arg13 : memref<!tpu.dma_semaphore, #tpu.memory_space<semaphore_mem>>)
      } else {
      }
      %scan3A_264 = arith.constant 0 : i32
      scf.yield %scan3A_264 : i32
    }
    %scan3A_121 = arith.constant 10 : i32
    %barrier3A_122 = arith.constant 0 : index
    tpu.barrier barrier_id(%barrier3A_122)
    %mul3A_123 = arith.constant 640 : i32
    %mul3A_124 = arith.muli %arg1, %mul3A_123 : i32
    %mul3A_125 = arith.constant 640 : i32
    %mul3A_126 = arith.muli %arg1, %mul3A_125 : i32
    "tpu.region"() ({
      %run_scoped3A_127 = tpu.sem_alloc : memref<!tpu.dma_semaphore, #tpu.memory_space<semaphore_mem>>
      %dma_start3A_128 = arith.constant 0 : i32
      %dma_start3A_129 = tpu.memref_slice %arg6[%arg0, %mul3A_126, %dma_start3A_128] : memref<2x10240x128xf32, #tpu.memory_space<hbm>> -> memref<1x640x128xf32, #tpu.memory_space<hbm>>
      %dma_start3A_130 = tpu.memref_squeeze %dma_start3A_129 : memref<1x640x128xf32, #tpu.memory_space<hbm>> -> memref<640x128xf32, #tpu.memory_space<hbm>>
      %dma_start3A_131 = arith.constant 0 : i32
      %dma_start3A_132 = tpu.memref_slice %arg11[%mul3A_124, %dma_start3A_131] : memref<10240x128xf32, #tpu.memory_space<vmem_shared>> -> memref<640x128xf32, #tpu.memory_space<vmem_shared>>
      tpu.enqueue_dma source(%dma_start3A_132 : memref<640x128xf32, #tpu.memory_space<vmem_shared>>) target(%dma_start3A_130 : memref<640x128xf32, #tpu.memory_space<hbm>>) target_semaphore(%run_scoped3A_127 : memref<!tpu.dma_semaphore, #tpu.memory_space<semaphore_mem>>)
      %dma_wait3A_133 = arith.constant 0 : i32
      %dma_wait3A_134 = tpu.memref_slice %arg6[%arg0, %mul3A_126, %dma_wait3A_133] : memref<2x10240x128xf32, #tpu.memory_space<hbm>> -> memref<1x640x128xf32, #tpu.memory_space<hbm>>
      %dma_wait3A_135 = tpu.memref_squeeze %dma_wait3A_134 : memref<1x640x128xf32, #tpu.memory_space<hbm>> -> memref<640x128xf32, #tpu.memory_space<hbm>>
      %dma_wait3A_136 = arith.constant 0 : i32
      %dma_wait3A_137 = tpu.memref_slice %arg11[%mul3A_124, %dma_wait3A_136] : memref<10240x128xf32, #tpu.memory_space<vmem_shared>> -> memref<640x128xf32, #tpu.memory_space<vmem_shared>>
      tpu.wait_dma2 semaphore(%run_scoped3A_127 : memref<!tpu.dma_semaphore, #tpu.memory_space<semaphore_mem>>) src(%dma_wait3A_137 : memref<640x128xf32, #tpu.memory_space<vmem_shared>>) dst(%dma_wait3A_135 : memref<640x128xf32, #tpu.memory_space<hbm>>)
      tpu.yield
    }) : () -> ()
    return
  }
}

#map = affine_map<(d0, d1) -> (0, 0)>
#map1 = affine_map<(d0, d1) -> (0, 0, 0)>
module attributes {stable_mosaic.version = 14 : i64} {
  func.func @_sc_agg_body(%arg0: i32, %arg1: i32, %arg2: memref<10240x128xf32, #tpu.memory_space<hbm>>, %arg3: memref<32x80x128xi32, #tpu.memory_space<hbm>>, %arg4: memref<32x80x128xi32, #tpu.memory_space<hbm>>, %arg5: memref<128x128xf32, #tpu.memory_space<hbm>>, %arg6: memref<2x10240x128xf32, #tpu.memory_space<hbm>>, %arg7: memref<3x8x128xi32, #tpu.memory_space<vmem>>, %arg8: memref<3x8x128xi32, #tpu.memory_space<vmem>>, %arg9: memref<128x128xf32, #tpu.memory_space<vmem>>, %arg10: memref<128x128xf32, #tpu.memory_space<vmem>>, %arg11: memref<10240x128xf32, #tpu.memory_space<vmem_shared>>, %arg12: memref<!tpu.dma_semaphore, #tpu.memory_space<semaphore_mem>>, %arg13: memref<!tpu.dma_semaphore, #tpu.memory_space<semaphore_mem>>) attributes {dimension_semantics = [#tpu.dimension_semantics<core_parallel>, #tpu.dimension_semantics<subcore_parallel>], iteration_bounds = array<i64: 2, 16>, scalar_prefetch = 0 : i64, scratch_operands = 7 : i64, tpu.core_type = #tpu.core_type<sc_vector_subcore>, window_params = [{transform_indices = #map}, {transform_indices = #map1}, {transform_indices = #map1}, {transform_indices = #map}, {transform_indices = #map1}]} {
    %mul3A = arith.constant 16 : i32
    %mul3A_0 = arith.muli %arg0, %mul3A : i32
    %add3A = arith.addi %mul3A_0, %arg1 : i32
    %run_scoped3A = arith.constant 0 : i32
    "tpu.region"() ({
      %run_scoped3A_127 = tpu.sem_alloc : memref<!tpu.dma_semaphore, #tpu.memory_space<semaphore_mem>>
      %dma_start3A_128 = arith.constant 0 : i32
      %dma_start3A_129 = arith.constant 0 : i32
      %dma_start3A_130 = tpu.memref_slice %arg7[%run_scoped3A, %dma_start3A_128, %dma_start3A_129] : memref<3x8x128xi32, #tpu.memory_space<vmem>> -> memref<1x8x128xi32, #tpu.memory_space<vmem>>
      %dma_start3A_131 = tpu.memref_squeeze %dma_start3A_130 : memref<1x8x128xi32, #tpu.memory_space<vmem>> -> memref<8x128xi32, #tpu.memory_space<vmem>>
      %dma_start3A_132 = arith.constant 0 : i32
      %dma_start3A_133 = arith.constant 0 : i32
      %dma_start3A_134 = tpu.memref_slice %arg3[%add3A, %dma_start3A_132, %dma_start3A_133] : memref<32x80x128xi32, #tpu.memory_space<hbm>> -> memref<1x8x128xi32, #tpu.memory_space<hbm>>
      %dma_start3A_135 = tpu.memref_squeeze %dma_start3A_134 : memref<1x8x128xi32, #tpu.memory_space<hbm>> -> memref<8x128xi32, #tpu.memory_space<hbm>>
      %dma_start3A_136 = arith.constant 0 : i32
      %dma_start3A_137 = arith.constant 0 : i32
      %dma_start3A_138 = tpu.memref_slice %arg7[%run_scoped3A, %dma_start3A_136, %dma_start3A_137] : memref<3x8x128xi32, #tpu.memory_space<vmem>> -> memref<1x8x128xi32, #tpu.memory_space<vmem>>
      %dma_start3A_139 = tpu.memref_squeeze %dma_start3A_138 : memref<1x8x128xi32, #tpu.memory_space<vmem>> -> memref<8x128xi32, #tpu.memory_space<vmem>>
      %dma_start3A_140 = arith.constant 0 : i32
      %dma_start3A_141 = arith.constant 0 : i32
      %dma_start3A_142 = tpu.memref_slice %arg3[%add3A, %dma_start3A_140, %dma_start3A_141] : memref<32x80x128xi32, #tpu.memory_space<hbm>> -> memref<1x8x128xi32, #tpu.memory_space<hbm>>
      %dma_start3A_143 = tpu.memref_squeeze %dma_start3A_142 : memref<1x8x128xi32, #tpu.memory_space<hbm>> -> memref<8x128xi32, #tpu.memory_space<hbm>>
      tpu.enqueue_dma source(%dma_start3A_143 : memref<8x128xi32, #tpu.memory_space<hbm>>) target(%dma_start3A_139 : memref<8x128xi32, #tpu.memory_space<vmem>>) target_semaphore(%run_scoped3A_127 : memref<!tpu.dma_semaphore, #tpu.memory_space<semaphore_mem>>)
      %dma_wait3A_144 = arith.constant 0 : i32
      %dma_wait3A_145 = arith.constant 0 : i32
      %dma_wait3A_146 = tpu.memref_slice %arg7[%run_scoped3A, %dma_wait3A_144, %dma_wait3A_145] : memref<3x8x128xi32, #tpu.memory_space<vmem>> -> memref<1x8x128xi32, #tpu.memory_space<vmem>>
      %dma_wait3A_147 = tpu.memref_squeeze %dma_wait3A_146 : memref<1x8x128xi32, #tpu.memory_space<vmem>> -> memref<8x128xi32, #tpu.memory_space<vmem>>
      %dma_wait3A_148 = arith.constant 0 : i32
      %dma_wait3A_149 = arith.constant 0 : i32
      %dma_wait3A_150 = tpu.memref_slice %arg3[%add3A, %dma_wait3A_148, %dma_wait3A_149] : memref<32x80x128xi32, #tpu.memory_space<hbm>> -> memref<1x8x128xi32, #tpu.memory_space<hbm>>
      %dma_wait3A_151 = tpu.memref_squeeze %dma_wait3A_150 : memref<1x8x128xi32, #tpu.memory_space<hbm>> -> memref<8x128xi32, #tpu.memory_space<hbm>>
      %dma_wait3A_152 = arith.constant 0 : i32
      %dma_wait3A_153 = arith.constant 0 : i32
      %dma_wait3A_154 = tpu.memref_slice %arg7[%run_scoped3A, %dma_wait3A_152, %dma_wait3A_153] : memref<3x8x128xi32, #tpu.memory_space<vmem>> -> memref<1x8x128xi32, #tpu.memory_space<vmem>>
      %dma_wait3A_155 = tpu.memref_squeeze %dma_wait3A_154 : memref<1x8x128xi32, #tpu.memory_space<vmem>> -> memref<8x128xi32, #tpu.memory_space<vmem>>
      %dma_wait3A_156 = arith.constant 0 : i32
      %dma_wait3A_157 = arith.constant 0 : i32
      %dma_wait3A_158 = tpu.memref_slice %arg3[%add3A, %dma_wait3A_156, %dma_wait3A_157] : memref<32x80x128xi32, #tpu.memory_space<hbm>> -> memref<1x8x128xi32, #tpu.memory_space<hbm>>
      %dma_wait3A_159 = tpu.memref_squeeze %dma_wait3A_158 : memref<1x8x128xi32, #tpu.memory_space<hbm>> -> memref<8x128xi32, #tpu.memory_space<hbm>>
      tpu.wait_dma2 semaphore(%run_scoped3A_127 : memref<!tpu.dma_semaphore, #tpu.memory_space<semaphore_mem>>) src(%dma_wait3A_159 : memref<8x128xi32, #tpu.memory_space<hbm>>) dst(%dma_wait3A_155 : memref<8x128xi32, #tpu.memory_space<vmem>>)
      tpu.yield
    }) : () -> ()
    %run_scoped3A_1 = arith.constant 0 : i32
    "tpu.region"() ({
      %run_scoped3A_127 = tpu.sem_alloc : memref<!tpu.dma_semaphore, #tpu.memory_space<semaphore_mem>>
      %dma_start3A_128 = arith.constant 0 : i32
      %dma_start3A_129 = arith.constant 0 : i32
      %dma_start3A_130 = tpu.memref_slice %arg8[%run_scoped3A_1, %dma_start3A_128, %dma_start3A_129] : memref<3x8x128xi32, #tpu.memory_space<vmem>> -> memref<1x8x128xi32, #tpu.memory_space<vmem>>
      %dma_start3A_131 = tpu.memref_squeeze %dma_start3A_130 : memref<1x8x128xi32, #tpu.memory_space<vmem>> -> memref<8x128xi32, #tpu.memory_space<vmem>>
      %dma_start3A_132 = arith.constant 0 : i32
      %dma_start3A_133 = arith.constant 0 : i32
      %dma_start3A_134 = tpu.memref_slice %arg4[%add3A, %dma_start3A_132, %dma_start3A_133] : memref<32x80x128xi32, #tpu.memory_space<hbm>> -> memref<1x8x128xi32, #tpu.memory_space<hbm>>
      %dma_start3A_135 = tpu.memref_squeeze %dma_start3A_134 : memref<1x8x128xi32, #tpu.memory_space<hbm>> -> memref<8x128xi32, #tpu.memory_space<hbm>>
      %dma_start3A_136 = arith.constant 0 : i32
      %dma_start3A_137 = arith.constant 0 : i32
      %dma_start3A_138 = tpu.memref_slice %arg8[%run_scoped3A_1, %dma_start3A_136, %dma_start3A_137] : memref<3x8x128xi32, #tpu.memory_space<vmem>> -> memref<1x8x128xi32, #tpu.memory_space<vmem>>
      %dma_start3A_139 = tpu.memref_squeeze %dma_start3A_138 : memref<1x8x128xi32, #tpu.memory_space<vmem>> -> memref<8x128xi32, #tpu.memory_space<vmem>>
      %dma_start3A_140 = arith.constant 0 : i32
      %dma_start3A_141 = arith.constant 0 : i32
      %dma_start3A_142 = tpu.memref_slice %arg4[%add3A, %dma_start3A_140, %dma_start3A_141] : memref<32x80x128xi32, #tpu.memory_space<hbm>> -> memref<1x8x128xi32, #tpu.memory_space<hbm>>
      %dma_start3A_143 = tpu.memref_squeeze %dma_start3A_142 : memref<1x8x128xi32, #tpu.memory_space<hbm>> -> memref<8x128xi32, #tpu.memory_space<hbm>>
      tpu.enqueue_dma source(%dma_start3A_143 : memref<8x128xi32, #tpu.memory_space<hbm>>) target(%dma_start3A_139 : memref<8x128xi32, #tpu.memory_space<vmem>>) target_semaphore(%run_scoped3A_127 : memref<!tpu.dma_semaphore, #tpu.memory_space<semaphore_mem>>)
      %dma_wait3A_144 = arith.constant 0 : i32
      %dma_wait3A_145 = arith.constant 0 : i32
      %dma_wait3A_146 = tpu.memref_slice %arg8[%run_scoped3A_1, %dma_wait3A_144, %dma_wait3A_145] : memref<3x8x128xi32, #tpu.memory_space<vmem>> -> memref<1x8x128xi32, #tpu.memory_space<vmem>>
      %dma_wait3A_147 = tpu.memref_squeeze %dma_wait3A_146 : memref<1x8x128xi32, #tpu.memory_space<vmem>> -> memref<8x128xi32, #tpu.memory_space<vmem>>
      %dma_wait3A_148 = arith.constant 0 : i32
      %dma_wait3A_149 = arith.constant 0 : i32
      %dma_wait3A_150 = tpu.memref_slice %arg4[%add3A, %dma_wait3A_148, %dma_wait3A_149] : memref<32x80x128xi32, #tpu.memory_space<hbm>> -> memref<1x8x128xi32, #tpu.memory_space<hbm>>
      %dma_wait3A_151 = tpu.memref_squeeze %dma_wait3A_150 : memref<1x8x128xi32, #tpu.memory_space<hbm>> -> memref<8x128xi32, #tpu.memory_space<hbm>>
      %dma_wait3A_152 = arith.constant 0 : i32
      %dma_wait3A_153 = arith.constant 0 : i32
      %dma_wait3A_154 = tpu.memref_slice %arg8[%run_scoped3A_1, %dma_wait3A_152, %dma_wait3A_153] : memref<3x8x128xi32, #tpu.memory_space<vmem>> -> memref<1x8x128xi32, #tpu.memory_space<vmem>>
      %dma_wait3A_155 = tpu.memref_squeeze %dma_wait3A_154 : memref<1x8x128xi32, #tpu.memory_space<vmem>> -> memref<8x128xi32, #tpu.memory_space<vmem>>
      %dma_wait3A_156 = arith.constant 0 : i32
      %dma_wait3A_157 = arith.constant 0 : i32
      %dma_wait3A_158 = tpu.memref_slice %arg4[%add3A, %dma_wait3A_156, %dma_wait3A_157] : memref<32x80x128xi32, #tpu.memory_space<hbm>> -> memref<1x8x128xi32, #tpu.memory_space<hbm>>
      %dma_wait3A_159 = tpu.memref_squeeze %dma_wait3A_158 : memref<1x8x128xi32, #tpu.memory_space<hbm>> -> memref<8x128xi32, #tpu.memory_space<hbm>>
      tpu.wait_dma2 semaphore(%run_scoped3A_127 : memref<!tpu.dma_semaphore, #tpu.memory_space<semaphore_mem>>) src(%dma_wait3A_159 : memref<8x128xi32, #tpu.memory_space<hbm>>) dst(%dma_wait3A_155 : memref<8x128xi32, #tpu.memory_space<vmem>>)
      tpu.yield
    }) : () -> ()
    %dma_start3A = arith.constant 1 : i32
    %dma_start3A_2 = arith.constant 0 : i32
    %dma_start3A_3 = arith.constant 0 : i32
    %dma_start3A_4 = tpu.memref_slice %arg7[%dma_start3A, %dma_start3A_2, %dma_start3A_3] : memref<3x8x128xi32, #tpu.memory_space<vmem>> -> memref<1x8x128xi32, #tpu.memory_space<vmem>>
    %dma_start3A_5 = tpu.memref_squeeze %dma_start3A_4 : memref<1x8x128xi32, #tpu.memory_space<vmem>> -> memref<8x128xi32, #tpu.memory_space<vmem>>
    %dma_start3A_6 = arith.constant 8 : i32
    %dma_start3A_7 = arith.constant 0 : i32
    %dma_start3A_8 = tpu.memref_slice %arg3[%add3A, %dma_start3A_6, %dma_start3A_7] : memref<32x80x128xi32, #tpu.memory_space<hbm>> -> memref<1x8x128xi32, #tpu.memory_space<hbm>>
    %dma_start3A_9 = tpu.memref_squeeze %dma_start3A_8 : memref<1x8x128xi32, #tpu.memory_space<hbm>> -> memref<8x128xi32, #tpu.memory_space<hbm>>
    %dma_start3A_10 = arith.constant 0 : i32
    %dma_start3A_11 = arith.constant 0 : i32
    %dma_start3A_12 = tpu.memref_slice %arg7[%dma_start3A, %dma_start3A_10, %dma_start3A_11] : memref<3x8x128xi32, #tpu.memory_space<vmem>> -> memref<1x8x128xi32, #tpu.memory_space<vmem>>
    %dma_start3A_13 = tpu.memref_squeeze %dma_start3A_12 : memref<1x8x128xi32, #tpu.memory_space<vmem>> -> memref<8x128xi32, #tpu.memory_space<vmem>>
    %dma_start3A_14 = arith.constant 8 : i32
    %dma_start3A_15 = arith.constant 0 : i32
    %dma_start3A_16 = tpu.memref_slice %arg3[%add3A, %dma_start3A_14, %dma_start3A_15] : memref<32x80x128xi32, #tpu.memory_space<hbm>> -> memref<1x8x128xi32, #tpu.memory_space<hbm>>
    %dma_start3A_17 = tpu.memref_squeeze %dma_start3A_16 : memref<1x8x128xi32, #tpu.memory_space<hbm>> -> memref<8x128xi32, #tpu.memory_space<hbm>>
    tpu.enqueue_dma source(%dma_start3A_17 : memref<8x128xi32, #tpu.memory_space<hbm>>) target(%dma_start3A_13 : memref<8x128xi32, #tpu.memory_space<vmem>>) target_semaphore(%arg13 : memref<!tpu.dma_semaphore, #tpu.memory_space<semaphore_mem>>)
    %dma_start3A_18 = arith.constant 1 : i32
    %dma_start3A_19 = arith.constant 0 : i32
    %dma_start3A_20 = arith.constant 0 : i32
    %dma_start3A_21 = tpu.memref_slice %arg8[%dma_start3A_18, %dma_start3A_19, %dma_start3A_20] : memref<3x8x128xi32, #tpu.memory_space<vmem>> -> memref<1x8x128xi32, #tpu.memory_space<vmem>>
    %dma_start3A_22 = tpu.memref_squeeze %dma_start3A_21 : memref<1x8x128xi32, #tpu.memory_space<vmem>> -> memref<8x128xi32, #tpu.memory_space<vmem>>
    %dma_start3A_23 = arith.constant 8 : i32
    %dma_start3A_24 = arith.constant 0 : i32
    %dma_start3A_25 = tpu.memref_slice %arg4[%add3A, %dma_start3A_23, %dma_start3A_24] : memref<32x80x128xi32, #tpu.memory_space<hbm>> -> memref<1x8x128xi32, #tpu.memory_space<hbm>>
    %dma_start3A_26 = tpu.memref_squeeze %dma_start3A_25 : memref<1x8x128xi32, #tpu.memory_space<hbm>> -> memref<8x128xi32, #tpu.memory_space<hbm>>
    %dma_start3A_27 = arith.constant 0 : i32
    %dma_start3A_28 = arith.constant 0 : i32
    %dma_start3A_29 = tpu.memref_slice %arg8[%dma_start3A_18, %dma_start3A_27, %dma_start3A_28] : memref<3x8x128xi32, #tpu.memory_space<vmem>> -> memref<1x8x128xi32, #tpu.memory_space<vmem>>
    %dma_start3A_30 = tpu.memref_squeeze %dma_start3A_29 : memref<1x8x128xi32, #tpu.memory_space<vmem>> -> memref<8x128xi32, #tpu.memory_space<vmem>>
    %dma_start3A_31 = arith.constant 8 : i32
    %dma_start3A_32 = arith.constant 0 : i32
    %dma_start3A_33 = tpu.memref_slice %arg4[%add3A, %dma_start3A_31, %dma_start3A_32] : memref<32x80x128xi32, #tpu.memory_space<hbm>> -> memref<1x8x128xi32, #tpu.memory_space<hbm>>
    %dma_start3A_34 = tpu.memref_squeeze %dma_start3A_33 : memref<1x8x128xi32, #tpu.memory_space<hbm>> -> memref<8x128xi32, #tpu.memory_space<hbm>>
    tpu.enqueue_dma source(%dma_start3A_34 : memref<8x128xi32, #tpu.memory_space<hbm>>) target(%dma_start3A_30 : memref<8x128xi32, #tpu.memory_space<vmem>>) target_semaphore(%arg13 : memref<!tpu.dma_semaphore, #tpu.memory_space<semaphore_mem>>)
    %dma_start3A_35 = arith.constant 2 : i32
    %dma_start3A_36 = arith.constant 0 : i32
    %dma_start3A_37 = arith.constant 0 : i32
    %dma_start3A_38 = tpu.memref_slice %arg7[%dma_start3A_35, %dma_start3A_36, %dma_start3A_37] : memref<3x8x128xi32, #tpu.memory_space<vmem>> -> memref<1x8x128xi32, #tpu.memory_space<vmem>>
    %dma_start3A_39 = tpu.memref_squeeze %dma_start3A_38 : memref<1x8x128xi32, #tpu.memory_space<vmem>> -> memref<8x128xi32, #tpu.memory_space<vmem>>
    %dma_start3A_40 = arith.constant 16 : i32
    %dma_start3A_41 = arith.constant 0 : i32
    %dma_start3A_42 = tpu.memref_slice %arg3[%add3A, %dma_start3A_40, %dma_start3A_41] : memref<32x80x128xi32, #tpu.memory_space<hbm>> -> memref<1x8x128xi32, #tpu.memory_space<hbm>>
    %dma_start3A_43 = tpu.memref_squeeze %dma_start3A_42 : memref<1x8x128xi32, #tpu.memory_space<hbm>> -> memref<8x128xi32, #tpu.memory_space<hbm>>
    %dma_start3A_44 = arith.constant 0 : i32
    %dma_start3A_45 = arith.constant 0 : i32
    %dma_start3A_46 = tpu.memref_slice %arg7[%dma_start3A_35, %dma_start3A_44, %dma_start3A_45] : memref<3x8x128xi32, #tpu.memory_space<vmem>> -> memref<1x8x128xi32, #tpu.memory_space<vmem>>
    %dma_start3A_47 = tpu.memref_squeeze %dma_start3A_46 : memref<1x8x128xi32, #tpu.memory_space<vmem>> -> memref<8x128xi32, #tpu.memory_space<vmem>>
    %dma_start3A_48 = arith.constant 16 : i32
    %dma_start3A_49 = arith.constant 0 : i32
    %dma_start3A_50 = tpu.memref_slice %arg3[%add3A, %dma_start3A_48, %dma_start3A_49] : memref<32x80x128xi32, #tpu.memory_space<hbm>> -> memref<1x8x128xi32, #tpu.memory_space<hbm>>
    %dma_start3A_51 = tpu.memref_squeeze %dma_start3A_50 : memref<1x8x128xi32, #tpu.memory_space<hbm>> -> memref<8x128xi32, #tpu.memory_space<hbm>>
    tpu.enqueue_dma source(%dma_start3A_51 : memref<8x128xi32, #tpu.memory_space<hbm>>) target(%dma_start3A_47 : memref<8x128xi32, #tpu.memory_space<vmem>>) target_semaphore(%arg13 : memref<!tpu.dma_semaphore, #tpu.memory_space<semaphore_mem>>)
    %dma_start3A_52 = arith.constant 2 : i32
    %dma_start3A_53 = arith.constant 0 : i32
    %dma_start3A_54 = arith.constant 0 : i32
    %dma_start3A_55 = tpu.memref_slice %arg8[%dma_start3A_52, %dma_start3A_53, %dma_start3A_54] : memref<3x8x128xi32, #tpu.memory_space<vmem>> -> memref<1x8x128xi32, #tpu.memory_space<vmem>>
    %dma_start3A_56 = tpu.memref_squeeze %dma_start3A_55 : memref<1x8x128xi32, #tpu.memory_space<vmem>> -> memref<8x128xi32, #tpu.memory_space<vmem>>
    %dma_start3A_57 = arith.constant 16 : i32
    %dma_start3A_58 = arith.constant 0 : i32
    %dma_start3A_59 = tpu.memref_slice %arg4[%add3A, %dma_start3A_57, %dma_start3A_58] : memref<32x80x128xi32, #tpu.memory_space<hbm>> -> memref<1x8x128xi32, #tpu.memory_space<hbm>>
    %dma_start3A_60 = tpu.memref_squeeze %dma_start3A_59 : memref<1x8x128xi32, #tpu.memory_space<hbm>> -> memref<8x128xi32, #tpu.memory_space<hbm>>
    %dma_start3A_61 = arith.constant 0 : i32
    %dma_start3A_62 = arith.constant 0 : i32
    %dma_start3A_63 = tpu.memref_slice %arg8[%dma_start3A_52, %dma_start3A_61, %dma_start3A_62] : memref<3x8x128xi32, #tpu.memory_space<vmem>> -> memref<1x8x128xi32, #tpu.memory_space<vmem>>
    %dma_start3A_64 = tpu.memref_squeeze %dma_start3A_63 : memref<1x8x128xi32, #tpu.memory_space<vmem>> -> memref<8x128xi32, #tpu.memory_space<vmem>>
    %dma_start3A_65 = arith.constant 16 : i32
    %dma_start3A_66 = arith.constant 0 : i32
    %dma_start3A_67 = tpu.memref_slice %arg4[%add3A, %dma_start3A_65, %dma_start3A_66] : memref<32x80x128xi32, #tpu.memory_space<hbm>> -> memref<1x8x128xi32, #tpu.memory_space<hbm>>
    %dma_start3A_68 = tpu.memref_squeeze %dma_start3A_67 : memref<1x8x128xi32, #tpu.memory_space<hbm>> -> memref<8x128xi32, #tpu.memory_space<hbm>>
    tpu.enqueue_dma source(%dma_start3A_68 : memref<8x128xi32, #tpu.memory_space<hbm>>) target(%dma_start3A_64 : memref<8x128xi32, #tpu.memory_space<vmem>>) target_semaphore(%arg13 : memref<!tpu.dma_semaphore, #tpu.memory_space<semaphore_mem>>)
    %mul3A_69 = arith.constant 640 : i32
    %mul3A_70 = arith.muli %arg1, %mul3A_69 : i32
    %add3A_71 = arith.constant 0 : i32
    %add3A_72 = arith.addi %mul3A_70, %add3A_71 : i32
    %dma_start3A_73 = arith.constant 0 : i32
    %dma_start3A_74 = tpu.memref_slice %arg11[%add3A_72, %dma_start3A_73] : memref<10240x128xf32, #tpu.memory_space<vmem_shared>> -> memref<128x128xf32, #tpu.memory_space<vmem_shared>>
    tpu.enqueue_dma source(%arg5 : memref<128x128xf32, #tpu.memory_space<hbm>>) target(%dma_start3A_74 : memref<128x128xf32, #tpu.memory_space<vmem_shared>>) target_semaphore(%arg12 : memref<!tpu.dma_semaphore, #tpu.memory_space<semaphore_mem>>)
    %mul3A_75 = arith.constant 640 : i32
    %mul3A_76 = arith.muli %arg1, %mul3A_75 : i32
    %add3A_77 = arith.constant 128 : i32
    %add3A_78 = arith.addi %mul3A_76, %add3A_77 : i32
    %dma_start3A_79 = arith.constant 0 : i32
    %dma_start3A_80 = tpu.memref_slice %arg11[%add3A_78, %dma_start3A_79] : memref<10240x128xf32, #tpu.memory_space<vmem_shared>> -> memref<128x128xf32, #tpu.memory_space<vmem_shared>>
    tpu.enqueue_dma source(%arg5 : memref<128x128xf32, #tpu.memory_space<hbm>>) target(%dma_start3A_80 : memref<128x128xf32, #tpu.memory_space<vmem_shared>>) target_semaphore(%arg12 : memref<!tpu.dma_semaphore, #tpu.memory_space<semaphore_mem>>)
    %mul3A_81 = arith.constant 640 : i32
    %mul3A_82 = arith.muli %arg1, %mul3A_81 : i32
    %add3A_83 = arith.constant 256 : i32
    %add3A_84 = arith.addi %mul3A_82, %add3A_83 : i32
    %dma_start3A_85 = arith.constant 0 : i32
    %dma_start3A_86 = tpu.memref_slice %arg11[%add3A_84, %dma_start3A_85] : memref<10240x128xf32, #tpu.memory_space<vmem_shared>> -> memref<128x128xf32, #tpu.memory_space<vmem_shared>>
    tpu.enqueue_dma source(%arg5 : memref<128x128xf32, #tpu.memory_space<hbm>>) target(%dma_start3A_86 : memref<128x128xf32, #tpu.memory_space<vmem_shared>>) target_semaphore(%arg12 : memref<!tpu.dma_semaphore, #tpu.memory_space<semaphore_mem>>)
    %mul3A_87 = arith.constant 640 : i32
    %mul3A_88 = arith.muli %arg1, %mul3A_87 : i32
    %add3A_89 = arith.constant 384 : i32
    %add3A_90 = arith.addi %mul3A_88, %add3A_89 : i32
    %dma_start3A_91 = arith.constant 0 : i32
    %dma_start3A_92 = tpu.memref_slice %arg11[%add3A_90, %dma_start3A_91] : memref<10240x128xf32, #tpu.memory_space<vmem_shared>> -> memref<128x128xf32, #tpu.memory_space<vmem_shared>>
    tpu.enqueue_dma source(%arg5 : memref<128x128xf32, #tpu.memory_space<hbm>>) target(%dma_start3A_92 : memref<128x128xf32, #tpu.memory_space<vmem_shared>>) target_semaphore(%arg12 : memref<!tpu.dma_semaphore, #tpu.memory_space<semaphore_mem>>)
    %mul3A_93 = arith.constant 640 : i32
    %mul3A_94 = arith.muli %arg1, %mul3A_93 : i32
    %add3A_95 = arith.constant 512 : i32
    %add3A_96 = arith.addi %mul3A_94, %add3A_95 : i32
    %dma_start3A_97 = arith.constant 0 : i32
    %dma_start3A_98 = tpu.memref_slice %arg11[%add3A_96, %dma_start3A_97] : memref<10240x128xf32, #tpu.memory_space<vmem_shared>> -> memref<128x128xf32, #tpu.memory_space<vmem_shared>>
    tpu.enqueue_dma source(%arg5 : memref<128x128xf32, #tpu.memory_space<hbm>>) target(%dma_start3A_98 : memref<128x128xf32, #tpu.memory_space<vmem_shared>>) target_semaphore(%arg12 : memref<!tpu.dma_semaphore, #tpu.memory_space<semaphore_mem>>)
    %dma_wait3A = arith.constant 0 : i32
    %dma_wait3A_99 = tpu.memref_slice %arg11[%add3A_72, %dma_wait3A] : memref<10240x128xf32, #tpu.memory_space<vmem_shared>> -> memref<128x128xf32, #tpu.memory_space<vmem_shared>>
    tpu.wait_dma2 semaphore(%arg12 : memref<!tpu.dma_semaphore, #tpu.memory_space<semaphore_mem>>) src(%arg5 : memref<128x128xf32, #tpu.memory_space<hbm>>) dst(%dma_wait3A_99 : memref<128x128xf32, #tpu.memory_space<vmem_shared>>)
    %dma_wait3A_100 = arith.constant 0 : i32
    %dma_wait3A_101 = tpu.memref_slice %arg11[%add3A_78, %dma_wait3A_100] : memref<10240x128xf32, #tpu.memory_space<vmem_shared>> -> memref<128x128xf32, #tpu.memory_space<vmem_shared>>
    tpu.wait_dma2 semaphore(%arg12 : memref<!tpu.dma_semaphore, #tpu.memory_space<semaphore_mem>>) src(%arg5 : memref<128x128xf32, #tpu.memory_space<hbm>>) dst(%dma_wait3A_101 : memref<128x128xf32, #tpu.memory_space<vmem_shared>>)
    %dma_wait3A_102 = arith.constant 0 : i32
    %dma_wait3A_103 = tpu.memref_slice %arg11[%add3A_84, %dma_wait3A_102] : memref<10240x128xf32, #tpu.memory_space<vmem_shared>> -> memref<128x128xf32, #tpu.memory_space<vmem_shared>>
    tpu.wait_dma2 semaphore(%arg12 : memref<!tpu.dma_semaphore, #tpu.memory_space<semaphore_mem>>) src(%arg5 : memref<128x128xf32, #tpu.memory_space<hbm>>) dst(%dma_wait3A_103 : memref<128x128xf32, #tpu.memory_space<vmem_shared>>)
    %dma_wait3A_104 = arith.constant 0 : i32
    %dma_wait3A_105 = tpu.memref_slice %arg11[%add3A_90, %dma_wait3A_104] : memref<10240x128xf32, #tpu.memory_space<vmem_shared>> -> memref<128x128xf32, #tpu.memory_space<vmem_shared>>
    tpu.wait_dma2 semaphore(%arg12 : memref<!tpu.dma_semaphore, #tpu.memory_space<semaphore_mem>>) src(%arg5 : memref<128x128xf32, #tpu.memory_space<hbm>>) dst(%dma_wait3A_105 : memref<128x128xf32, #tpu.memory_space<vmem_shared>>)
    %dma_wait3A_106 = arith.constant 0 : i32
    %dma_wait3A_107 = tpu.memref_slice %arg11[%add3A_96, %dma_wait3A_106] : memref<10240x128xf32, #tpu.memory_space<vmem_shared>> -> memref<128x128xf32, #tpu.memory_space<vmem_shared>>
    tpu.wait_dma2 semaphore(%arg12 : memref<!tpu.dma_semaphore, #tpu.memory_space<semaphore_mem>>) src(%arg5 : memref<128x128xf32, #tpu.memory_space<hbm>>) dst(%dma_wait3A_107 : memref<128x128xf32, #tpu.memory_space<vmem_shared>>)
    %dma_start3A_108 = arith.constant 0 : i32
    %dma_start3A_109 = arith.constant 0 : i32
    %dma_start3A_110 = arith.constant 0 : i32
    %dma_start3A_111 = tpu.memref_slice %arg7[%dma_start3A_108, %dma_start3A_109, %dma_start3A_110] : memref<3x8x128xi32, #tpu.memory_space<vmem>> -> memref<1x1x128xi32, #tpu.memory_space<vmem>>
    %dma_start3A_112 = tpu.memref_squeeze %dma_start3A_111 : memref<1x1x128xi32, #tpu.memory_space<vmem>> -> memref<128xi32, #tpu.memory_space<vmem>>
    %dma_start3A_113 = arith.constant 0 : i32
    %dma_start3A_114 = arith.constant 0 : i32
    %dma_start3A_115 = tpu.memref_slice %arg2[%dma_start3A_113, %dma_start3A_114] : memref<10240x128xf32, #tpu.memory_space<hbm>> -> memref<10240x128xf32, #tpu.memory_space<hbm>>
    tpu.enqueue_indirect_dma source(%dma_start3A_115 : memref<10240x128xf32, #tpu.memory_space<hbm>>) target(%arg9 : memref<128x128xf32, #tpu.memory_space<vmem>>) offsets(%dma_start3A_112 : memref<128xi32, #tpu.memory_space<vmem>>) semaphore(%arg12 : memref<!tpu.dma_semaphore, #tpu.memory_space<semaphore_mem>>)
    %barrier3A = arith.constant 0 : index
    tpu.barrier barrier_id(%barrier3A)
    %scan3A = arith.constant 0 : i32
    %scan3A_116 = arith.constant 0 : i32
    %scan3A_117 = arith.constant 10 : i32
    %scan3A_118 = arith.addi %scan3A_116, %scan3A_117 : i32
    %scan3A_119 = arith.constant 1 : i32
    %scan3A_120 = scf.for %scan3A_127 = %scan3A_116 to %scan3A_118 step %scan3A_119 iter_args(%scan3A_128 = %scan3A) -> (i32)  : i32 {
      %jit3A = arith.constant 3 : i32
      %eq3A = arith.constant 0 : i32
      %eq3A_129 = arith.cmpi eq, %jit3A, %eq3A : i32
      %jit3A_130 = arith.constant 1 : i32
      %select_n3A = arith.select %eq3A_129, %jit3A_130, %jit3A : i32
      %rem3A = arith.remsi %scan3A_127, %select_n3A : i32
      %ne3A = arith.constant 0 : i32
      %ne3A_131 = arith.cmpi ne, %rem3A, %ne3A : i32
      %lt3A = arith.constant 0 : i32
      %lt3A_132 = arith.cmpi slt, %rem3A, %lt3A : i32
      %lt3A_133 = arith.constant 0 : i32
      %lt3A_134 = arith.cmpi slt, %select_n3A, %lt3A_133 : i32
      %ne3A_135 = arith.xori %lt3A_132, %lt3A_134 : i1
      %and3A = arith.andi %ne3A_135, %ne3A_131 : i1
      %add3A_136 = arith.addi %rem3A, %select_n3A : i32
      %select_n3A_137 = arith.select %and3A, %add3A_136, %rem3A : i32
      %lt3A_138 = arith.constant 9 : i32
      %lt3A_139 = arith.cmpi slt, %scan3A_127, %lt3A_138 : i32
      %convert_element_type3A = arith.extui %lt3A_139 : i1 to i32
      %cond3A = arith.constant 0 : i32
      %cond3A_140 = arith.cmpi ne, %convert_element_type3A, %cond3A : i32
      scf.if %cond3A_140 {
        %add3A_265 = arith.constant 1 : i32
        %add3A_266 = arith.addi %scan3A_127, %add3A_265 : i32
        %mul3A_267 = arith.constant 8 : i32
        %mul3A_268 = arith.muli %add3A_266, %mul3A_267 : i32
        %add3A_269 = arith.constant 1 : i32
        %add3A_270 = arith.addi %scan3A_127, %add3A_269 : i32
        %jit3A_271 = arith.constant 3 : i32
        %eq3A_272 = arith.constant 0 : i32
        %eq3A_273 = arith.cmpi eq, %jit3A_271, %eq3A_272 : i32
        %jit3A_274 = arith.constant 1 : i32
        %select_n3A_275 = arith.select %eq3A_273, %jit3A_274, %jit3A_271 : i32
        %rem3A_276 = arith.remsi %add3A_270, %select_n3A_275 : i32
        %ne3A_277 = arith.constant 0 : i32
        %ne3A_278 = arith.cmpi ne, %rem3A_276, %ne3A_277 : i32
        %lt3A_279 = arith.constant 0 : i32
        %lt3A_280 = arith.cmpi slt, %rem3A_276, %lt3A_279 : i32
        %lt3A_281 = arith.constant 0 : i32
        %lt3A_282 = arith.cmpi slt, %select_n3A_275, %lt3A_281 : i32
        %ne3A_283 = arith.xori %lt3A_280, %lt3A_282 : i1
        %and3A_284 = arith.andi %ne3A_283, %ne3A_278 : i1
        %add3A_285 = arith.addi %rem3A_276, %select_n3A_275 : i32
        %select_n3A_286 = arith.select %and3A_284, %add3A_285, %rem3A_276 : i32
        %dma_wait3A_287 = arith.constant 0 : i32
        %dma_wait3A_288 = arith.constant 0 : i32
        %dma_wait3A_289 = tpu.memref_slice %arg7[%select_n3A_286, %dma_wait3A_287, %dma_wait3A_288] : memref<3x8x128xi32, #tpu.memory_space<vmem>> -> memref<1x8x128xi32, #tpu.memory_space<vmem>>
        %dma_wait3A_290 = tpu.memref_squeeze %dma_wait3A_289 : memref<1x8x128xi32, #tpu.memory_space<vmem>> -> memref<8x128xi32, #tpu.memory_space<vmem>>
        %dma_wait3A_291 = arith.constant 0 : i32
        %dma_wait3A_292 = tpu.memref_slice %arg3[%add3A, %mul3A_268, %dma_wait3A_291] : memref<32x80x128xi32, #tpu.memory_space<hbm>> -> memref<1x8x128xi32, #tpu.memory_space<hbm>>
        %dma_wait3A_293 = tpu.memref_squeeze %dma_wait3A_292 : memref<1x8x128xi32, #tpu.memory_space<hbm>> -> memref<8x128xi32, #tpu.memory_space<hbm>>
        %dma_wait3A_294 = arith.constant 0 : i32
        %dma_wait3A_295 = arith.constant 0 : i32
        %dma_wait3A_296 = tpu.memref_slice %arg7[%select_n3A_286, %dma_wait3A_294, %dma_wait3A_295] : memref<3x8x128xi32, #tpu.memory_space<vmem>> -> memref<1x8x128xi32, #tpu.memory_space<vmem>>
        %dma_wait3A_297 = tpu.memref_squeeze %dma_wait3A_296 : memref<1x8x128xi32, #tpu.memory_space<vmem>> -> memref<8x128xi32, #tpu.memory_space<vmem>>
        %dma_wait3A_298 = arith.constant 0 : i32
        %dma_wait3A_299 = tpu.memref_slice %arg3[%add3A, %mul3A_268, %dma_wait3A_298] : memref<32x80x128xi32, #tpu.memory_space<hbm>> -> memref<1x8x128xi32, #tpu.memory_space<hbm>>
        %dma_wait3A_300 = tpu.memref_squeeze %dma_wait3A_299 : memref<1x8x128xi32, #tpu.memory_space<hbm>> -> memref<8x128xi32, #tpu.memory_space<hbm>>
        tpu.wait_dma2 semaphore(%arg13 : memref<!tpu.dma_semaphore, #tpu.memory_space<semaphore_mem>>) src(%dma_wait3A_300 : memref<8x128xi32, #tpu.memory_space<hbm>>) dst(%dma_wait3A_297 : memref<8x128xi32, #tpu.memory_space<vmem>>)
        %add3A_301 = arith.constant 1 : i32
        %add3A_302 = arith.addi %scan3A_127, %add3A_301 : i32
        %mul3A_303 = arith.constant 8 : i32
        %mul3A_304 = arith.muli %add3A_302, %mul3A_303 : i32
        %add3A_305 = arith.constant 1 : i32
        %add3A_306 = arith.addi %scan3A_127, %add3A_305 : i32
        %jit3A_307 = arith.constant 3 : i32
        %eq3A_308 = arith.constant 0 : i32
        %eq3A_309 = arith.cmpi eq, %jit3A_307, %eq3A_308 : i32
        %jit3A_310 = arith.constant 1 : i32
        %select_n3A_311 = arith.select %eq3A_309, %jit3A_310, %jit3A_307 : i32
        %rem3A_312 = arith.remsi %add3A_306, %select_n3A_311 : i32
        %ne3A_313 = arith.constant 0 : i32
        %ne3A_314 = arith.cmpi ne, %rem3A_312, %ne3A_313 : i32
        %lt3A_315 = arith.constant 0 : i32
        %lt3A_316 = arith.cmpi slt, %rem3A_312, %lt3A_315 : i32
        %lt3A_317 = arith.constant 0 : i32
        %lt3A_318 = arith.cmpi slt, %select_n3A_311, %lt3A_317 : i32
        %ne3A_319 = arith.xori %lt3A_316, %lt3A_318 : i1
        %and3A_320 = arith.andi %ne3A_319, %ne3A_314 : i1
        %add3A_321 = arith.addi %rem3A_312, %select_n3A_311 : i32
        %select_n3A_322 = arith.select %and3A_320, %add3A_321, %rem3A_312 : i32
        %dma_wait3A_323 = arith.constant 0 : i32
        %dma_wait3A_324 = arith.constant 0 : i32
        %dma_wait3A_325 = tpu.memref_slice %arg8[%select_n3A_322, %dma_wait3A_323, %dma_wait3A_324] : memref<3x8x128xi32, #tpu.memory_space<vmem>> -> memref<1x8x128xi32, #tpu.memory_space<vmem>>
        %dma_wait3A_326 = tpu.memref_squeeze %dma_wait3A_325 : memref<1x8x128xi32, #tpu.memory_space<vmem>> -> memref<8x128xi32, #tpu.memory_space<vmem>>
        %dma_wait3A_327 = arith.constant 0 : i32
        %dma_wait3A_328 = tpu.memref_slice %arg4[%add3A, %mul3A_304, %dma_wait3A_327] : memref<32x80x128xi32, #tpu.memory_space<hbm>> -> memref<1x8x128xi32, #tpu.memory_space<hbm>>
        %dma_wait3A_329 = tpu.memref_squeeze %dma_wait3A_328 : memref<1x8x128xi32, #tpu.memory_space<hbm>> -> memref<8x128xi32, #tpu.memory_space<hbm>>
        %dma_wait3A_330 = arith.constant 0 : i32
        %dma_wait3A_331 = arith.constant 0 : i32
        %dma_wait3A_332 = tpu.memref_slice %arg8[%select_n3A_322, %dma_wait3A_330, %dma_wait3A_331] : memref<3x8x128xi32, #tpu.memory_space<vmem>> -> memref<1x8x128xi32, #tpu.memory_space<vmem>>
        %dma_wait3A_333 = tpu.memref_squeeze %dma_wait3A_332 : memref<1x8x128xi32, #tpu.memory_space<vmem>> -> memref<8x128xi32, #tpu.memory_space<vmem>>
        %dma_wait3A_334 = arith.constant 0 : i32
        %dma_wait3A_335 = tpu.memref_slice %arg4[%add3A, %mul3A_304, %dma_wait3A_334] : memref<32x80x128xi32, #tpu.memory_space<hbm>> -> memref<1x8x128xi32, #tpu.memory_space<hbm>>
        %dma_wait3A_336 = tpu.memref_squeeze %dma_wait3A_335 : memref<1x8x128xi32, #tpu.memory_space<hbm>> -> memref<8x128xi32, #tpu.memory_space<hbm>>
        tpu.wait_dma2 semaphore(%arg13 : memref<!tpu.dma_semaphore, #tpu.memory_space<semaphore_mem>>) src(%dma_wait3A_336 : memref<8x128xi32, #tpu.memory_space<hbm>>) dst(%dma_wait3A_333 : memref<8x128xi32, #tpu.memory_space<vmem>>)
      } else {
      }
      %dma_start3A_141 = arith.constant 1 : i32
      %dma_start3A_142 = arith.constant 0 : i32
      %dma_start3A_143 = tpu.memref_slice %arg7[%select_n3A_137, %dma_start3A_141, %dma_start3A_142] : memref<3x8x128xi32, #tpu.memory_space<vmem>> -> memref<1x1x128xi32, #tpu.memory_space<vmem>>
      %dma_start3A_144 = tpu.memref_squeeze %dma_start3A_143 : memref<1x1x128xi32, #tpu.memory_space<vmem>> -> memref<128xi32, #tpu.memory_space<vmem>>
      %dma_start3A_145 = arith.constant 0 : i32
      %dma_start3A_146 = arith.constant 0 : i32
      %dma_start3A_147 = tpu.memref_slice %arg2[%dma_start3A_145, %dma_start3A_146] : memref<10240x128xf32, #tpu.memory_space<hbm>> -> memref<10240x128xf32, #tpu.memory_space<hbm>>
      tpu.enqueue_indirect_dma source(%dma_start3A_147 : memref<10240x128xf32, #tpu.memory_space<hbm>>) target(%arg10 : memref<128x128xf32, #tpu.memory_space<vmem>>) offsets(%dma_start3A_144 : memref<128xi32, #tpu.memory_space<vmem>>) semaphore(%arg12 : memref<!tpu.dma_semaphore, #tpu.memory_space<semaphore_mem>>)
      %dma_wait3A_148 = arith.constant 0 : i32
      %dma_wait3A_149 = arith.constant 0 : i32
      %dma_wait3A_150 = tpu.memref_slice %arg7[%select_n3A_137, %dma_wait3A_148, %dma_wait3A_149] : memref<3x8x128xi32, #tpu.memory_space<vmem>> -> memref<1x1x128xi32, #tpu.memory_space<vmem>>
      %dma_wait3A_151 = tpu.memref_squeeze %dma_wait3A_150 : memref<1x1x128xi32, #tpu.memory_space<vmem>> -> memref<128xi32, #tpu.memory_space<vmem>>
      %dma_wait3A_152 = arith.constant 0 : i32
      %dma_wait3A_153 = arith.constant 0 : i32
      %dma_wait3A_154 = tpu.memref_slice %arg2[%dma_wait3A_152, %dma_wait3A_153] : memref<10240x128xf32, #tpu.memory_space<hbm>> -> memref<10240x128xf32, #tpu.memory_space<hbm>>
      tpu.wait_indirect_dma semaphore(%arg12 : memref<!tpu.dma_semaphore, #tpu.memory_space<semaphore_mem>>) src(%dma_wait3A_154 : memref<10240x128xf32, #tpu.memory_space<hbm>>) dst(%arg9 : memref<128x128xf32, #tpu.memory_space<vmem>>)
      %run_scoped3A_155 = arith.constant 0 : i32
      "tpu.region"() ({
        %run_scoped3A_265 = tpu.sem_alloc : memref<!tpu.dma_semaphore, #tpu.memory_space<semaphore_mem>>
        %dma_start3A_266 = arith.constant 0 : i32
        %dma_start3A_267 = tpu.memref_slice %arg8[%select_n3A_137, %run_scoped3A_155, %dma_start3A_266] : memref<3x8x128xi32, #tpu.memory_space<vmem>> -> memref<1x1x128xi32, #tpu.memory_space<vmem>>
        %dma_start3A_268 = tpu.memref_squeeze %dma_start3A_267 : memref<1x1x128xi32, #tpu.memory_space<vmem>> -> memref<128xi32, #tpu.memory_space<vmem>>
        %dma_start3A_269 = arith.constant 0 : i32
        %dma_start3A_270 = arith.constant 0 : i32
        %dma_start3A_271 = tpu.memref_slice %arg11[%dma_start3A_269, %dma_start3A_270] : memref<10240x128xf32, #tpu.memory_space<vmem_shared>> -> memref<10240x128xf32, #tpu.memory_space<vmem_shared>>
        tpu.enqueue_indirect_dma source(%arg9 : memref<128x128xf32, #tpu.memory_space<vmem>>) target(%dma_start3A_271 : memref<10240x128xf32, #tpu.memory_space<vmem_shared>>) offsets(%dma_start3A_268 : memref<128xi32, #tpu.memory_space<vmem>>) semaphore(%run_scoped3A_265 : memref<!tpu.dma_semaphore, #tpu.memory_space<semaphore_mem>>) {add = true}
        %dma_wait3A_272 = arith.constant 0 : i32
        %dma_wait3A_273 = tpu.memref_slice %arg8[%select_n3A_137, %run_scoped3A_155, %dma_wait3A_272] : memref<3x8x128xi32, #tpu.memory_space<vmem>> -> memref<1x1x128xi32, #tpu.memory_space<vmem>>
        %dma_wait3A_274 = tpu.memref_squeeze %dma_wait3A_273 : memref<1x1x128xi32, #tpu.memory_space<vmem>> -> memref<128xi32, #tpu.memory_space<vmem>>
        %dma_wait3A_275 = arith.constant 0 : i32
        %dma_wait3A_276 = arith.constant 0 : i32
        %dma_wait3A_277 = tpu.memref_slice %arg11[%dma_wait3A_275, %dma_wait3A_276] : memref<10240x128xf32, #tpu.memory_space<vmem_shared>> -> memref<10240x128xf32, #tpu.memory_space<vmem_shared>>
        tpu.wait_indirect_dma semaphore(%run_scoped3A_265 : memref<!tpu.dma_semaphore, #tpu.memory_space<semaphore_mem>>) src(%arg9 : memref<128x128xf32, #tpu.memory_space<vmem>>) dst(%dma_wait3A_277 : memref<10240x128xf32, #tpu.memory_space<vmem_shared>>)
        tpu.yield
      }) : () -> ()
      %dma_start3A_156 = arith.constant 2 : i32
      %dma_start3A_157 = arith.constant 0 : i32
      %dma_start3A_158 = tpu.memref_slice %arg7[%select_n3A_137, %dma_start3A_156, %dma_start3A_157] : memref<3x8x128xi32, #tpu.memory_space<vmem>> -> memref<1x1x128xi32, #tpu.memory_space<vmem>>
      %dma_start3A_159 = tpu.memref_squeeze %dma_start3A_158 : memref<1x1x128xi32, #tpu.memory_space<vmem>> -> memref<128xi32, #tpu.memory_space<vmem>>
      %dma_start3A_160 = arith.constant 0 : i32
      %dma_start3A_161 = arith.constant 0 : i32
      %dma_start3A_162 = tpu.memref_slice %arg2[%dma_start3A_160, %dma_start3A_161] : memref<10240x128xf32, #tpu.memory_space<hbm>> -> memref<10240x128xf32, #tpu.memory_space<hbm>>
      tpu.enqueue_indirect_dma source(%dma_start3A_162 : memref<10240x128xf32, #tpu.memory_space<hbm>>) target(%arg9 : memref<128x128xf32, #tpu.memory_space<vmem>>) offsets(%dma_start3A_159 : memref<128xi32, #tpu.memory_space<vmem>>) semaphore(%arg12 : memref<!tpu.dma_semaphore, #tpu.memory_space<semaphore_mem>>)
      %dma_wait3A_163 = arith.constant 1 : i32
      %dma_wait3A_164 = arith.constant 0 : i32
      %dma_wait3A_165 = tpu.memref_slice %arg7[%select_n3A_137, %dma_wait3A_163, %dma_wait3A_164] : memref<3x8x128xi32, #tpu.memory_space<vmem>> -> memref<1x1x128xi32, #tpu.memory_space<vmem>>
      %dma_wait3A_166 = tpu.memref_squeeze %dma_wait3A_165 : memref<1x1x128xi32, #tpu.memory_space<vmem>> -> memref<128xi32, #tpu.memory_space<vmem>>
      %dma_wait3A_167 = arith.constant 0 : i32
      %dma_wait3A_168 = arith.constant 0 : i32
      %dma_wait3A_169 = tpu.memref_slice %arg2[%dma_wait3A_167, %dma_wait3A_168] : memref<10240x128xf32, #tpu.memory_space<hbm>> -> memref<10240x128xf32, #tpu.memory_space<hbm>>
      tpu.wait_indirect_dma semaphore(%arg12 : memref<!tpu.dma_semaphore, #tpu.memory_space<semaphore_mem>>) src(%dma_wait3A_169 : memref<10240x128xf32, #tpu.memory_space<hbm>>) dst(%arg10 : memref<128x128xf32, #tpu.memory_space<vmem>>)
      %run_scoped3A_170 = arith.constant 1 : i32
      "tpu.region"() ({
        %run_scoped3A_265 = tpu.sem_alloc : memref<!tpu.dma_semaphore, #tpu.memory_space<semaphore_mem>>
        %dma_start3A_266 = arith.constant 0 : i32
        %dma_start3A_267 = tpu.memref_slice %arg8[%select_n3A_137, %run_scoped3A_170, %dma_start3A_266] : memref<3x8x128xi32, #tpu.memory_space<vmem>> -> memref<1x1x128xi32, #tpu.memory_space<vmem>>
        %dma_start3A_268 = tpu.memref_squeeze %dma_start3A_267 : memref<1x1x128xi32, #tpu.memory_space<vmem>> -> memref<128xi32, #tpu.memory_space<vmem>>
        %dma_start3A_269 = arith.constant 0 : i32
        %dma_start3A_270 = arith.constant 0 : i32
        %dma_start3A_271 = tpu.memref_slice %arg11[%dma_start3A_269, %dma_start3A_270] : memref<10240x128xf32, #tpu.memory_space<vmem_shared>> -> memref<10240x128xf32, #tpu.memory_space<vmem_shared>>
        tpu.enqueue_indirect_dma source(%arg10 : memref<128x128xf32, #tpu.memory_space<vmem>>) target(%dma_start3A_271 : memref<10240x128xf32, #tpu.memory_space<vmem_shared>>) offsets(%dma_start3A_268 : memref<128xi32, #tpu.memory_space<vmem>>) semaphore(%run_scoped3A_265 : memref<!tpu.dma_semaphore, #tpu.memory_space<semaphore_mem>>) {add = true}
        %dma_wait3A_272 = arith.constant 0 : i32
        %dma_wait3A_273 = tpu.memref_slice %arg8[%select_n3A_137, %run_scoped3A_170, %dma_wait3A_272] : memref<3x8x128xi32, #tpu.memory_space<vmem>> -> memref<1x1x128xi32, #tpu.memory_space<vmem>>
        %dma_wait3A_274 = tpu.memref_squeeze %dma_wait3A_273 : memref<1x1x128xi32, #tpu.memory_space<vmem>> -> memref<128xi32, #tpu.memory_space<vmem>>
        %dma_wait3A_275 = arith.constant 0 : i32
        %dma_wait3A_276 = arith.constant 0 : i32
        %dma_wait3A_277 = tpu.memref_slice %arg11[%dma_wait3A_275, %dma_wait3A_276] : memref<10240x128xf32, #tpu.memory_space<vmem_shared>> -> memref<10240x128xf32, #tpu.memory_space<vmem_shared>>
        tpu.wait_indirect_dma semaphore(%run_scoped3A_265 : memref<!tpu.dma_semaphore, #tpu.memory_space<semaphore_mem>>) src(%arg10 : memref<128x128xf32, #tpu.memory_space<vmem>>) dst(%dma_wait3A_277 : memref<10240x128xf32, #tpu.memory_space<vmem_shared>>)
        tpu.yield
      }) : () -> ()
      %dma_start3A_171 = arith.constant 3 : i32
      %dma_start3A_172 = arith.constant 0 : i32
      %dma_start3A_173 = tpu.memref_slice %arg7[%select_n3A_137, %dma_start3A_171, %dma_start3A_172] : memref<3x8x128xi32, #tpu.memory_space<vmem>> -> memref<1x1x128xi32, #tpu.memory_space<vmem>>
      %dma_start3A_174 = tpu.memref_squeeze %dma_start3A_173 : memref<1x1x128xi32, #tpu.memory_space<vmem>> -> memref<128xi32, #tpu.memory_space<vmem>>
      %dma_start3A_175 = arith.constant 0 : i32
      %dma_start3A_176 = arith.constant 0 : i32
      %dma_start3A_177 = tpu.memref_slice %arg2[%dma_start3A_175, %dma_start3A_176] : memref<10240x128xf32, #tpu.memory_space<hbm>> -> memref<10240x128xf32, #tpu.memory_space<hbm>>
      tpu.enqueue_indirect_dma source(%dma_start3A_177 : memref<10240x128xf32, #tpu.memory_space<hbm>>) target(%arg10 : memref<128x128xf32, #tpu.memory_space<vmem>>) offsets(%dma_start3A_174 : memref<128xi32, #tpu.memory_space<vmem>>) semaphore(%arg12 : memref<!tpu.dma_semaphore, #tpu.memory_space<semaphore_mem>>)
      %dma_wait3A_178 = arith.constant 2 : i32
      %dma_wait3A_179 = arith.constant 0 : i32
      %dma_wait3A_180 = tpu.memref_slice %arg7[%select_n3A_137, %dma_wait3A_178, %dma_wait3A_179] : memref<3x8x128xi32, #tpu.memory_space<vmem>> -> memref<1x1x128xi32, #tpu.memory_space<vmem>>
      %dma_wait3A_181 = tpu.memref_squeeze %dma_wait3A_180 : memref<1x1x128xi32, #tpu.memory_space<vmem>> -> memref<128xi32, #tpu.memory_space<vmem>>
      %dma_wait3A_182 = arith.constant 0 : i32
      %dma_wait3A_183 = arith.constant 0 : i32
      %dma_wait3A_184 = tpu.memref_slice %arg2[%dma_wait3A_182, %dma_wait3A_183] : memref<10240x128xf32, #tpu.memory_space<hbm>> -> memref<10240x128xf32, #tpu.memory_space<hbm>>
      tpu.wait_indirect_dma semaphore(%arg12 : memref<!tpu.dma_semaphore, #tpu.memory_space<semaphore_mem>>) src(%dma_wait3A_184 : memref<10240x128xf32, #tpu.memory_space<hbm>>) dst(%arg9 : memref<128x128xf32, #tpu.memory_space<vmem>>)
      %run_scoped3A_185 = arith.constant 2 : i32
      "tpu.region"() ({
        %run_scoped3A_265 = tpu.sem_alloc : memref<!tpu.dma_semaphore, #tpu.memory_space<semaphore_mem>>
        %dma_start3A_266 = arith.constant 0 : i32
        %dma_start3A_267 = tpu.memref_slice %arg8[%select_n3A_137, %run_scoped3A_185, %dma_start3A_266] : memref<3x8x128xi32, #tpu.memory_space<vmem>> -> memref<1x1x128xi32, #tpu.memory_space<vmem>>
        %dma_start3A_268 = tpu.memref_squeeze %dma_start3A_267 : memref<1x1x128xi32, #tpu.memory_space<vmem>> -> memref<128xi32, #tpu.memory_space<vmem>>
        %dma_start3A_269 = arith.constant 0 : i32
        %dma_start3A_270 = arith.constant 0 : i32
        %dma_start3A_271 = tpu.memref_slice %arg11[%dma_start3A_269, %dma_start3A_270] : memref<10240x128xf32, #tpu.memory_space<vmem_shared>> -> memref<10240x128xf32, #tpu.memory_space<vmem_shared>>
        tpu.enqueue_indirect_dma source(%arg9 : memref<128x128xf32, #tpu.memory_space<vmem>>) target(%dma_start3A_271 : memref<10240x128xf32, #tpu.memory_space<vmem_shared>>) offsets(%dma_start3A_268 : memref<128xi32, #tpu.memory_space<vmem>>) semaphore(%run_scoped3A_265 : memref<!tpu.dma_semaphore, #tpu.memory_space<semaphore_mem>>) {add = true}
        %dma_wait3A_272 = arith.constant 0 : i32
        %dma_wait3A_273 = tpu.memref_slice %arg8[%select_n3A_137, %run_scoped3A_185, %dma_wait3A_272] : memref<3x8x128xi32, #tpu.memory_space<vmem>> -> memref<1x1x128xi32, #tpu.memory_space<vmem>>
        %dma_wait3A_274 = tpu.memref_squeeze %dma_wait3A_273 : memref<1x1x128xi32, #tpu.memory_space<vmem>> -> memref<128xi32, #tpu.memory_space<vmem>>
        %dma_wait3A_275 = arith.constant 0 : i32
        %dma_wait3A_276 = arith.constant 0 : i32
        %dma_wait3A_277 = tpu.memref_slice %arg11[%dma_wait3A_275, %dma_wait3A_276] : memref<10240x128xf32, #tpu.memory_space<vmem_shared>> -> memref<10240x128xf32, #tpu.memory_space<vmem_shared>>
        tpu.wait_indirect_dma semaphore(%run_scoped3A_265 : memref<!tpu.dma_semaphore, #tpu.memory_space<semaphore_mem>>) src(%arg9 : memref<128x128xf32, #tpu.memory_space<vmem>>) dst(%dma_wait3A_277 : memref<10240x128xf32, #tpu.memory_space<vmem_shared>>)
        tpu.yield
      }) : () -> ()
      %dma_start3A_186 = arith.constant 4 : i32
      %dma_start3A_187 = arith.constant 0 : i32
      %dma_start3A_188 = tpu.memref_slice %arg7[%select_n3A_137, %dma_start3A_186, %dma_start3A_187] : memref<3x8x128xi32, #tpu.memory_space<vmem>> -> memref<1x1x128xi32, #tpu.memory_space<vmem>>
      %dma_start3A_189 = tpu.memref_squeeze %dma_start3A_188 : memref<1x1x128xi32, #tpu.memory_space<vmem>> -> memref<128xi32, #tpu.memory_space<vmem>>
      %dma_start3A_190 = arith.constant 0 : i32
      %dma_start3A_191 = arith.constant 0 : i32
      %dma_start3A_192 = tpu.memref_slice %arg2[%dma_start3A_190, %dma_start3A_191] : memref<10240x128xf32, #tpu.memory_space<hbm>> -> memref<10240x128xf32, #tpu.memory_space<hbm>>
      tpu.enqueue_indirect_dma source(%dma_start3A_192 : memref<10240x128xf32, #tpu.memory_space<hbm>>) target(%arg9 : memref<128x128xf32, #tpu.memory_space<vmem>>) offsets(%dma_start3A_189 : memref<128xi32, #tpu.memory_space<vmem>>) semaphore(%arg12 : memref<!tpu.dma_semaphore, #tpu.memory_space<semaphore_mem>>)
      %dma_wait3A_193 = arith.constant 3 : i32
      %dma_wait3A_194 = arith.constant 0 : i32
      %dma_wait3A_195 = tpu.memref_slice %arg7[%select_n3A_137, %dma_wait3A_193, %dma_wait3A_194] : memref<3x8x128xi32, #tpu.memory_space<vmem>> -> memref<1x1x128xi32, #tpu.memory_space<vmem>>
      %dma_wait3A_196 = tpu.memref_squeeze %dma_wait3A_195 : memref<1x1x128xi32, #tpu.memory_space<vmem>> -> memref<128xi32, #tpu.memory_space<vmem>>
      %dma_wait3A_197 = arith.constant 0 : i32
      %dma_wait3A_198 = arith.constant 0 : i32
      %dma_wait3A_199 = tpu.memref_slice %arg2[%dma_wait3A_197, %dma_wait3A_198] : memref<10240x128xf32, #tpu.memory_space<hbm>> -> memref<10240x128xf32, #tpu.memory_space<hbm>>
      tpu.wait_indirect_dma semaphore(%arg12 : memref<!tpu.dma_semaphore, #tpu.memory_space<semaphore_mem>>) src(%dma_wait3A_199 : memref<10240x128xf32, #tpu.memory_space<hbm>>) dst(%arg10 : memref<128x128xf32, #tpu.memory_space<vmem>>)
      %run_scoped3A_200 = arith.constant 3 : i32
      "tpu.region"() ({
        %run_scoped3A_265 = tpu.sem_alloc : memref<!tpu.dma_semaphore, #tpu.memory_space<semaphore_mem>>
        %dma_start3A_266 = arith.constant 0 : i32
        %dma_start3A_267 = tpu.memref_slice %arg8[%select_n3A_137, %run_scoped3A_200, %dma_start3A_266] : memref<3x8x128xi32, #tpu.memory_space<vmem>> -> memref<1x1x128xi32, #tpu.memory_space<vmem>>
        %dma_start3A_268 = tpu.memref_squeeze %dma_start3A_267 : memref<1x1x128xi32, #tpu.memory_space<vmem>> -> memref<128xi32, #tpu.memory_space<vmem>>
        %dma_start3A_269 = arith.constant 0 : i32
        %dma_start3A_270 = arith.constant 0 : i32
        %dma_start3A_271 = tpu.memref_slice %arg11[%dma_start3A_269, %dma_start3A_270] : memref<10240x128xf32, #tpu.memory_space<vmem_shared>> -> memref<10240x128xf32, #tpu.memory_space<vmem_shared>>
        tpu.enqueue_indirect_dma source(%arg10 : memref<128x128xf32, #tpu.memory_space<vmem>>) target(%dma_start3A_271 : memref<10240x128xf32, #tpu.memory_space<vmem_shared>>) offsets(%dma_start3A_268 : memref<128xi32, #tpu.memory_space<vmem>>) semaphore(%run_scoped3A_265 : memref<!tpu.dma_semaphore, #tpu.memory_space<semaphore_mem>>) {add = true}
        %dma_wait3A_272 = arith.constant 0 : i32
        %dma_wait3A_273 = tpu.memref_slice %arg8[%select_n3A_137, %run_scoped3A_200, %dma_wait3A_272] : memref<3x8x128xi32, #tpu.memory_space<vmem>> -> memref<1x1x128xi32, #tpu.memory_space<vmem>>
        %dma_wait3A_274 = tpu.memref_squeeze %dma_wait3A_273 : memref<1x1x128xi32, #tpu.memory_space<vmem>> -> memref<128xi32, #tpu.memory_space<vmem>>
        %dma_wait3A_275 = arith.constant 0 : i32
        %dma_wait3A_276 = arith.constant 0 : i32
        %dma_wait3A_277 = tpu.memref_slice %arg11[%dma_wait3A_275, %dma_wait3A_276] : memref<10240x128xf32, #tpu.memory_space<vmem_shared>> -> memref<10240x128xf32, #tpu.memory_space<vmem_shared>>
        tpu.wait_indirect_dma semaphore(%run_scoped3A_265 : memref<!tpu.dma_semaphore, #tpu.memory_space<semaphore_mem>>) src(%arg10 : memref<128x128xf32, #tpu.memory_space<vmem>>) dst(%dma_wait3A_277 : memref<10240x128xf32, #tpu.memory_space<vmem_shared>>)
        tpu.yield
      }) : () -> ()
      %dma_start3A_201 = arith.constant 5 : i32
      %dma_start3A_202 = arith.constant 0 : i32
      %dma_start3A_203 = tpu.memref_slice %arg7[%select_n3A_137, %dma_start3A_201, %dma_start3A_202] : memref<3x8x128xi32, #tpu.memory_space<vmem>> -> memref<1x1x128xi32, #tpu.memory_space<vmem>>
      %dma_start3A_204 = tpu.memref_squeeze %dma_start3A_203 : memref<1x1x128xi32, #tpu.memory_space<vmem>> -> memref<128xi32, #tpu.memory_space<vmem>>
      %dma_start3A_205 = arith.constant 0 : i32
      %dma_start3A_206 = arith.constant 0 : i32
      %dma_start3A_207 = tpu.memref_slice %arg2[%dma_start3A_205, %dma_start3A_206] : memref<10240x128xf32, #tpu.memory_space<hbm>> -> memref<10240x128xf32, #tpu.memory_space<hbm>>
      tpu.enqueue_indirect_dma source(%dma_start3A_207 : memref<10240x128xf32, #tpu.memory_space<hbm>>) target(%arg10 : memref<128x128xf32, #tpu.memory_space<vmem>>) offsets(%dma_start3A_204 : memref<128xi32, #tpu.memory_space<vmem>>) semaphore(%arg12 : memref<!tpu.dma_semaphore, #tpu.memory_space<semaphore_mem>>)
      %dma_wait3A_208 = arith.constant 4 : i32
      %dma_wait3A_209 = arith.constant 0 : i32
      %dma_wait3A_210 = tpu.memref_slice %arg7[%select_n3A_137, %dma_wait3A_208, %dma_wait3A_209] : memref<3x8x128xi32, #tpu.memory_space<vmem>> -> memref<1x1x128xi32, #tpu.memory_space<vmem>>
      %dma_wait3A_211 = tpu.memref_squeeze %dma_wait3A_210 : memref<1x1x128xi32, #tpu.memory_space<vmem>> -> memref<128xi32, #tpu.memory_space<vmem>>
      %dma_wait3A_212 = arith.constant 0 : i32
      %dma_wait3A_213 = arith.constant 0 : i32
      %dma_wait3A_214 = tpu.memref_slice %arg2[%dma_wait3A_212, %dma_wait3A_213] : memref<10240x128xf32, #tpu.memory_space<hbm>> -> memref<10240x128xf32, #tpu.memory_space<hbm>>
      tpu.wait_indirect_dma semaphore(%arg12 : memref<!tpu.dma_semaphore, #tpu.memory_space<semaphore_mem>>) src(%dma_wait3A_214 : memref<10240x128xf32, #tpu.memory_space<hbm>>) dst(%arg9 : memref<128x128xf32, #tpu.memory_space<vmem>>)
      %run_scoped3A_215 = arith.constant 4 : i32
      "tpu.region"() ({
        %run_scoped3A_265 = tpu.sem_alloc : memref<!tpu.dma_semaphore, #tpu.memory_space<semaphore_mem>>
        %dma_start3A_266 = arith.constant 0 : i32
        %dma_start3A_267 = tpu.memref_slice %arg8[%select_n3A_137, %run_scoped3A_215, %dma_start3A_266] : memref<3x8x128xi32, #tpu.memory_space<vmem>> -> memref<1x1x128xi32, #tpu.memory_space<vmem>>
        %dma_start3A_268 = tpu.memref_squeeze %dma_start3A_267 : memref<1x1x128xi32, #tpu.memory_space<vmem>> -> memref<128xi32, #tpu.memory_space<vmem>>
        %dma_start3A_269 = arith.constant 0 : i32
        %dma_start3A_270 = arith.constant 0 : i32
        %dma_start3A_271 = tpu.memref_slice %arg11[%dma_start3A_269, %dma_start3A_270] : memref<10240x128xf32, #tpu.memory_space<vmem_shared>> -> memref<10240x128xf32, #tpu.memory_space<vmem_shared>>
        tpu.enqueue_indirect_dma source(%arg9 : memref<128x128xf32, #tpu.memory_space<vmem>>) target(%dma_start3A_271 : memref<10240x128xf32, #tpu.memory_space<vmem_shared>>) offsets(%dma_start3A_268 : memref<128xi32, #tpu.memory_space<vmem>>) semaphore(%run_scoped3A_265 : memref<!tpu.dma_semaphore, #tpu.memory_space<semaphore_mem>>) {add = true}
        %dma_wait3A_272 = arith.constant 0 : i32
        %dma_wait3A_273 = tpu.memref_slice %arg8[%select_n3A_137, %run_scoped3A_215, %dma_wait3A_272] : memref<3x8x128xi32, #tpu.memory_space<vmem>> -> memref<1x1x128xi32, #tpu.memory_space<vmem>>
        %dma_wait3A_274 = tpu.memref_squeeze %dma_wait3A_273 : memref<1x1x128xi32, #tpu.memory_space<vmem>> -> memref<128xi32, #tpu.memory_space<vmem>>
        %dma_wait3A_275 = arith.constant 0 : i32
        %dma_wait3A_276 = arith.constant 0 : i32
        %dma_wait3A_277 = tpu.memref_slice %arg11[%dma_wait3A_275, %dma_wait3A_276] : memref<10240x128xf32, #tpu.memory_space<vmem_shared>> -> memref<10240x128xf32, #tpu.memory_space<vmem_shared>>
        tpu.wait_indirect_dma semaphore(%run_scoped3A_265 : memref<!tpu.dma_semaphore, #tpu.memory_space<semaphore_mem>>) src(%arg9 : memref<128x128xf32, #tpu.memory_space<vmem>>) dst(%dma_wait3A_277 : memref<10240x128xf32, #tpu.memory_space<vmem_shared>>)
        tpu.yield
      }) : () -> ()
      %dma_start3A_216 = arith.constant 6 : i32
      %dma_start3A_217 = arith.constant 0 : i32
      %dma_start3A_218 = tpu.memref_slice %arg7[%select_n3A_137, %dma_start3A_216, %dma_start3A_217] : memref<3x8x128xi32, #tpu.memory_space<vmem>> -> memref<1x1x128xi32, #tpu.memory_space<vmem>>
      %dma_start3A_219 = tpu.memref_squeeze %dma_start3A_218 : memref<1x1x128xi32, #tpu.memory_space<vmem>> -> memref<128xi32, #tpu.memory_space<vmem>>
      %dma_start3A_220 = arith.constant 0 : i32
      %dma_start3A_221 = arith.constant 0 : i32
      %dma_start3A_222 = tpu.memref_slice %arg2[%dma_start3A_220, %dma_start3A_221] : memref<10240x128xf32, #tpu.memory_space<hbm>> -> memref<10240x128xf32, #tpu.memory_space<hbm>>
      tpu.enqueue_indirect_dma source(%dma_start3A_222 : memref<10240x128xf32, #tpu.memory_space<hbm>>) target(%arg9 : memref<128x128xf32, #tpu.memory_space<vmem>>) offsets(%dma_start3A_219 : memref<128xi32, #tpu.memory_space<vmem>>) semaphore(%arg12 : memref<!tpu.dma_semaphore, #tpu.memory_space<semaphore_mem>>)
      %dma_wait3A_223 = arith.constant 5 : i32
      %dma_wait3A_224 = arith.constant 0 : i32
      %dma_wait3A_225 = tpu.memref_slice %arg7[%select_n3A_137, %dma_wait3A_223, %dma_wait3A_224] : memref<3x8x128xi32, #tpu.memory_space<vmem>> -> memref<1x1x128xi32, #tpu.memory_space<vmem>>
      %dma_wait3A_226 = tpu.memref_squeeze %dma_wait3A_225 : memref<1x1x128xi32, #tpu.memory_space<vmem>> -> memref<128xi32, #tpu.memory_space<vmem>>
      %dma_wait3A_227 = arith.constant 0 : i32
      %dma_wait3A_228 = arith.constant 0 : i32
      %dma_wait3A_229 = tpu.memref_slice %arg2[%dma_wait3A_227, %dma_wait3A_228] : memref<10240x128xf32, #tpu.memory_space<hbm>> -> memref<10240x128xf32, #tpu.memory_space<hbm>>
      tpu.wait_indirect_dma semaphore(%arg12 : memref<!tpu.dma_semaphore, #tpu.memory_space<semaphore_mem>>) src(%dma_wait3A_229 : memref<10240x128xf32, #tpu.memory_space<hbm>>) dst(%arg10 : memref<128x128xf32, #tpu.memory_space<vmem>>)
      %run_scoped3A_230 = arith.constant 5 : i32
      "tpu.region"() ({
        %run_scoped3A_265 = tpu.sem_alloc : memref<!tpu.dma_semaphore, #tpu.memory_space<semaphore_mem>>
        %dma_start3A_266 = arith.constant 0 : i32
        %dma_start3A_267 = tpu.memref_slice %arg8[%select_n3A_137, %run_scoped3A_230, %dma_start3A_266] : memref<3x8x128xi32, #tpu.memory_space<vmem>> -> memref<1x1x128xi32, #tpu.memory_space<vmem>>
        %dma_start3A_268 = tpu.memref_squeeze %dma_start3A_267 : memref<1x1x128xi32, #tpu.memory_space<vmem>> -> memref<128xi32, #tpu.memory_space<vmem>>
        %dma_start3A_269 = arith.constant 0 : i32
        %dma_start3A_270 = arith.constant 0 : i32
        %dma_start3A_271 = tpu.memref_slice %arg11[%dma_start3A_269, %dma_start3A_270] : memref<10240x128xf32, #tpu.memory_space<vmem_shared>> -> memref<10240x128xf32, #tpu.memory_space<vmem_shared>>
        tpu.enqueue_indirect_dma source(%arg10 : memref<128x128xf32, #tpu.memory_space<vmem>>) target(%dma_start3A_271 : memref<10240x128xf32, #tpu.memory_space<vmem_shared>>) offsets(%dma_start3A_268 : memref<128xi32, #tpu.memory_space<vmem>>) semaphore(%run_scoped3A_265 : memref<!tpu.dma_semaphore, #tpu.memory_space<semaphore_mem>>) {add = true}
        %dma_wait3A_272 = arith.constant 0 : i32
        %dma_wait3A_273 = tpu.memref_slice %arg8[%select_n3A_137, %run_scoped3A_230, %dma_wait3A_272] : memref<3x8x128xi32, #tpu.memory_space<vmem>> -> memref<1x1x128xi32, #tpu.memory_space<vmem>>
        %dma_wait3A_274 = tpu.memref_squeeze %dma_wait3A_273 : memref<1x1x128xi32, #tpu.memory_space<vmem>> -> memref<128xi32, #tpu.memory_space<vmem>>
        %dma_wait3A_275 = arith.constant 0 : i32
        %dma_wait3A_276 = arith.constant 0 : i32
        %dma_wait3A_277 = tpu.memref_slice %arg11[%dma_wait3A_275, %dma_wait3A_276] : memref<10240x128xf32, #tpu.memory_space<vmem_shared>> -> memref<10240x128xf32, #tpu.memory_space<vmem_shared>>
        tpu.wait_indirect_dma semaphore(%run_scoped3A_265 : memref<!tpu.dma_semaphore, #tpu.memory_space<semaphore_mem>>) src(%arg10 : memref<128x128xf32, #tpu.memory_space<vmem>>) dst(%dma_wait3A_277 : memref<10240x128xf32, #tpu.memory_space<vmem_shared>>)
        tpu.yield
      }) : () -> ()
      %dma_start3A_231 = arith.constant 7 : i32
      %dma_start3A_232 = arith.constant 0 : i32
      %dma_start3A_233 = tpu.memref_slice %arg7[%select_n3A_137, %dma_start3A_231, %dma_start3A_232] : memref<3x8x128xi32, #tpu.memory_space<vmem>> -> memref<1x1x128xi32, #tpu.memory_space<vmem>>
      %dma_start3A_234 = tpu.memref_squeeze %dma_start3A_233 : memref<1x1x128xi32, #tpu.memory_space<vmem>> -> memref<128xi32, #tpu.memory_space<vmem>>
      %dma_start3A_235 = arith.constant 0 : i32
      %dma_start3A_236 = arith.constant 0 : i32
      %dma_start3A_237 = tpu.memref_slice %arg2[%dma_start3A_235, %dma_start3A_236] : memref<10240x128xf32, #tpu.memory_space<hbm>> -> memref<10240x128xf32, #tpu.memory_space<hbm>>
      tpu.enqueue_indirect_dma source(%dma_start3A_237 : memref<10240x128xf32, #tpu.memory_space<hbm>>) target(%arg10 : memref<128x128xf32, #tpu.memory_space<vmem>>) offsets(%dma_start3A_234 : memref<128xi32, #tpu.memory_space<vmem>>) semaphore(%arg12 : memref<!tpu.dma_semaphore, #tpu.memory_space<semaphore_mem>>)
      %dma_wait3A_238 = arith.constant 6 : i32
      %dma_wait3A_239 = arith.constant 0 : i32
      %dma_wait3A_240 = tpu.memref_slice %arg7[%select_n3A_137, %dma_wait3A_238, %dma_wait3A_239] : memref<3x8x128xi32, #tpu.memory_space<vmem>> -> memref<1x1x128xi32, #tpu.memory_space<vmem>>
      %dma_wait3A_241 = tpu.memref_squeeze %dma_wait3A_240 : memref<1x1x128xi32, #tpu.memory_space<vmem>> -> memref<128xi32, #tpu.memory_space<vmem>>
      %dma_wait3A_242 = arith.constant 0 : i32
      %dma_wait3A_243 = arith.constant 0 : i32
      %dma_wait3A_244 = tpu.memref_slice %arg2[%dma_wait3A_242, %dma_wait3A_243] : memref<10240x128xf32, #tpu.memory_space<hbm>> -> memref<10240x128xf32, #tpu.memory_space<hbm>>
      tpu.wait_indirect_dma semaphore(%arg12 : memref<!tpu.dma_semaphore, #tpu.memory_space<semaphore_mem>>) src(%dma_wait3A_244 : memref<10240x128xf32, #tpu.memory_space<hbm>>) dst(%arg9 : memref<128x128xf32, #tpu.memory_space<vmem>>)
      %run_scoped3A_245 = arith.constant 6 : i32
      "tpu.region"() ({
        %run_scoped3A_265 = tpu.sem_alloc : memref<!tpu.dma_semaphore, #tpu.memory_space<semaphore_mem>>
        %dma_start3A_266 = arith.constant 0 : i32
        %dma_start3A_267 = tpu.memref_slice %arg8[%select_n3A_137, %run_scoped3A_245, %dma_start3A_266] : memref<3x8x128xi32, #tpu.memory_space<vmem>> -> memref<1x1x128xi32, #tpu.memory_space<vmem>>
        %dma_start3A_268 = tpu.memref_squeeze %dma_start3A_267 : memref<1x1x128xi32, #tpu.memory_space<vmem>> -> memref<128xi32, #tpu.memory_space<vmem>>
        %dma_start3A_269 = arith.constant 0 : i32
        %dma_start3A_270 = arith.constant 0 : i32
        %dma_start3A_271 = tpu.memref_slice %arg11[%dma_start3A_269, %dma_start3A_270] : memref<10240x128xf32, #tpu.memory_space<vmem_shared>> -> memref<10240x128xf32, #tpu.memory_space<vmem_shared>>
        tpu.enqueue_indirect_dma source(%arg9 : memref<128x128xf32, #tpu.memory_space<vmem>>) target(%dma_start3A_271 : memref<10240x128xf32, #tpu.memory_space<vmem_shared>>) offsets(%dma_start3A_268 : memref<128xi32, #tpu.memory_space<vmem>>) semaphore(%run_scoped3A_265 : memref<!tpu.dma_semaphore, #tpu.memory_space<semaphore_mem>>) {add = true}
        %dma_wait3A_272 = arith.constant 0 : i32
        %dma_wait3A_273 = tpu.memref_slice %arg8[%select_n3A_137, %run_scoped3A_245, %dma_wait3A_272] : memref<3x8x128xi32, #tpu.memory_space<vmem>> -> memref<1x1x128xi32, #tpu.memory_space<vmem>>
        %dma_wait3A_274 = tpu.memref_squeeze %dma_wait3A_273 : memref<1x1x128xi32, #tpu.memory_space<vmem>> -> memref<128xi32, #tpu.memory_space<vmem>>
        %dma_wait3A_275 = arith.constant 0 : i32
        %dma_wait3A_276 = arith.constant 0 : i32
        %dma_wait3A_277 = tpu.memref_slice %arg11[%dma_wait3A_275, %dma_wait3A_276] : memref<10240x128xf32, #tpu.memory_space<vmem_shared>> -> memref<10240x128xf32, #tpu.memory_space<vmem_shared>>
        tpu.wait_indirect_dma semaphore(%run_scoped3A_265 : memref<!tpu.dma_semaphore, #tpu.memory_space<semaphore_mem>>) src(%arg9 : memref<128x128xf32, #tpu.memory_space<vmem>>) dst(%dma_wait3A_277 : memref<10240x128xf32, #tpu.memory_space<vmem_shared>>)
        tpu.yield
      }) : () -> ()
      %lt3A_246 = arith.constant 9 : i32
      %lt3A_247 = arith.cmpi slt, %scan3A_127, %lt3A_246 : i32
      %convert_element_type3A_248 = arith.extui %lt3A_247 : i1 to i32
      %cond3A_249 = arith.constant 0 : i32
      %cond3A_250 = arith.cmpi ne, %convert_element_type3A_248, %cond3A_249 : i32
      scf.if %cond3A_250 {
        %add3A_265 = arith.constant 1 : i32
        %add3A_266 = arith.addi %scan3A_127, %add3A_265 : i32
        %jit3A_267 = arith.constant 3 : i32
        %eq3A_268 = arith.constant 0 : i32
        %eq3A_269 = arith.cmpi eq, %jit3A_267, %eq3A_268 : i32
        %jit3A_270 = arith.constant 1 : i32
        %select_n3A_271 = arith.select %eq3A_269, %jit3A_270, %jit3A_267 : i32
        %rem3A_272 = arith.remsi %add3A_266, %select_n3A_271 : i32
        %ne3A_273 = arith.constant 0 : i32
        %ne3A_274 = arith.cmpi ne, %rem3A_272, %ne3A_273 : i32
        %lt3A_275 = arith.constant 0 : i32
        %lt3A_276 = arith.cmpi slt, %rem3A_272, %lt3A_275 : i32
        %lt3A_277 = arith.constant 0 : i32
        %lt3A_278 = arith.cmpi slt, %select_n3A_271, %lt3A_277 : i32
        %ne3A_279 = arith.xori %lt3A_276, %lt3A_278 : i1
        %and3A_280 = arith.andi %ne3A_279, %ne3A_274 : i1
        %add3A_281 = arith.addi %rem3A_272, %select_n3A_271 : i32
        %select_n3A_282 = arith.select %and3A_280, %add3A_281, %rem3A_272 : i32
        %dma_start3A_283 = arith.constant 0 : i32
        %dma_start3A_284 = arith.constant 0 : i32
        %dma_start3A_285 = tpu.memref_slice %arg7[%select_n3A_282, %dma_start3A_283, %dma_start3A_284] : memref<3x8x128xi32, #tpu.memory_space<vmem>> -> memref<1x1x128xi32, #tpu.memory_space<vmem>>
        %dma_start3A_286 = tpu.memref_squeeze %dma_start3A_285 : memref<1x1x128xi32, #tpu.memory_space<vmem>> -> memref<128xi32, #tpu.memory_space<vmem>>
        %dma_start3A_287 = arith.constant 0 : i32
        %dma_start3A_288 = arith.constant 0 : i32
        %dma_start3A_289 = tpu.memref_slice %arg2[%dma_start3A_287, %dma_start3A_288] : memref<10240x128xf32, #tpu.memory_space<hbm>> -> memref<10240x128xf32, #tpu.memory_space<hbm>>
        tpu.enqueue_indirect_dma source(%dma_start3A_289 : memref<10240x128xf32, #tpu.memory_space<hbm>>) target(%arg9 : memref<128x128xf32, #tpu.memory_space<vmem>>) offsets(%dma_start3A_286 : memref<128xi32, #tpu.memory_space<vmem>>) semaphore(%arg12 : memref<!tpu.dma_semaphore, #tpu.memory_space<semaphore_mem>>)
      } else {
      }
      %dma_wait3A_251 = arith.constant 7 : i32
      %dma_wait3A_252 = arith.constant 0 : i32
      %dma_wait3A_253 = tpu.memref_slice %arg7[%select_n3A_137, %dma_wait3A_251, %dma_wait3A_252] : memref<3x8x128xi32, #tpu.memory_space<vmem>> -> memref<1x1x128xi32, #tpu.memory_space<vmem>>
      %dma_wait3A_254 = tpu.memref_squeeze %dma_wait3A_253 : memref<1x1x128xi32, #tpu.memory_space<vmem>> -> memref<128xi32, #tpu.memory_space<vmem>>
      %dma_wait3A_255 = arith.constant 0 : i32
      %dma_wait3A_256 = arith.constant 0 : i32
      %dma_wait3A_257 = tpu.memref_slice %arg2[%dma_wait3A_255, %dma_wait3A_256] : memref<10240x128xf32, #tpu.memory_space<hbm>> -> memref<10240x128xf32, #tpu.memory_space<hbm>>
      tpu.wait_indirect_dma semaphore(%arg12 : memref<!tpu.dma_semaphore, #tpu.memory_space<semaphore_mem>>) src(%dma_wait3A_257 : memref<10240x128xf32, #tpu.memory_space<hbm>>) dst(%arg10 : memref<128x128xf32, #tpu.memory_space<vmem>>)
      %run_scoped3A_258 = arith.constant 7 : i32
      "tpu.region"() ({
        %run_scoped3A_265 = tpu.sem_alloc : memref<!tpu.dma_semaphore, #tpu.memory_space<semaphore_mem>>
        %dma_start3A_266 = arith.constant 0 : i32
        %dma_start3A_267 = tpu.memref_slice %arg8[%select_n3A_137, %run_scoped3A_258, %dma_start3A_266] : memref<3x8x128xi32, #tpu.memory_space<vmem>> -> memref<1x1x128xi32, #tpu.memory_space<vmem>>
        %dma_start3A_268 = tpu.memref_squeeze %dma_start3A_267 : memref<1x1x128xi32, #tpu.memory_space<vmem>> -> memref<128xi32, #tpu.memory_space<vmem>>
        %dma_start3A_269 = arith.constant 0 : i32
        %dma_start3A_270 = arith.constant 0 : i32
        %dma_start3A_271 = tpu.memref_slice %arg11[%dma_start3A_269, %dma_start3A_270] : memref<10240x128xf32, #tpu.memory_space<vmem_shared>> -> memref<10240x128xf32, #tpu.memory_space<vmem_shared>>
        tpu.enqueue_indirect_dma source(%arg10 : memref<128x128xf32, #tpu.memory_space<vmem>>) target(%dma_start3A_271 : memref<10240x128xf32, #tpu.memory_space<vmem_shared>>) offsets(%dma_start3A_268 : memref<128xi32, #tpu.memory_space<vmem>>) semaphore(%run_scoped3A_265 : memref<!tpu.dma_semaphore, #tpu.memory_space<semaphore_mem>>) {add = true}
        %dma_wait3A_272 = arith.constant 0 : i32
        %dma_wait3A_273 = tpu.memref_slice %arg8[%select_n3A_137, %run_scoped3A_258, %dma_wait3A_272] : memref<3x8x128xi32, #tpu.memory_space<vmem>> -> memref<1x1x128xi32, #tpu.memory_space<vmem>>
        %dma_wait3A_274 = tpu.memref_squeeze %dma_wait3A_273 : memref<1x1x128xi32, #tpu.memory_space<vmem>> -> memref<128xi32, #tpu.memory_space<vmem>>
        %dma_wait3A_275 = arith.constant 0 : i32
        %dma_wait3A_276 = arith.constant 0 : i32
        %dma_wait3A_277 = tpu.memref_slice %arg11[%dma_wait3A_275, %dma_wait3A_276] : memref<10240x128xf32, #tpu.memory_space<vmem_shared>> -> memref<10240x128xf32, #tpu.memory_space<vmem_shared>>
        tpu.wait_indirect_dma semaphore(%run_scoped3A_265 : memref<!tpu.dma_semaphore, #tpu.memory_space<semaphore_mem>>) src(%arg10 : memref<128x128xf32, #tpu.memory_space<vmem>>) dst(%dma_wait3A_277 : memref<10240x128xf32, #tpu.memory_space<vmem_shared>>)
        tpu.yield
      }) : () -> ()
      %lt3A_259 = arith.constant 7 : i32
      %lt3A_260 = arith.cmpi slt, %scan3A_127, %lt3A_259 : i32
      %convert_element_type3A_261 = arith.extui %lt3A_260 : i1 to i32
      %cond3A_262 = arith.constant 0 : i32
      %cond3A_263 = arith.cmpi ne, %convert_element_type3A_261, %cond3A_262 : i32
      scf.if %cond3A_263 {
        %add3A_265 = arith.constant 3 : i32
        %add3A_266 = arith.addi %scan3A_127, %add3A_265 : i32
        %mul3A_267 = arith.constant 8 : i32
        %mul3A_268 = arith.muli %add3A_266, %mul3A_267 : i32
        %dma_start3A_269 = arith.constant 0 : i32
        %dma_start3A_270 = arith.constant 0 : i32
        %dma_start3A_271 = tpu.memref_slice %arg7[%select_n3A_137, %dma_start3A_269, %dma_start3A_270] : memref<3x8x128xi32, #tpu.memory_space<vmem>> -> memref<1x8x128xi32, #tpu.memory_space<vmem>>
        %dma_start3A_272 = tpu.memref_squeeze %dma_start3A_271 : memref<1x8x128xi32, #tpu.memory_space<vmem>> -> memref<8x128xi32, #tpu.memory_space<vmem>>
        %dma_start3A_273 = arith.constant 0 : i32
        %dma_start3A_274 = tpu.memref_slice %arg3[%add3A, %mul3A_268, %dma_start3A_273] : memref<32x80x128xi32, #tpu.memory_space<hbm>> -> memref<1x8x128xi32, #tpu.memory_space<hbm>>
        %dma_start3A_275 = tpu.memref_squeeze %dma_start3A_274 : memref<1x8x128xi32, #tpu.memory_space<hbm>> -> memref<8x128xi32, #tpu.memory_space<hbm>>
        %dma_start3A_276 = arith.constant 0 : i32
        %dma_start3A_277 = arith.constant 0 : i32
        %dma_start3A_278 = tpu.memref_slice %arg7[%select_n3A_137, %dma_start3A_276, %dma_start3A_277] : memref<3x8x128xi32, #tpu.memory_space<vmem>> -> memref<1x8x128xi32, #tpu.memory_space<vmem>>
        %dma_start3A_279 = tpu.memref_squeeze %dma_start3A_278 : memref<1x8x128xi32, #tpu.memory_space<vmem>> -> memref<8x128xi32, #tpu.memory_space<vmem>>
        %dma_start3A_280 = arith.constant 0 : i32
        %dma_start3A_281 = tpu.memref_slice %arg3[%add3A, %mul3A_268, %dma_start3A_280] : memref<32x80x128xi32, #tpu.memory_space<hbm>> -> memref<1x8x128xi32, #tpu.memory_space<hbm>>
        %dma_start3A_282 = tpu.memref_squeeze %dma_start3A_281 : memref<1x8x128xi32, #tpu.memory_space<hbm>> -> memref<8x128xi32, #tpu.memory_space<hbm>>
        tpu.enqueue_dma source(%dma_start3A_282 : memref<8x128xi32, #tpu.memory_space<hbm>>) target(%dma_start3A_279 : memref<8x128xi32, #tpu.memory_space<vmem>>) target_semaphore(%arg13 : memref<!tpu.dma_semaphore, #tpu.memory_space<semaphore_mem>>)
        %add3A_283 = arith.constant 3 : i32
        %add3A_284 = arith.addi %scan3A_127, %add3A_283 : i32
        %mul3A_285 = arith.constant 8 : i32
        %mul3A_286 = arith.muli %add3A_284, %mul3A_285 : i32
        %dma_start3A_287 = arith.constant 0 : i32
        %dma_start3A_288 = arith.constant 0 : i32
        %dma_start3A_289 = tpu.memref_slice %arg8[%select_n3A_137, %dma_start3A_287, %dma_start3A_288] : memref<3x8x128xi32, #tpu.memory_space<vmem>> -> memref<1x8x128xi32, #tpu.memory_space<vmem>>
        %dma_start3A_290 = tpu.memref_squeeze %dma_start3A_289 : memref<1x8x128xi32, #tpu.memory_space<vmem>> -> memref<8x128xi32, #tpu.memory_space<vmem>>
        %dma_start3A_291 = arith.constant 0 : i32
        %dma_start3A_292 = tpu.memref_slice %arg4[%add3A, %mul3A_286, %dma_start3A_291] : memref<32x80x128xi32, #tpu.memory_space<hbm>> -> memref<1x8x128xi32, #tpu.memory_space<hbm>>
        %dma_start3A_293 = tpu.memref_squeeze %dma_start3A_292 : memref<1x8x128xi32, #tpu.memory_space<hbm>> -> memref<8x128xi32, #tpu.memory_space<hbm>>
        %dma_start3A_294 = arith.constant 0 : i32
        %dma_start3A_295 = arith.constant 0 : i32
        %dma_start3A_296 = tpu.memref_slice %arg8[%select_n3A_137, %dma_start3A_294, %dma_start3A_295] : memref<3x8x128xi32, #tpu.memory_space<vmem>> -> memref<1x8x128xi32, #tpu.memory_space<vmem>>
        %dma_start3A_297 = tpu.memref_squeeze %dma_start3A_296 : memref<1x8x128xi32, #tpu.memory_space<vmem>> -> memref<8x128xi32, #tpu.memory_space<vmem>>
        %dma_start3A_298 = arith.constant 0 : i32
        %dma_start3A_299 = tpu.memref_slice %arg4[%add3A, %mul3A_286, %dma_start3A_298] : memref<32x80x128xi32, #tpu.memory_space<hbm>> -> memref<1x8x128xi32, #tpu.memory_space<hbm>>
        %dma_start3A_300 = tpu.memref_squeeze %dma_start3A_299 : memref<1x8x128xi32, #tpu.memory_space<hbm>> -> memref<8x128xi32, #tpu.memory_space<hbm>>
        tpu.enqueue_dma source(%dma_start3A_300 : memref<8x128xi32, #tpu.memory_space<hbm>>) target(%dma_start3A_297 : memref<8x128xi32, #tpu.memory_space<vmem>>) target_semaphore(%arg13 : memref<!tpu.dma_semaphore, #tpu.memory_space<semaphore_mem>>)
      } else {
      }
      %scan3A_264 = arith.constant 0 : i32
      scf.yield %scan3A_264 : i32
    }
    %scan3A_121 = arith.constant 10 : i32
    %barrier3A_122 = arith.constant 0 : index
    tpu.barrier barrier_id(%barrier3A_122)
    %mul3A_123 = arith.constant 640 : i32
    %mul3A_124 = arith.muli %arg1, %mul3A_123 : i32
    %mul3A_125 = arith.constant 640 : i32
    %mul3A_126 = arith.muli %arg1, %mul3A_125 : i32
    "tpu.region"() ({
      %run_scoped3A_127 = tpu.sem_alloc : memref<!tpu.dma_semaphore, #tpu.memory_space<semaphore_mem>>
      %dma_start3A_128 = arith.constant 0 : i32
      %dma_start3A_129 = tpu.memref_slice %arg6[%arg0, %mul3A_126, %dma_start3A_128] : memref<2x10240x128xf32, #tpu.memory_space<hbm>> -> memref<1x640x128xf32, #tpu.memory_space<hbm>>
      %dma_start3A_130 = tpu.memref_squeeze %dma_start3A_129 : memref<1x640x128xf32, #tpu.memory_space<hbm>> -> memref<640x128xf32, #tpu.memory_space<hbm>>
      %dma_start3A_131 = arith.constant 0 : i32
      %dma_start3A_132 = tpu.memref_slice %arg11[%mul3A_124, %dma_start3A_131] : memref<10240x128xf32, #tpu.memory_space<vmem_shared>> -> memref<640x128xf32, #tpu.memory_space<vmem_shared>>
      tpu.enqueue_dma source(%dma_start3A_132 : memref<640x128xf32, #tpu.memory_space<vmem_shared>>) target(%dma_start3A_130 : memref<640x128xf32, #tpu.memory_space<hbm>>) target_semaphore(%run_scoped3A_127 : memref<!tpu.dma_semaphore, #tpu.memory_space<semaphore_mem>>)
      %dma_wait3A_133 = arith.constant 0 : i32
      %dma_wait3A_134 = tpu.memref_slice %arg6[%arg0, %mul3A_126, %dma_wait3A_133] : memref<2x10240x128xf32, #tpu.memory_space<hbm>> -> memref<1x640x128xf32, #tpu.memory_space<hbm>>
      %dma_wait3A_135 = tpu.memref_squeeze %dma_wait3A_134 : memref<1x640x128xf32, #tpu.memory_space<hbm>> -> memref<640x128xf32, #tpu.memory_space<hbm>>
      %dma_wait3A_136 = arith.constant 0 : i32
      %dma_wait3A_137 = tpu.memref_slice %arg11[%mul3A_124, %dma_wait3A_136] : memref<10240x128xf32, #tpu.memory_space<vmem_shared>> -> memref<640x128xf32, #tpu.memory_space<vmem_shared>>
      tpu.wait_dma2 semaphore(%run_scoped3A_127 : memref<!tpu.dma_semaphore, #tpu.memory_space<semaphore_mem>>) src(%dma_wait3A_137 : memref<640x128xf32, #tpu.memory_space<vmem_shared>>) dst(%dma_wait3A_135 : memref<640x128xf32, #tpu.memory_space<hbm>>)
      tpu.yield
    }) : () -> ()
    return
  }
}

module attributes {stable_mosaic.version = 14 : i64} {
  func.func @_tc_a_body(%arg0: i32, %arg1: memref<1000x128xf32, #tpu.memory_space<vmem>>, %arg2: memref<128x128xf32, #tpu.memory_space<vmem>>, %arg3: memref<2x1000x1xf32, #tpu.memory_space<vmem>>, %arg4: memref<1000x128xf32, #tpu.memory_space<vmem>>, %arg5: memref<1000x1xf32, #tpu.memory_space<vmem>>) attributes {dimension_semantics = [#tpu.dimension_semantics<arbitrary>], iteration_bounds = array<i64: 10>, scalar_prefetch = 0 : i64, scratch_operands = 0 : i64, tpu.core_type = #tpu.core_type<tc>, window_params = [{transform_indices = @transform_0, window_bounds = array<i64: 1000, 128>}, {pipeline_mode = #tpu.pipeline_mode<synchronous>, transform_indices = @transform_1, window_bounds = array<i64: 128, 128>}, {transform_indices = @transform_2, window_bounds = array<i64: 2, 1000, 1>}, {transform_indices = @transform_3, window_bounds = array<i64: 1000, 128>}, {transform_indices = @transform_4, window_bounds = array<i64: 1000, 1>}]} {
    %get3A = arith.constant 0 : index
    %get3A_0 = arith.constant 0 : index
    %get3A_1 = arith.constant 0 : index
    %get3A_2 = vector.load %arg3[%get3A, %get3A_0, %get3A_1] : memref<2x1000x1xf32, #tpu.memory_space<vmem>>, vector<1x1000x1xf32>
    %get3A_3 = vector.shape_cast %get3A_2 : vector<1x1000x1xf32> to vector<1000x1xf32>
    %get3A_4 = arith.constant 1 : index
    %get3A_5 = arith.constant 0 : index
    %get3A_6 = arith.constant 0 : index
    %get3A_7 = vector.load %arg3[%get3A_4, %get3A_5, %get3A_6] : memref<2x1000x1xf32, #tpu.memory_space<vmem>>, vector<1x1000x1xf32>
    %get3A_8 = vector.shape_cast %get3A_7 : vector<1x1000x1xf32> to vector<1000x1xf32>
    %add3A = arith.addf %get3A_3, %get3A_8 : vector<1000x1xf32>
    %add3A_9 = arith.constant 1.000000e+00 : f32
    %add3A_10 = vector.broadcast %add3A_9 : f32 to vector<1000x1xf32>
    %add3A_11 = arith.addf %add3A, %add3A_10 : vector<1000x1xf32>
    %rsqrt3A = math.rsqrt %add3A_11 : vector<1000x1xf32>
    %get3A_12 = arith.constant 0 : index
    %get3A_13 = arith.constant 0 : index
    %get3A_14 = vector.load %arg1[%get3A_12, %get3A_13] : memref<1000x128xf32, #tpu.memory_space<vmem>>, vector<1000x128xf32>
    %get3A_15 = arith.constant 0 : index
    %get3A_16 = arith.constant 0 : index
    %get3A_17 = vector.load %arg2[%get3A_15, %get3A_16] : memref<128x128xf32, #tpu.memory_space<vmem>>, vector<128x128xf32>
    %dot_general3A = arith.constant dense<0.000000e+00> : vector<1000x128xf32>
    %dot_general3A_18 = tpu.matmul %get3A_14, %get3A_17, %dot_general3A {dimension_numbers = #tpu.dot_dimension_numbers<[1], [0], [0], [1], [0, 0, 1, 1], [], []>, transpose_lhs_hint = false} : vector<1000x128xf32>, vector<128x128xf32>, vector<1000x128xf32> -> vector<1000x128xf32>
    %mul3A = vector.broadcast %rsqrt3A : vector<1000x1xf32> to vector<1000x128xf32>
    %mul3A_19 = arith.mulf %dot_general3A_18, %mul3A : vector<1000x128xf32>
    %swap3A = arith.constant 0 : index
    %swap3A_20 = arith.constant 0 : index
    %swap3A_21 = vector.load %arg4[%swap3A, %swap3A_20] : memref<1000x128xf32, #tpu.memory_space<vmem>>, vector<1000x128xf32>
    tpu.vector_store %arg4[%swap3A, %swap3A_20], %mul3A_19 {strides = array<i32>} : memref<1000x128xf32, #tpu.memory_space<vmem>>, vector<1000x128xf32>,
    %swap3A_22 = arith.constant 0 : index
    %swap3A_23 = arith.constant 0 : index
    %swap3A_24 = vector.load %arg5[%swap3A_22, %swap3A_23] : memref<1000x1xf32, #tpu.memory_space<vmem>>, vector<1000x1xf32>
    tpu.vector_store %arg5[%swap3A_22, %swap3A_23], %rsqrt3A {strides = array<i32>} : memref<1000x1xf32, #tpu.memory_space<vmem>>, vector<1000x1xf32>,
    return
  }
  func.func @transform_0(%arg0: i32) -> (i32, i32) {
    %c0_i32 = arith.constant 0 : i32
    %c0_i32_0 = arith.constant 0 : i32
    return %arg0, %c0_i32 : i32, i32
  }
  func.func @transform_1(%arg0: i32) -> (i32, i32) {
    %c0_i32 = arith.constant 0 : i32
    %c0_i32_0 = arith.constant 0 : i32
    %c0_i32_1 = arith.constant 0 : i32
    return %c0_i32, %c0_i32_0 : i32, i32
  }
  func.func @transform_2(%arg0: i32) -> (i32, i32, i32) {
    %c0_i32 = arith.constant 0 : i32
    %c0_i32_0 = arith.constant 0 : i32
    %c0_i32_1 = arith.constant 0 : i32
    return %c0_i32, %arg0, %c0_i32_0 : i32, i32, i32
  }
  func.func @transform_3(%arg0: i32) -> (i32, i32) {
    %c0_i32 = arith.constant 0 : i32
    %c0_i32_0 = arith.constant 0 : i32
    return %arg0, %c0_i32 : i32, i32
  }
  func.func @transform_4(%arg0: i32) -> (i32, i32) {
    %c0_i32 = arith.constant 0 : i32
    %c0_i32_0 = arith.constant 0 : i32
    return %arg0, %c0_i32 : i32, i32
  }
}

module attributes {stable_mosaic.version = 14 : i64} {
  func.func @_tc_b_body(%arg0: i32, %arg1: memref<2x1000x128xf32, #tpu.memory_space<vmem>>, %arg2: memref<1000x128xf32, #tpu.memory_space<vmem>>, %arg3: memref<1000x1xf32, #tpu.memory_space<vmem>>, %arg4: memref<1x128xf32, #tpu.memory_space<vmem>>, %arg5: memref<128x128xf32, #tpu.memory_space<vmem>>, %arg6: memref<1000x128xf32, #tpu.memory_space<vmem>>) attributes {dimension_semantics = [#tpu.dimension_semantics<arbitrary>], iteration_bounds = array<i64: 10>, scalar_prefetch = 0 : i64, scratch_operands = 0 : i64, tpu.core_type = #tpu.core_type<tc>, window_params = [{transform_indices = @transform_0, window_bounds = array<i64: 2, 1000, 128>}, {transform_indices = @transform_1, window_bounds = array<i64: 1000, 128>}, {transform_indices = @transform_2, window_bounds = array<i64: 1000, 1>}, {pipeline_mode = #tpu.pipeline_mode<synchronous>, transform_indices = @transform_3, window_bounds = array<i64: 1, 128>}, {pipeline_mode = #tpu.pipeline_mode<synchronous>, transform_indices = @transform_4, window_bounds = array<i64: 128, 128>}, {transform_indices = @transform_5, window_bounds = array<i64: 1000, 128>}]} {
    %get3A = arith.constant 0 : index
    %get3A_0 = arith.constant 0 : index
    %get3A_1 = vector.load %arg3[%get3A, %get3A_0] : memref<1000x1xf32, #tpu.memory_space<vmem>>, vector<1000x1xf32>
    %get3A_2 = arith.constant 0 : index
    %get3A_3 = arith.constant 0 : index
    %get3A_4 = arith.constant 0 : index
    %get3A_5 = vector.load %arg1[%get3A_2, %get3A_3, %get3A_4] : memref<2x1000x128xf32, #tpu.memory_space<vmem>>, vector<1x1000x128xf32>
    %get3A_6 = vector.shape_cast %get3A_5 : vector<1x1000x128xf32> to vector<1000x128xf32>
    %get3A_7 = arith.constant 1 : index
    %get3A_8 = arith.constant 0 : index
    %get3A_9 = arith.constant 0 : index
    %get3A_10 = vector.load %arg1[%get3A_7, %get3A_8, %get3A_9] : memref<2x1000x128xf32, #tpu.memory_space<vmem>>, vector<1x1000x128xf32>
    %get3A_11 = vector.shape_cast %get3A_10 : vector<1x1000x128xf32> to vector<1000x128xf32>
    %add3A = arith.addf %get3A_6, %get3A_11 : vector<1000x128xf32>
    %get3A_12 = arith.constant 0 : index
    %get3A_13 = arith.constant 0 : index
    %get3A_14 = vector.load %arg2[%get3A_12, %get3A_13] : memref<1000x128xf32, #tpu.memory_space<vmem>>, vector<1000x128xf32>
    %add3A_15 = arith.addf %add3A, %get3A_14 : vector<1000x128xf32>
    %mul3A = vector.broadcast %get3A_1 : vector<1000x1xf32> to vector<1000x128xf32>
    %mul3A_16 = arith.mulf %add3A_15, %mul3A : vector<1000x128xf32>
    %get3A_17 = arith.constant 0 : index
    %get3A_18 = arith.constant 0 : index
    %get3A_19 = vector.load %arg4[%get3A_17, %get3A_18] : memref<1x128xf32, #tpu.memory_space<vmem>>, vector<1x128xf32>
    %add3A_20 = vector.broadcast %get3A_19 : vector<1x128xf32> to vector<1000x128xf32>
    %add3A_21 = arith.addf %mul3A_16, %add3A_20 : vector<1000x128xf32>
    %max3A = arith.constant 0.000000e+00 : f32
    %max3A_22 = vector.broadcast %max3A : f32 to vector<1000x128xf32>
    %max3A_23 = arith.maximumf %add3A_21, %max3A_22 : vector<1000x128xf32>
    %get3A_24 = arith.constant 0 : index
    %get3A_25 = arith.constant 0 : index
    %get3A_26 = vector.load %arg5[%get3A_24, %get3A_25] : memref<128x128xf32, #tpu.memory_space<vmem>>, vector<128x128xf32>
    %dot_general3A = arith.constant dense<0.000000e+00> : vector<1000x128xf32>
    %dot_general3A_27 = tpu.matmul %max3A_23, %get3A_26, %dot_general3A {dimension_numbers = #tpu.dot_dimension_numbers<[1], [0], [0], [1], [0, 0, 1, 1], [], []>, transpose_lhs_hint = false} : vector<1000x128xf32>, vector<128x128xf32>, vector<1000x128xf32> -> vector<1000x128xf32>
    %mul3A_28 = vector.broadcast %get3A_1 : vector<1000x1xf32> to vector<1000x128xf32>
    %mul3A_29 = arith.mulf %dot_general3A_27, %mul3A_28 : vector<1000x128xf32>
    %swap3A = arith.constant 0 : index
    %swap3A_30 = arith.constant 0 : index
    %swap3A_31 = vector.load %arg6[%swap3A, %swap3A_30] : memref<1000x128xf32, #tpu.memory_space<vmem>>, vector<1000x128xf32>
    tpu.vector_store %arg6[%swap3A, %swap3A_30], %mul3A_29 {strides = array<i32>} : memref<1000x128xf32, #tpu.memory_space<vmem>>, vector<1000x128xf32>,
    return
  }
  func.func @transform_0(%arg0: i32) -> (i32, i32, i32) {
    %c0_i32 = arith.constant 0 : i32
    %c0_i32_0 = arith.constant 0 : i32
    %c0_i32_1 = arith.constant 0 : i32
    return %c0_i32, %arg0, %c0_i32_0 : i32, i32, i32
  }
  func.func @transform_1(%arg0: i32) -> (i32, i32) {
    %c0_i32 = arith.constant 0 : i32
    %c0_i32_0 = arith.constant 0 : i32
    return %arg0, %c0_i32 : i32, i32
  }
  func.func @transform_2(%arg0: i32) -> (i32, i32) {
    %c0_i32 = arith.constant 0 : i32
    %c0_i32_0 = arith.constant 0 : i32
    return %arg0, %c0_i32 : i32, i32
  }
  func.func @transform_3(%arg0: i32) -> (i32, i32) {
    %c0_i32 = arith.constant 0 : i32
    %c0_i32_0 = arith.constant 0 : i32
    %c0_i32_1 = arith.constant 0 : i32
    return %c0_i32, %c0_i32_0 : i32, i32
  }
  func.func @transform_4(%arg0: i32) -> (i32, i32) {
    %c0_i32 = arith.constant 0 : i32
    %c0_i32_0 = arith.constant 0 : i32
    %c0_i32_1 = arith.constant 0 : i32
    return %c0_i32, %c0_i32_0 : i32, i32
  }
  func.func @transform_5(%arg0: i32) -> (i32, i32) {
    %c0_i32 = arith.constant 0 : i32
    %c0_i32_0 = arith.constant 0 : i32
    return %arg0, %c0_i32 : i32, i32
  }
}

module attributes {stable_mosaic.version = 14 : i64} {
  func.func @_tc_c_body(%arg0: i32, %arg1: memref<2x1000x128xf32, #tpu.memory_space<vmem>>, %arg2: memref<1000x128xf32, #tpu.memory_space<vmem>>, %arg3: memref<1000x1xf32, #tpu.memory_space<vmem>>, %arg4: memref<1x128xf32, #tpu.memory_space<vmem>>, %arg5: memref<1x1x1000xi32, #tpu.memory_space<vmem>>, %arg6: memref<16x128xf32, #tpu.memory_space<vmem>>, %arg7: memref<16x1xf32, #tpu.memory_space<vmem>>) attributes {dimension_semantics = [#tpu.dimension_semantics<arbitrary>], iteration_bounds = array<i64: 10>, scalar_prefetch = 0 : i64, scratch_operands = 1 : i64, tpu.core_type = #tpu.core_type<tc>, window_params = [{transform_indices = @transform_0, window_bounds = array<i64: 2, 1000, 128>}, {transform_indices = @transform_1, window_bounds = array<i64: 1000, 128>}, {transform_indices = @transform_2, window_bounds = array<i64: 1000, 1>}, {pipeline_mode = #tpu.pipeline_mode<synchronous>, transform_indices = @transform_3, window_bounds = array<i64: 1, 128>}, {transform_indices = @transform_4, window_bounds = array<i64: 1, 1, 1000>}, {pipeline_mode = #tpu.pipeline_mode<synchronous>, transform_indices = @transform_5, window_bounds = array<i64: 16, 128>}]} {
    %get3A = arith.constant 0 : index
    %get3A_0 = arith.constant 0 : index
    %get3A_1 = arith.constant 0 : index
    %get3A_2 = vector.load %arg1[%get3A, %get3A_0, %get3A_1] : memref<2x1000x128xf32, #tpu.memory_space<vmem>>, vector<1x1000x128xf32>
    %get3A_3 = vector.shape_cast %get3A_2 : vector<1x1000x128xf32> to vector<1000x128xf32>
    %get3A_4 = arith.constant 1 : index
    %get3A_5 = arith.constant 0 : index
    %get3A_6 = arith.constant 0 : index
    %get3A_7 = vector.load %arg1[%get3A_4, %get3A_5, %get3A_6] : memref<2x1000x128xf32, #tpu.memory_space<vmem>>, vector<1x1000x128xf32>
    %get3A_8 = vector.shape_cast %get3A_7 : vector<1x1000x128xf32> to vector<1000x128xf32>
    %add3A = arith.addf %get3A_3, %get3A_8 : vector<1000x128xf32>
    %get3A_9 = arith.constant 0 : index
    %get3A_10 = arith.constant 0 : index
    %get3A_11 = vector.load %arg2[%get3A_9, %get3A_10] : memref<1000x128xf32, #tpu.memory_space<vmem>>, vector<1000x128xf32>
    %add3A_12 = arith.addf %add3A, %get3A_11 : vector<1000x128xf32>
    %get3A_13 = arith.constant 0 : index
    %get3A_14 = arith.constant 0 : index
    %get3A_15 = vector.load %arg3[%get3A_13, %get3A_14] : memref<1000x1xf32, #tpu.memory_space<vmem>>, vector<1000x1xf32>
    %mul3A = vector.broadcast %get3A_15 : vector<1000x1xf32> to vector<1000x128xf32>
    %mul3A_16 = arith.mulf %add3A_12, %mul3A : vector<1000x128xf32>
    %get3A_17 = arith.constant 0 : index
    %get3A_18 = arith.constant 0 : index
    %get3A_19 = vector.load %arg4[%get3A_17, %get3A_18] : memref<1x128xf32, #tpu.memory_space<vmem>>, vector<1x128xf32>
    %add3A_20 = vector.broadcast %get3A_19 : vector<1x128xf32> to vector<1000x128xf32>
    %add3A_21 = arith.addf %mul3A_16, %add3A_20 : vector<1000x128xf32>
    %get3A_22 = arith.constant 0 : index
    %get3A_23 = arith.constant 0 : index
    %get3A_24 = arith.constant 0 : index
    %get3A_25 = vector.load %arg5[%get3A_22, %get3A_23, %get3A_24] : memref<1x1x1000xi32, #tpu.memory_space<vmem>>, vector<1x1x1000xi32>
    %get3A_26 = vector.shape_cast %get3A_25 : vector<1x1x1000xi32> to vector<1x1000xi32>
    %iota3A = tpu.iota {dimensions = array<i32: 0>} : vector<16x1000xi32>
    %eq3A = vector.broadcast %get3A_26 : vector<1x1000xi32> to vector<16x1000xi32>
    %eq3A_27 = arith.cmpi eq, %iota3A, %eq3A : vector<16x1000xi32>
    %convert_element_type3A = arith.extui %eq3A_27 : vector<16x1000xi1> to vector<16x1000xi32>
    %convert_element_type3A_28 = arith.sitofp %convert_element_type3A : vector<16x1000xi32> to vector<16x1000xf32>
    %eq3A_29 = arith.constant 0 : i32
    %eq3A_30 = arith.cmpi eq, %arg0, %eq3A_29 : i32
    %convert_element_type3A_31 = arith.extui %eq3A_30 : i1 to i32
    %cond3A = arith.constant 0 : i32
    %cond3A_32 = arith.cmpi ne, %convert_element_type3A_31, %cond3A : i32
    scf.if %cond3A_32 {
      %broadcast_in_dim3A_53 = arith.constant 0.000000e+00 : f32
      %broadcast_in_dim3A_54 = vector.broadcast %broadcast_in_dim3A_53 : f32 to vector<16x128xf32>
      %swap3A_55 = arith.constant 0 : index
      %swap3A_56 = arith.constant 0 : index
      %swap3A_57 = vector.load %arg6[%swap3A_55, %swap3A_56] : memref<16x128xf32, #tpu.memory_space<vmem>>, vector<16x128xf32>
      tpu.vector_store %arg6[%swap3A_55, %swap3A_56], %broadcast_in_dim3A_54 {strides = array<i32>} : memref<16x128xf32, #tpu.memory_space<vmem>>, vector<16x128xf32>,
      %broadcast_in_dim3A_58 = arith.constant 0.000000e+00 : f32
      %broadcast_in_dim3A_59 = vector.broadcast %broadcast_in_dim3A_58 : f32 to vector<16x1xf32>
      %swap3A_60 = arith.constant 0 : index
      %swap3A_61 = arith.constant 0 : index
      %swap3A_62 = vector.load %arg7[%swap3A_60, %swap3A_61] : memref<16x1xf32, #tpu.memory_space<vmem>>, vector<16x1xf32>
      tpu.vector_store %arg7[%swap3A_60, %swap3A_61], %broadcast_in_dim3A_59 {strides = array<i32>} : memref<16x1xf32, #tpu.memory_space<vmem>>, vector<16x1xf32>,
    } else {
    }
    %get3A_33 = arith.constant 0 : index
    %get3A_34 = arith.constant 0 : index
    %get3A_35 = vector.load %arg6[%get3A_33, %get3A_34] : memref<16x128xf32, #tpu.memory_space<vmem>>, vector<16x128xf32>
    %dot_general3A = arith.constant dense<0.000000e+00> : vector<16x128xf32>
    %dot_general3A_36 = tpu.matmul %convert_element_type3A_28, %add3A_21, %dot_general3A {dimension_numbers = #tpu.dot_dimension_numbers<[1], [0], [0], [1], [0, 0, 1, 1], [], []>, transpose_lhs_hint = false} : vector<16x1000xf32>, vector<1000x128xf32>, vector<16x128xf32> -> vector<16x128xf32>
    %add3A_37 = arith.addf %get3A_35, %dot_general3A_36 : vector<16x128xf32>
    %swap3A = arith.constant 0 : index
    %swap3A_38 = arith.constant 0 : index
    %swap3A_39 = vector.load %arg6[%swap3A, %swap3A_38] : memref<16x128xf32, #tpu.memory_space<vmem>>, vector<16x128xf32>
    tpu.vector_store %arg6[%swap3A, %swap3A_38], %add3A_37 {strides = array<i32>} : memref<16x128xf32, #tpu.memory_space<vmem>>, vector<16x128xf32>,
    %get3A_40 = arith.constant 0 : index
    %get3A_41 = arith.constant 0 : index
    %get3A_42 = vector.load %arg7[%get3A_40, %get3A_41] : memref<16x1xf32, #tpu.memory_space<vmem>>, vector<16x1xf32>
    %reduce_sum3A = arith.constant dense<0.000000e+00> : vector<16xf32>
    %reduce_sum3A_43 = vector.multi_reduction <add>, %convert_element_type3A_28, %reduce_sum3A [1] : vector<16x1000xf32> to vector<16xf32>
    %broadcast_in_dim3A = vector.shape_cast %reduce_sum3A_43 : vector<16xf32> to vector<16x1xf32>
    %add3A_44 = arith.addf %get3A_42, %broadcast_in_dim3A : vector<16x1xf32>
    %swap3A_45 = arith.constant 0 : index
    %swap3A_46 = arith.constant 0 : index
    %swap3A_47 = vector.load %arg7[%swap3A_45, %swap3A_46] : memref<16x1xf32, #tpu.memory_space<vmem>>, vector<16x1xf32>
    tpu.vector_store %arg7[%swap3A_45, %swap3A_46], %add3A_44 {strides = array<i32>} : memref<16x1xf32, #tpu.memory_space<vmem>>, vector<16x1xf32>,
    %eq3A_48 = arith.constant 9 : i32
    %eq3A_49 = arith.cmpi eq, %arg0, %eq3A_48 : i32
    %convert_element_type3A_50 = arith.extui %eq3A_49 : i1 to i32
    %cond3A_51 = arith.constant 0 : i32
    %cond3A_52 = arith.cmpi ne, %convert_element_type3A_50, %cond3A_51 : i32
    scf.if %cond3A_52 {
      %get3A_53 = arith.constant 0 : index
      %get3A_54 = arith.constant 0 : index
      %get3A_55 = vector.load %arg6[%get3A_53, %get3A_54] : memref<16x128xf32, #tpu.memory_space<vmem>>, vector<16x128xf32>
      %get3A_56 = arith.constant 0 : index
      %get3A_57 = arith.constant 0 : index
      %get3A_58 = vector.load %arg7[%get3A_56, %get3A_57] : memref<16x1xf32, #tpu.memory_space<vmem>>, vector<16x1xf32>
      %max3A = arith.constant 1.000000e+00 : f32
      %max3A_59 = vector.broadcast %max3A : f32 to vector<16x1xf32>
      %max3A_60 = arith.maximumf %get3A_58, %max3A_59 : vector<16x1xf32>
      %div3A = vector.broadcast %max3A_60 : vector<16x1xf32> to vector<16x128xf32>
      %div3A_61 = arith.divf %get3A_55, %div3A : vector<16x128xf32>
      %swap3A_62 = arith.constant 0 : index
      %swap3A_63 = arith.constant 0 : index
      %swap3A_64 = vector.load %arg6[%swap3A_62, %swap3A_63] : memref<16x128xf32, #tpu.memory_space<vmem>>, vector<16x128xf32>
      tpu.vector_store %arg6[%swap3A_62, %swap3A_63], %div3A_61 {strides = array<i32>} : memref<16x128xf32, #tpu.memory_space<vmem>>, vector<16x128xf32>,
    } else {
    }
    return
  }
  func.func @transform_0(%arg0: i32) -> (i32, i32, i32) {
    %c0_i32 = arith.constant 0 : i32
    %c0_i32_0 = arith.constant 0 : i32
    %c0_i32_1 = arith.constant 0 : i32
    return %c0_i32, %arg0, %c0_i32_0 : i32, i32, i32
  }
  func.func @transform_1(%arg0: i32) -> (i32, i32) {
    %c0_i32 = arith.constant 0 : i32
    %c0_i32_0 = arith.constant 0 : i32
    return %arg0, %c0_i32 : i32, i32
  }
  func.func @transform_2(%arg0: i32) -> (i32, i32) {
    %c0_i32 = arith.constant 0 : i32
    %c0_i32_0 = arith.constant 0 : i32
    return %arg0, %c0_i32 : i32, i32
  }
  func.func @transform_3(%arg0: i32) -> (i32, i32) {
    %c0_i32 = arith.constant 0 : i32
    %c0_i32_0 = arith.constant 0 : i32
    %c0_i32_1 = arith.constant 0 : i32
    return %c0_i32, %c0_i32_0 : i32, i32
  }
  func.func @transform_4(%arg0: i32) -> (i32, i32, i32) {
    %c0_i32 = arith.constant 0 : i32
    %c0_i32_0 = arith.constant 0 : i32
    %c0_i32_1 = arith.constant 0 : i32
    return %arg0, %c0_i32, %c0_i32_0 : i32, i32, i32
  }
  func.func @transform_5(%arg0: i32) -> (i32, i32) {
    %c0_i32 = arith.constant 0 : i32
    %c0_i32_0 = arith.constant 0 : i32
    %c0_i32_1 = arith.constant 0 : i32
    return %c0_i32, %c0_i32_0 : i32, i32
  }
}

</mosaic_0001>

<sc_bundles>
// kernel: kernel.11.cloned.1.call-start
scs
__scs_entry_jumppad:
0x0: {  	(pc) =	sbr.rel $0x88, $3  }
0x1: {  	(tag) =	ssettag $0x0;
	lr =	simm.s32 $0x1  }
0x2: {  	[smem:$0x3F9A] =	sst lr;
	_ =	strace $0xD0000000  }
0x3: {  	_ = 	snop  }
0x4: {  	_ = 	snop  }
0x5: {  	_ = 	snop  }
0x6: {  	_ = 	snop  }
0x7: {  	_ = 	snop  }
__scs_overlays_trampoline_lowered:
0x8: {  	[smem:$0x3FA9] =	sst s0  }
0x9: {  	[smem:$0x3FAA] =	sst s1  }
0xa: {  	[smem:$0x3FAB] =	sst s2  }
0xb: {  	[smem:$0x3FAC] =	sst s3  }
0xc: {  	[smem:$0x3FAD] =	sst s4  }
0xd: {  	[smem:$0x3FAE] =	sst s5  }
0xe: {  	[smem:$0x3FAF] =	sst s6  }
0xf: {  	[smem:$0x3FB0] =	sst s7  }
0x10: {  	[smem:$0x3FB1] =	sst s8  }
0x11: {  	[smem:$0x3FB2] =	sst s9;
	s0 =	simm.s32 @!p0 $0x0  }
0x12: {  	s1 =	sld [smem:$0x3F98];
	s0 =	simm.s32 @p0 $0x1  }
0x13: {  	[smem:$0x3FB3] =	sst s0;
	s0 =	simm.s32 @!p1 $0x0  }
0x14: {  	s2 =	sld [smem:$0x3F97];
	s0 =	simm.s32 @p1 $0x1  }
0x15: {  	[smem:$0x3FB4] =	sst s0;
	s0 =	simm.s32 @!p2 $0x0  }
0x16: {  	s3 =	sld [smem:$0x3FDB];
	s0 =	simm.s32 @p2 $0x1  }
0x17: {  	s4 =	simm.s32 $0x1BF5;
	[smem:$0x3FB6] =	sst s0  }
0x18: {  	s0 =	sld [smem:$0x3F99];
	_ =	swait.ge [sflag:s4], $0x0  }
0x19: {  	s7 =	sld [smem:$0x3F9A]  }
0x1a: {  	s8 =	sadd.s32 $0xFFFFE003, lr  }
0x1b: {  	s9 =	sadd.s32 $0xFFFFFEF7, lr;
	s5 =	simm.s32 $0xFFFFFFFF;
	p2 =	slt.u32 s8, $0xFFFFF086  }
0x1c: {  	p1 =	slt.u32 s9, $0xF7A;
	s5 =	simm.s32 @!p2 $0x0  }
0x1d: {  	s5 =	simm.s32 @p1 $0x1;
	p0 =	seq.s32 s7, s2  }
0x1e: {  	s7 =	smul.u32 @!p0 $0xF7A, s2;
	p2 =	seq.s32 @!p0 s5, $0x0  }
0x1f: {  	s9 =	smul.u32 $0xF7A, s1;
	s8 =	simm.s32 @!p0 $0x1BF5;
	p2 =	por !p2, p0  }
0x20: {  	[sflag:s8] =	ssyncset.s32 @!p0 $0xFFFFF086;
	s6 =	sadd.s32 @!p0 s3, s7;
	s7 =	simm.s32 @!p0 $0x108  }
0x21: {  	s3 =	sadd.s32 s3, s9;
	s6 =	sadd.s32 @!p0 $0x88, s6;
	s7 =	simm.s32 @p2 $0x1082  }
0x22: {  	[simem:s7], [sflag:s8] =	dma.local @!p0 [hbm:s6], $0xF7A  }
0x23: {  	s9 =	sor.u32 $0xD0000000, s2;
	s6 =	simm.s32 $0x108;
	_ =	swait.ge @!p0 [sflag:s8], $0x0  }
0x24: {  	s3 =	sadd.s32 $0x88, s3;
	s6 =	simm.s32 @!p1 $0x1082;
	[sflag:s4] =	ssyncset.s32 $0xFFFFF086  }
0x25: {  	[simem:s6], [sflag:s4] =	dma.local [hbm:s3], $0xF7A  }
0x26: {  	[smem:$0x3F9A] =	sst s1;
	(tag) =	ssettag s2;
	_ =	strace s9  }
0x27: {  	s1 =	sld [smem:$0x3FAA]  }
0x28: {  	s2 =	sld [smem:$0x3FAB]  }
0x29: {  	s4 =	sld [smem:$0x3FAD]  }
0x2a: {  	p0 =	seq.s32 s5, $0x0;
	s5 =	sld [smem:$0x3FAE]  }
0x2b: {  	s6 =	sld [smem:$0x3FAF]  }
0x2c: {  	s7 =	sld [smem:$0x3FB0]  }
0x2d: {  	s3 =	simm.s32 $0x108;
	s8 =	sld [smem:$0x3FB1]  }
0x2e: {  	s3 =	simm.s32 @!p0 $0x1082;
	s9 =	sld [smem:$0x3FB2]  }
0x2f: {  	lr =	sadd.s32 s0, s3;
	s0 =	sld [smem:$0x3FA9]  }
0x30: {  	s3 =	sld [smem:$0x3FAC]  }
0x31: {  	[smem:$0x3FB5] =	sst s10  }
0x32: {  	s10 =	sld [smem:$0x3FB3];
	_ =	sdelay $0x3  }
0x33: {  	p0 =	seq.s32 s10, $0x1;
	s10 =	sld [smem:$0x3FB5];
	_ =	sdelay $0x3  }
0x34: {  	[smem:$0x3FB5] =	sst s10  }
0x35: {  	s10 =	sld [smem:$0x3FB4];
	_ =	sdelay $0x3  }
0x36: {  	p1 =	seq.s32 s10, $0x1;
	s10 =	sld [smem:$0x3FB5];
	_ =	sdelay $0x3  }
0x37: {  	[smem:$0x3FB5] =	sst s10  }
0x38: {  	s10 =	sld [smem:$0x3FB6]  }
0x39: {  	_ = 	snop;
	(pc) =	sbr.ind lr, $3  }
0x3a: {  	_ = 	snop  }
0x3b: {  	_ = 	snop  }
0x3c: {  	p2 =	seq.s32 s10, $0x1;
	s10 =	sld [smem:$0x3FB5]  }
0x3d: {  	_ =	shalt  }
0x3e: {  	_ =	shalt  }
0x3f: {  	_ =	shalt  }
0x40: {  	_ =	shalt  }
0x41: {  	_ =	shalt  }
0x42: {  	_ =	shalt  }
0x43: {  	_ =	shalt  }
0x44: {  	_ =	shalt  }
0x45: {  	_ =	shalt  }
0x46: {  	_ =	shalt  }
0x47: {  	_ =	shalt  }
0x48: {  	_ =	shalt  }
0x49: {  	_ =	shalt  }
0x4a: {  	_ =	shalt  }
0x4b: {  	_ =	shalt  }
0x4c: {  	_ =	shalt  }
0x4d: {  	_ =	shalt  }
0x4e: {  	_ =	shalt  }
0x4f: {  	_ =	shalt  }
0x50: {  	_ =	shalt  }
0x51: {  	_ =	shalt  }
0x52: {  	_ =	shalt  }
0x53: {  	_ =	shalt  }
0x54: {  	_ =	shalt  }
0x55: {  	_ =	shalt  }
0x56: {  	_ =	shalt  }
0x57: {  	_ =	shalt  }
0x58: {  	_ =	shalt  }
0x59: {  	_ =	shalt  }
0x5a: {  	_ =	shalt  }
0x5b: {  	_ =	shalt  }
0x5c: {  	_ =	shalt  }
0x5d: {  	_ =	shalt  }
0x5e: {  	_ =	shalt  }
0x5f: {  	_ =	shalt  }
0x60: {  	_ =	shalt  }
0x61: {  	_ =	shalt  }
0x62: {  	_ =	shalt  }
0x63: {  	_ =	shalt  }
0x64: {  	_ =	shalt  }
0x65: {  	_ =	shalt  }
0x66: {  	_ =	shalt  }
0x67: {  	_ =	shalt  }
0x68: {  	_ =	shalt  }
0x69: {  	_ =	shalt  }
0x6a: {  	_ =	shalt  }
0x6b: {  	_ =	shalt  }
0x6c: {  	_ =	shalt  }
0x6d: {  	_ =	shalt  }
0x6e: {  	_ =	shalt  }
0x6f: {  	_ =	shalt  }
0x70: {  	_ =	shalt  }
0x71: {  	_ =	shalt  }
0x72: {  	_ =	shalt  }
0x73: {  	_ =	shalt  }
0x74: {  	_ =	shalt  }
0x75: {  	_ =	shalt  }
0x76: {  	_ =	shalt  }
0x77: {  	_ =	shalt  }
0x78: {  	_ =	shalt  }
0x79: {  	_ =	shalt  }
0x7a: {  	_ =	shalt  }
0x7b: {  	_ =	shalt  }
0x7c: {  	_ =	shalt  }
0x7d: {  	_ =	shalt  }
0x7e: {  	_ =	shalt  }
0x7f: {  	_ =	shalt  }
0x80: {  	_ =	shalt  }
0x81: {  	_ =	shalt  }
0x82: {  	_ =	shalt  }
0x83: {  	_ =	shalt  }
0x84: {  	_ =	shalt  }
0x85: {  	_ =	shalt  }
0x86: {  	_ =	shalt  }
0x87: {  	_ =	shalt  }
.Lfunc_end0:
.L_simem_size_0:
called_computation.1_lowered:
.L_overlay_start_0:
0x88: {  	s2 =	sld [smem:$0x3FD9]  }
0x89: {  	s3 =	sld [smem:$0x3FFE];
	_ =	sdelay $0x1  }
0x8a: {  	s1 =	srdreg.scid  }
0x8b: {  	s0 =	sand.u32 $0x1, s1  }
0x8c: {  	s16 =	sshll.u32 s0, $0xA;
	s2 =	sadd.s32 s3, s2  }
0x8d: {  	s2 =	sadd.s32 s2, s16  }
0x8e: {  	[smem:$0x3FC1] =	sst s2  }
0x8f: {  	_ = 	snop  }
0x90: {  	(tm) =	ssettm $0x1  }
0x91: {  	s17 =	sld [smem:$0x3FFB];
	_ =	sdelay $0x3  }
0x92: {  	_ =	strace s17  }
0x93: {  	s2 =	sld [smem:$0x3FFC];
	_ =	sdelay $0x3  }
0x94: {  	_ =	strace s2  }
0x95: {  	s2 =	sld [smem:$0x3FFD];
	_ =	sdelay $0x3  }
0x96: {  	_ =	strace s2  }
0x97: {  	_ =	strace $0x8FFFFFFF  }
0x98: {  	s18 =	sld [smem:$0x3FDB];
	_ =	sdelay $0x1  }
0x99: {  	s19 =	simm.s32 $_scs_section_size  }
0x9a: {  	s4 =	simm.s32 $_size__tile_overlayer_lowered;
	s5 =	simm.s32 $_tile_overlayer_lowered  }
0x9b: {  	s22 =	simm.s32 $0x1BFF;
	s21 =	sshll.u32 s5, $0x1;
	s2 =	sadd.s32 s19, s18  }
0x9c: {  	s6 =	simm.s32 $0x0;
	s20 =	sshll.u32 s4, $0x1;
	s4 =	sadd.s32 s21, s2  }
0x9d: {  	[timem:s6], [sflag:s22] =	dma.local [hbm:s4], s20  }
0x9e: {  	_ =	swait.ge [sflag:s22], s20  }
0x9f: {  	s3 =	ssub.s32 $0x0, s20;
	[sflag:s22] =	ssyncset.done $0x0  }
0xa0: {  	[sflag:s22] =	ssyncadd.s32 s3;
	_ =	sdelay $0x1  }
0xa1: {  	s23 =	simm.s32 $0x1B8B  }
0xa2: {  	_ =	swait.ge [sflag:s23], $0x1  }
0xa3: {  	[sflag:s23] =	ssyncset.done $0x0  }
0xa4: {  	s25 =	simm.s32 $0x1B8E;
	s24 =	sld [smem:$0x3FFE];
	[sflag:s23] =	ssyncadd.s32 $0xFFFFFFFF  }
0xa5: {  	s26 =	simm.s32 $execute0_lowered;
	[smem:$0x3FD2] =	sst s25  }
0xa6: {  	s4 =	sshll.u32 s26, $0x1;
	_ =	strace $0x80000049;
	[dreg:$0x1] =	wrdreg $0xFFFFFFFF  }
0xa7: {  	s28 =	simm.s32 $_size_execute0_lowered;
	s2 =	sadd.s32 s2, s4;
	[dreg:$0x0] =	wrdreg $0x0  }
0xa8: {  	s4 =	sshll.u32 s28, $0x1;
	[dreg:$0x2] =	wrdreg s2  }
0xa9: {  	[dreg:$0x3] =	wrdreg s4  }
0xaa: {  	[dreg:$0x4] =	wrdreg $0xC0  }
0xab: {  	_ =	task [dreg:s6], $0x5FFFF  }
0xac: {  	[dreg:$0x1] =	wrdreg $0xFFFFFFFF  }
0xad: {  	[dreg:$0x0] =	wrdreg $0x60  }
0xae: {  	[dreg:$0x2] =	wrdreg s24  }
0xaf: {  	[dreg:$0x3] =	wrdreg $0x98000  }
0xb0: {  	[dreg:$0x4] =	wrdreg $0x9  }
0xb1: {  	_ =	task.clear_ibuf [dreg:s6], $0x5FFFF;
	_ =	strace $0x90000049  }
0xb2: {  	s29 =	simm.s32 $0x9;
	_ =	strace $0x8000004B  }
0xb3: {  	_ =	swait.ge [sflag:s29], $0x1  }
0xb4: {  	[sflag:s29] =	ssyncadd.s32 $0xFFFFFFFF  }
0xb5: {  	_ =	strace $0x9000004B  }
0xb6: {  	_ =	sfence  }
0xb7: {  	s30 =	sld [smem:$0x0];
	_ =	sdelay $0x2  }
0xb8: {  	s31 =	sshll.u32 s1, $0xD;
	s1 =	sshrl.u32 s1, $0x2  }
0xb9: {  	s3 =	sand.u32 $0x4000, s31;
	s1 =	sadd.s32 s1, s30  }
0xba: {  	s0 =	sor.u32 s3, s0;
	s1 =	sshll.u32 s1, $0x11  }
0xbb: {  	s0 =	sor.u32 s1, s0  }
0xbc: {  	s0 =	sadd.s32 $0x8F2B, s0  }
0xbd: {  	[sflag:s0] =	ssyncadd.remote.s32 $0x1  }
0xbe: {  	_ =	sfence.sel $0xFFFF  }
0xbf: {  	[dreg:$0x0] =	wrdreg $0xFFFFFFFF;
	(pc) =	sbr.abs _section_cstart, $3  }
0xc0: {  	[dreg:$0x1] =	wrdreg $0xFFFFFFFF  }
0xc1: {  	_ =	task.clear_ibuf [dreg:s6], $0x2FFFF;
	_ =	strace $0x9FFFFFFF  }
0xc2: {  	(tm) =	ssettm $0x7FFFFFFF  }
0xc3: {  	_ =	shalt  }
tec
execute0_lowered:
.L_overlay_start_1:
0x0: {  	(tag) =	ssettag $0x1  }
0x1: {  	s0 =	rddreg [dreg:$0x0]  }
0x2: {  	s1 =	rddreg [dreg:$0x1];
	s2 =	simm.s32 $0x0;
	s3 =	srdreg.scid  }
0x3: {  	s12 =	stileid.u32;
	s28 =	simm.s32 $0x1;
	s29 =	simm.s32 $0x80  }
0x4: {  	s30 =	simm.s32 $0x1800;
	s31 =	simm.s32 $0x5800;
	s6 =	smul.u32 $0x14000, s12  }
0x5: {  	[smem:$0x7FF] =	sst s2;
	s3 =	sand.u32 $0x1, s3;
	s10 =	smul.u32 $0x50000, s12  }
0x6: {  	s4 =	sadd.s32 $0x16A00, s0;
	s15 =	sadd.s32 $0x2A00, s0;
	s13 =	smul.u32 $0x2800, s12  }
0x7: {  	s16 =	sadd.s32 $0xCA00, s0;
	_ =	strace $0x8000004A;
	s5 =	smul.u32 $0x140000, s3  }
0x8: {  	s7 =	sshll.u32 s3, $0x4;
	s8 =	ssub.s32 $0x2, s3;
	s3 =	smul.u32 $0x28000, s3  }
0x9: {  	s7 =	sor.u32 s12, s7;
	s9 =	sshrl.u32 s8, $0x1;
	s11 =	sshrl.u32 s10, $0x2  }
0xa: {  	s6 =	sadd.s32 s6, s5;
	s7 =	smul.u32 $0x2800, s7;
	s5 =	sadd.s32 $0x3EA00, s0  }
0xb: {  	s17 =	ssub.s32 s8, s9;
	s11 =	sadd.s32 s11, s1;
	s3 =	sadd.s32 s13, s3  }
0xc: {  	s6 =	sshrl.u32 s6, $0x3;
	s25 =	sadd.s32 $0x4000, s11;
	s18 =	sadd.s32 $0x8000, s11  }
0xd: {  	s3 =	sadd.s32 $0xC00, s3;
	s14 =	smax.u32 s17, $0x1;
	s17 =	simm.s32 $0x3  }
0xe: {  	s0 =	sadd.s32 s6, s0;
	s7 =	sshrl.u32 s7, $0x3;
	s26 =	sshrl.u32 s3, $0x3  }
0xf: {  	s19 =	sadd.s32 s15, s7;
	s20 =	sor.u32 $0x80, s7;
	s21 =	sadd.s32 s16, s7  }
0x10: {  	s7 =	sadd.s32 $0x100, s7;
	s13 =	sadd.s32 $0x3F200, s0;
	[dreg:$0x3] =	wrdreg s19  }
0x11: {  	s3 =	sadd.s32 s26, s16;
	[dreg:$0x4] =	wrdreg s21;
	s22 =	sadd.s32 s15, s20  }
0x12: {  	s26 =	sadd.s32 s26, s15;
	s23 =	sadd.s32 s16, s20;
	[dreg:$0x5] =	wrdreg s22  }
0x13: {  	s0 =	simm.s32 $0x0;
	s24 =	sadd.s32 s15, s7;
	[dreg:$0x6] =	wrdreg s23  }
0x14: {  	s7 =	sadd.s32 s16, s7;
	s19 =	sadd.s32 $0xC000, s11;
	[dreg:$0x7] =	wrdreg s24  }
0x15: {  	s20 =	sadd.s32 $0x10000, s11;
	[dreg:$0x8] =	wrdreg s7;
	s22 =	sshrl.u32 s25, $0x3  }
0x16: {  	s23 =	sshrl.u32 s18, $0x3;
	s24 =	sshrl.u32 s19, $0x3;
	s25 =	sshrl.u32 s20, $0x3  }
.LBB2_1:
0x17: {  	s6 =	rddreg [dreg:$0x3]  }
0x18: {  	[tilespmem:s2], [sflag:$0x3] =	stream.linear.gather [hbm4b:s6+s2], $0x400, $0x38;
	[tilespmem:$0x1D800] =	vst v63  }
0x19: {  	_ =	swait.ge [sflag:s17], $0x400  }
0x1a: {  	[sflag:s17] =	ssyncset.done $0x0  }
0x1b: {  	s7 =	simm.s32 $0xC00;
	s8 =	rddreg [dreg:$0x4];
	[sflag:s17] =	ssyncadd.s32 $0xFFFFFC00  }
0x1c: {  	[tilespmem:s7], [sflag:$0x3] =	stream.linear.gather [hbm4b:s8+s2], $0x400, $0x38;
	[tilespmem:$0x1D800] =	vst v63  }
0x1d: {  	_ =	swait.ge [sflag:s17], $0x400  }
0x1e: {  	[sflag:s17] =	ssyncset.done $0x0  }
0x1f: {  	s10 =	simm.s32 $0x400;
	s9 =	rddreg [dreg:$0x5];
	[sflag:s17] =	ssyncadd.s32 $0xFFFFFC00  }
0x20: {  	[tilespmem:s10], [sflag:$0x2] =	stream.linear.gather [hbm4b:s9+s2], $0x400, $0x38;
	[tilespmem:$0x1D800] =	vst v63  }
0x21: {  	s15 =	simm.s32 $0x1000;
	s12 =	rddreg [dreg:$0x6]  }
0x22: {  	[tilespmem:s15], [sflag:$0x2] =	stream.linear.gather [hbm4b:s12+s2], $0x400, $0x38;
	[tilespmem:$0x1D800] =	vst v63  }
0x23: {  	s18 =	simm.s32 $0x800;
	s21 =	stileid.u32;
	s16 =	rddreg [dreg:$0x7]  }
0x24: {  	[tilespmem:s18], [sflag:$0x2] =	stream.linear.gather [hbm4b:s16+s2], $0x400, $0x38;
	[tilespmem:$0x1D800] =	vst v63  }
0x25: {  	s20 =	simm.s32 $0x1400;
	s19 =	rddreg [dreg:$0x8];
	s18 =	sshll.u32 s21, $0x6  }
0x26: {  	[tilespmem:s20], [sflag:$0x2] =	stream.linear.gather [hbm4b:s19+s2], $0x400, $0x38;
	[tilespmem:$0x1D800] =	vst v63  }
0x27: {  	s6 =	sor.u32 $0x1C01, s18;
	s19 =	sshrl.u32 s11, $0x3  }
0x28: {  	[spmem:s19], [sflag:s6] =	dma.local [hbm:s5], $0x800  }
0x29: {  	[spmem:s22], [sflag:s6] =	dma.local [hbm:s5], $0x800  }
0x2a: {  	[spmem:s23], [sflag:s6] =	dma.local [hbm:s5], $0x800  }
0x2b: {  	[spmem:s24], [sflag:s6] =	dma.local [hbm:s5], $0x800  }
0x2c: {  	[spmem:s25], [sflag:s6] =	dma.local [hbm:s5], $0x800  }
0x2d: {  	_ =	swait.ge [sflag:s28], $0x800  }
0x2e: {  	[sflag:s28] =	ssyncset.done $0x0  }
0x2f: {  	[sflag:s28] =	ssyncadd.s32 $0xFFFFF800  }
0x30: {  	_ =	swait.ge [sflag:s28], $0x800  }
0x31: {  	[sflag:s28] =	ssyncset.done $0x0  }
0x32: {  	[sflag:s28] =	ssyncadd.s32 $0xFFFFF800  }
0x33: {  	_ =	swait.ge [sflag:s28], $0x800  }
0x34: {  	[sflag:s28] =	ssyncset.done $0x0  }
0x35: {  	[sflag:s28] =	ssyncadd.s32 $0xFFFFF800  }
0x36: {  	_ =	swait.ge [sflag:s28], $0x800  }
0x37: {  	[sflag:s28] =	ssyncset.done $0x0  }
0x38: {  	[sflag:s28] =	ssyncadd.s32 $0xFFFFF800  }
0x39: {  	s7 =	smul.u32 $0xAB, s2;
	_ =	swait.ge [sflag:s28], $0x800  }
0x3a: {  	[sflag:s28] =	ssyncset.done $0x0  }
0x3b: {  	p0 =	por $0x0, $0x0;
	s6 =	sshrl.u32 s7, $0x9;
	[sflag:s28] =	ssyncadd.s32 $0xFFFFF800  }
0x3c: {  	[tilespmem:s30], [sflag:$0x1] =	stream.indirect.gather [hbm4b:s4+s29], $0x80, s2, s29, $0xb8;
	[tilespmem:$0x1D800] =	vst v63  }
0x3d: {  	s7 =	simm.s32 @!p0 $0x2;
	s6 =	sand.u32 $0x7F, s6;
	[bflag:$0x0] =	sbarrier.arrive $0xFFFF  }
0x3e: {  	s6 =	smul.u32 $0x3, s6;
	_ =	swait.ge @!p0 [sflag:s7], $0x400  }
0x3f: {  	[sflag:s7] =	ssyncset.done @!p0 $0x0  }
0x40: {  	s6 =	ssub.s32 $0x0, s6;
	[sflag:s7] =	ssyncadd.s32 @!p0 $0xFFFFFC00  }
0x41: {  	s6 =	sand.u32 $0xFF, s6;
	_ =	swait.ge @!p0 [sflag:s7], $0x400  }
0x42: {  	s20 =	sshll.u32 s6, $0xA;
	[sflag:s7] =	ssyncset.done @!p0 $0x0  }
0x43: {  	s6 =	sor.u32 $0x80, s20;
	[sflag:s7] =	ssyncadd.s32 @!p0 $0xFFFFFC00  }
0x44: {  	[tilespmem:s31], [sflag:$0x1] =	stream.indirect.gather [hbm4b:s4+s29], $0x80, s6, s29, $0xb8;
	[tilespmem:$0x1D800] =	vst v63  }
0x45: {  	_ =	swait.ge [sflag:s28], $0x4000  }
0x46: {  	[sflag:s28] =	ssyncset.done $0x0  }
0x47: {  	s21 =	sadd.s32 $0xC00, s20;
	[sflag:s28] =	ssyncadd.s32 $0xFFFFC000  }
0x48: {  	[spmem:s1] =	stream.indirect.scatter.add.f32 [tilespmem:s30], [sflag:$0x3], $0x80, s21, s29, $0xb8;
	[tilespmem:$0x1D800] =	vst v63  }
0x49: {  	_ =	swait.ge [sflag:s17], $0x4000  }
0x4a: {  	[sflag:s17] =	ssyncset.done $0x0  }
0x4b: {  	s8 =	sor.u32 $0x100, s20;
	[sflag:s17] =	ssyncadd.s32 $0xFFFFC000  }
0x4c: {  	[tilespmem:s30], [sflag:$0x1] =	stream.indirect.gather [hbm4b:s4+s29], $0x80, s8, s29, $0xb8;
	[tilespmem:$0x1D800] =	vst v63  }
0x4d: {  	_ =	swait.ge [sflag:s28], $0x4000  }
0x4e: {  	[sflag:s28] =	ssyncset.done $0x0  }
0x4f: {  	s9 =	sadd.s32 $0xC80, s20;
	[sflag:s28] =	ssyncadd.s32 $0xFFFFC000  }
0x50: {  	[spmem:s1] =	stream.indirect.scatter.add.f32 [tilespmem:s31], [sflag:$0x3], $0x80, s9, s29, $0xb8;
	[tilespmem:$0x1D800] =	vst v63  }
0x51: {  	_ =	swait.ge [sflag:s17], $0x4000  }
0x52: {  	[sflag:s17] =	ssyncset.done $0x0  }
0x53: {  	s10 =	sor.u32 $0x180, s20;
	[sflag:s17] =	ssyncadd.s32 $0xFFFFC000  }
0x54: {  	[tilespmem:s31], [sflag:$0x1] =	stream.indirect.gather [hbm4b:s4+s29], $0x80, s10, s29, $0xb8;
	[tilespmem:$0x1D800] =	vst v63  }
0x55: {  	_ =	swait.ge [sflag:s28], $0x4000  }
0x56: {  	[sflag:s28] =	ssyncset.done $0x0  }
0x57: {  	s12 =	sadd.s32 $0xD00, s20;
	[sflag:s28] =	ssyncadd.s32 $0xFFFFC000  }
0x58: {  	[spmem:s1] =	stream.indirect.scatter.add.f32 [tilespmem:s30], [sflag:$0x3], $0x80, s12, s29, $0xb8;
	[tilespmem:$0x1D800] =	vst v63  }
0x59: {  	_ =	swait.ge [sflag:s17], $0x4000  }
0x5a: {  	[sflag:s17] =	ssyncset.done $0x0  }
0x5b: {  	s15 =	sor.u32 $0x200, s20;
	[sflag:s17] =	ssyncadd.s32 $0xFFFFC000  }
0x5c: {  	[tilespmem:s30], [sflag:$0x1] =	stream.indirect.gather [hbm4b:s4+s29], $0x80, s15, s29, $0xb8;
	[tilespmem:$0x1D800] =	vst v63  }
0x5d: {  	_ =	swait.ge [sflag:s28], $0x4000  }
0x5e: {  	[sflag:s28] =	ssyncset.done $0x0  }
0x5f: {  	s16 =	sadd.s32 $0xD80, s20;
	[sflag:s28] =	ssyncadd.s32 $0xFFFFC000  }
0x60: {  	[spmem:s1] =	stream.indirect.scatter.add.f32 [tilespmem:s31], [sflag:$0x3], $0x80, s16, s29, $0xb8;
	[tilespmem:$0x1D800] =	vst v63  }
0x61: {  	_ =	swait.ge [sflag:s17], $0x4000  }
0x62: {  	[sflag:s17] =	ssyncset.done $0x0  }
0x63: {  	s7 =	sor.u32 $0x280, s20;
	[sflag:s17] =	ssyncadd.s32 $0xFFFFC000  }
0x64: {  	[tilespmem:s31], [sflag:$0x1] =	stream.indirect.gather [hbm4b:s4+s29], $0x80, s7, s29, $0xb8;
	[tilespmem:$0x1D800] =	vst v63  }
0x65: {  	_ =	swait.ge [sflag:s28], $0x4000  }
0x66: {  	[sflag:s28] =	ssyncset.done $0x0  }
0x67: {  	s8 =	sadd.s32 $0xE00, s20;
	[sflag:s28] =	ssyncadd.s32 $0xFFFFC000  }
0x68: {  	[spmem:s1] =	stream.indirect.scatter.add.f32 [tilespmem:s30], [sflag:$0x3], $0x80, s8, s29, $0xb8;
	[tilespmem:$0x1D800] =	vst v63  }
0x69: {  	_ =	swait.ge [sflag:s17], $0x4000  }
0x6a: {  	[sflag:s17] =	ssyncset.done $0x0  }
0x6b: {  	s9 =	sor.u32 $0x300, s20;
	[sflag:s17] =	ssyncadd.s32 $0xFFFFC000  }
0x6c: {  	[tilespmem:s30], [sflag:$0x1] =	stream.indirect.gather [hbm4b:s4+s29], $0x80, s9, s29, $0xb8;
	[tilespmem:$0x1D800] =	vst v63  }
0x6d: {  	_ =	swait.ge [sflag:s28], $0x4000  }
0x6e: {  	s6 =	simm.s32 @!p0 $0x1;
	[sflag:s28] =	ssyncset.done $0x0  }
0x6f: {  	s6 =	sand.u32 @!p0 $0xFF, s6;
	s10 =	sadd.s32 $0xE80, s20;
	[sflag:s28] =	ssyncadd.s32 $0xFFFFC000  }
0x70: {  	[spmem:s1] =	stream.indirect.scatter.add.f32 [tilespmem:s31], [sflag:$0x3], $0x80, s10, s29, $0xb8;
	[tilespmem:$0x1D800] =	vst v63  }
0x71: {  	s6 =	smul.u32 @!p0 $0xAB, s6;
	_ =	swait.ge [sflag:s17], $0x4000  }
0x72: {  	[sflag:s17] =	ssyncset.done $0x0  }
0x73: {  	s6 =	sshrl.u32 @!p0 s6, $0x9;
	s12 =	sor.u32 $0x380, s20;
	[sflag:s17] =	ssyncadd.s32 $0xFFFFC000  }
0x74: {  	[tilespmem:s31], [sflag:$0x1] =	stream.indirect.gather [hbm4b:s4+s29], $0x80, s12, s29, $0xb8;
	[tilespmem:$0x1D800] =	vst v63  }
0x75: {  	s6 =	smul.u32 @!p0 $0x3, s6;
	_ =	swait.ge [sflag:s28], $0x4000  }
0x76: {  	[sflag:s28] =	ssyncset.done $0x0  }
0x77: {  	s6 =	ssub.s32 @!p0 $0x1, s6;
	s15 =	sadd.s32 $0xF00, s20;
	[sflag:s28] =	ssyncadd.s32 $0xFFFFC000  }
0x78: {  	[spmem:s1] =	stream.indirect.scatter.add.f32 [tilespmem:s30], [sflag:$0x3], $0x80, s15, s29, $0xb8;
	[tilespmem:$0x1D800] =	vst v63  }
0x79: {  	s6 =	sand.u32 @!p0 $0xFF, s6;
	_ =	swait.ge [sflag:s17], $0x4000  }
0x7a: {  	s6 =	sshll.u32 @!p0 s6, $0xA;
	[sflag:s17] =	ssyncset.done $0x0  }
0x7b: {  	s16 =	simm.s32 @!p0 $0x1800;
	s15 =	simm.s32 @!p0 $0x80;
	[sflag:s17] =	ssyncadd.s32 $0xFFFFC000  }
0x7c: {  	[tilespmem:s16], [sflag:$0x1] =	stream.indirect.gather @!p0 [hbm4b:s4+s15], $0x80, s6, s15, $0xb8;
	[tilespmem:$0x1D800] =	vst v63  }
0x7d: {  	_ =	swait.ge [sflag:s28], $0x4000  }
0x7e: {  	p6 =	por $0x0, $0x0;
	[sflag:s28] =	ssyncset.done $0x0  }
0x7f: {  	s16 =	sadd.s32 $0xC00, s12;
	s6 =	simm.s32 $0x1;
	[sflag:s28] =	ssyncadd.s32 $0xFFFFC000  }
0x80: {  	[spmem:s1] =	stream.indirect.scatter.add.f32 [tilespmem:s31], [sflag:$0x3], $0x80, s16, s29, $0xb8;
	[tilespmem:$0x1D800] =	vst v63  }
0x81: {  	p0 =	por p6, p6;
	s15 =	smov.u32 s3;
	s16 =	smov.u32 s26  }
.LBB2_2:
0x82: {  	s7 =	smul.u32 $0xAB, s6  }
0x83: {  	p1 =	seq.s32 s6, $0x9;
	_ =	swait.ge [sflag:s17], $0x4000;
	s8 =	smov.u32 s6  }
0x84: {  	s6 =	sadd.s32 $0x1, s6;
	s9 =	simm.s32 @!p0 $0x0;
	[sflag:s17] =	ssyncset.done $0x0  }
0x85: {  	p3 =	sgt.u32 s8, $0x6;
	s7 =	sshrl.u32 s7, $0x9;
	[sflag:s17] =	ssyncadd.s32 $0xFFFFC000  }
0x86: {  	[tilespmem:s20], [sflag:$0x2] =	stream.linear.gather @!p0 [hbm4b:s16+s9], $0x400, $0x38;
	[tilespmem:$0x1D800] =	vst v63  }
0x87: {  	s10 =	sadd.s32 @!p1 $0x1, s8;
	p2 =	sne.s32 s6, $0xA;
	s7 =	sand.u32 $0x7F, s7  }
0x88: {  	s12 =	simm.s32 @!p1 $0x2;
	s20 =	sand.u32 @!p1 $0xFF, s10;
	s7 =	smul.u32 $0x3, s7  }
0x89: {  	[tilespmem:s21], [sflag:$0x2] =	stream.linear.gather @!p0 [hbm4b:s15+s9], $0x400, $0x38;
	[tilespmem:$0x1D800] =	vst v63  }
0x8a: {  	s9 =	smul.u32 @!p1 $0xAB, s20;
	p0 =	por p3, p3;
	_ =	swait.ge @!p1 [sflag:s12], $0x400  }
0x8b: {  	s7 =	ssub.s32 s8, s7;
	[sflag:s12] =	ssyncset.done @!p1 $0x0  }
0x8c: {  	s7 =	sand.u32 $0xFF, s7;
	s8 =	sshrl.u32 @!p1 s9, $0x9;
	[sflag:s12] =	ssyncadd.s32 @!p1 $0xFFFFFC00  }
0x8d: {  	s20 =	sshll.u32 s7, $0xA;
	s7 =	smul.u32 @!p1 $0x3, s8;
	_ =	swait.ge @!p1 [sflag:s12], $0x400  }
0x8e: {  	s8 =	sor.u32 $0x80, s20;
	[sflag:s12] =	ssyncset.done @!p1 $0x0  }
0x8f: {  	s7 =	ssub.s32 @!p1 s10, s7;
	[sflag:s12] =	ssyncadd.s32 @!p1 $0xFFFFFC00  }
0x90: {  	[tilespmem:s31], [sflag:$0x1] =	stream.indirect.gather [hbm4b:s4+s29], $0x80, s8, s29, $0xb8;
	[tilespmem:$0x1D800] =	vst v63  }
0x91: {  	s7 =	sand.u32 @!p1 $0xFF, s7;
	_ =	swait.ge [sflag:s28], $0x4000  }
0x92: {  	s7 =	sshll.u32 @!p1 s7, $0xA;
	[sflag:s28] =	ssyncset.done $0x0  }
0x93: {  	s21 =	sadd.s32 $0xC00, s20;
	[sflag:s28] =	ssyncadd.s32 $0xFFFFC000  }
0x94: {  	[spmem:s1] =	stream.indirect.scatter.add.f32 [tilespmem:s30], [sflag:$0x3], $0x80, s21, s29, $0xb8;
	[tilespmem:$0x1D800] =	vst v63  }
0x95: {  	_ =	swait.ge [sflag:s17], $0x4000  }
0x96: {  	[sflag:s17] =	ssyncset.done $0x0  }
0x97: {  	s8 =	sor.u32 $0x100, s20;
	[sflag:s17] =	ssyncadd.s32 $0xFFFFC000  }
0x98: {  	[tilespmem:s30], [sflag:$0x1] =	stream.indirect.gather [hbm4b:s4+s29], $0x80, s8, s29, $0xb8;
	[tilespmem:$0x1D800] =	vst v63  }
0x99: {  	_ =	swait.ge [sflag:s28], $0x4000  }
0x9a: {  	[sflag:s28] =	ssyncset.done $0x0  }
0x9b: {  	s8 =	sadd.s32 $0xC80, s20;
	[sflag:s28] =	ssyncadd.s32 $0xFFFFC000  }
0x9c: {  	[spmem:s1] =	stream.indirect.scatter.add.f32 [tilespmem:s31], [sflag:$0x3], $0x80, s8, s29, $0xb8;
	[tilespmem:$0x1D800] =	vst v63  }
0x9d: {  	_ =	swait.ge [sflag:s17], $0x4000  }
0x9e: {  	[sflag:s17] =	ssyncset.done $0x0  }
0x9f: {  	s8 =	sor.u32 $0x180, s20;
	[sflag:s17] =	ssyncadd.s32 $0xFFFFC000  }
0xa0: {  	[tilespmem:s31], [sflag:$0x1] =	stream.indirect.gather [hbm4b:s4+s29], $0x80, s8, s29, $0xb8;
	[tilespmem:$0x1D800] =	vst v63  }
0xa1: {  	_ =	swait.ge [sflag:s28], $0x4000  }
0xa2: {  	[sflag:s28] =	ssyncset.done $0x0  }
0xa3: {  	s8 =	sadd.s32 $0xD00, s20;
	[sflag:s28] =	ssyncadd.s32 $0xFFFFC000  }
0xa4: {  	[spmem:s1] =	stream.indirect.scatter.add.f32 [tilespmem:s30], [sflag:$0x3], $0x80, s8, s29, $0xb8;
	[tilespmem:$0x1D800] =	vst v63  }
0xa5: {  	_ =	swait.ge [sflag:s17], $0x4000  }
0xa6: {  	[sflag:s17] =	ssyncset.done $0x0  }
0xa7: {  	s8 =	sor.u32 $0x200, s20;
	[sflag:s17] =	ssyncadd.s32 $0xFFFFC000  }
0xa8: {  	[tilespmem:s30], [sflag:$0x1] =	stream.indirect.gather [hbm4b:s4+s29], $0x80, s8, s29, $0xb8;
	[tilespmem:$0x1D800] =	vst v63  }
0xa9: {  	_ =	swait.ge [sflag:s28], $0x4000  }
0xaa: {  	[sflag:s28] =	ssyncset.done $0x0  }
0xab: {  	s8 =	sadd.s32 $0xD80, s20;
	[sflag:s28] =	ssyncadd.s32 $0xFFFFC000  }
0xac: {  	[spmem:s1] =	stream.indirect.scatter.add.f32 [tilespmem:s31], [sflag:$0x3], $0x80, s8, s29, $0xb8;
	[tilespmem:$0x1D800] =	vst v63  }
0xad: {  	_ =	swait.ge [sflag:s17], $0x4000  }
0xae: {  	[sflag:s17] =	ssyncset.done $0x0  }
0xaf: {  	s8 =	sor.u32 $0x280, s20;
	[sflag:s17] =	ssyncadd.s32 $0xFFFFC000  }
0xb0: {  	[tilespmem:s31], [sflag:$0x1] =	stream.indirect.gather [hbm4b:s4+s29], $0x80, s8, s29, $0xb8;
	[tilespmem:$0x1D800] =	vst v63  }
0xb1: {  	_ =	swait.ge [sflag:s28], $0x4000  }
0xb2: {  	[sflag:s28] =	ssyncset.done $0x0  }
0xb3: {  	s8 =	sadd.s32 $0xE00, s20;
	[sflag:s28] =	ssyncadd.s32 $0xFFFFC000  }
0xb4: {  	[spmem:s1] =	stream.indirect.scatter.add.f32 [tilespmem:s30], [sflag:$0x3], $0x80, s8, s29, $0xb8;
	[tilespmem:$0x1D800] =	vst v63  }
0xb5: {  	_ =	swait.ge [sflag:s17], $0x4000  }
0xb6: {  	[sflag:s17] =	ssyncset.done $0x0  }
0xb7: {  	s8 =	sor.u32 $0x300, s20;
	[sflag:s17] =	ssyncadd.s32 $0xFFFFC000  }
0xb8: {  	[tilespmem:s30], [sflag:$0x1] =	stream.indirect.gather [hbm4b:s4+s29], $0x80, s8, s29, $0xb8;
	[tilespmem:$0x1D800] =	vst v63  }
0xb9: {  	_ =	swait.ge [sflag:s28], $0x4000  }
0xba: {  	[sflag:s28] =	ssyncset.done $0x0  }
0xbb: {  	s8 =	sadd.s32 $0xE80, s20;
	[sflag:s28] =	ssyncadd.s32 $0xFFFFC000  }
0xbc: {  	[spmem:s1] =	stream.indirect.scatter.add.f32 [tilespmem:s31], [sflag:$0x3], $0x80, s8, s29, $0xb8;
	[tilespmem:$0x1D800] =	vst v63  }
0xbd: {  	_ =	swait.ge [sflag:s17], $0x4000  }
0xbe: {  	[sflag:s17] =	ssyncset.done $0x0  }
0xbf: {  	s8 =	sor.u32 $0x380, s20;
	[sflag:s17] =	ssyncadd.s32 $0xFFFFC000  }
0xc0: {  	[tilespmem:s31], [sflag:$0x1] =	stream.indirect.gather [hbm4b:s4+s29], $0x80, s8, s29, $0xb8;
	[tilespmem:$0x1D800] =	vst v63  }
0xc1: {  	_ =	swait.ge [sflag:s28], $0x4000  }
0xc2: {  	[sflag:s28] =	ssyncset.done $0x0  }
0xc3: {  	s9 =	sadd.s32 $0xF00, s20;
	[sflag:s28] =	ssyncadd.s32 $0xFFFFC000  }
0xc4: {  	[spmem:s1] =	stream.indirect.scatter.add.f32 [tilespmem:s30], [sflag:$0x3], $0x80, s9, s29, $0xb8;
	[tilespmem:$0x1D800] =	vst v63  }
0xc5: {  	s10 =	simm.s32 @!p1 $0x1800;
	s9 =	simm.s32 @!p1 $0x80;
	_ =	swait.ge [sflag:s17], $0x4000  }
0xc6: {  	[sflag:s17] =	ssyncset.done $0x0  }
0xc7: {  	[sflag:s17] =	ssyncadd.s32 $0xFFFFC000  }
0xc8: {  	[tilespmem:s10], [sflag:$0x1] =	stream.indirect.gather @!p1 [hbm4b:s4+s9], $0x80, s7, s9, $0xb8;
	[tilespmem:$0x1D800] =	vst v63  }
.Ltmp0:
0xc9: {  	_ = 	snop;
	(pc) =	sbr.rel @p2 .LBB2_2-.Ltmp0, $4  }
0xca: {  	_ =	swait.ge [sflag:s28], $0x4000  }
0xcb: {  	s15 =	sadd.s32 $0x80, s15;
	[sflag:s28] =	ssyncset.done $0x0  }
0xcc: {  	s16 =	sadd.s32 $0x80, s16;
	s7 =	sadd.s32 $0xC00, s8;
	[sflag:s28] =	ssyncadd.s32 $0xFFFFC000  }
0xcd: {  	[spmem:s1] =	stream.indirect.scatter.add.f32 [tilespmem:s31], [sflag:$0x3], $0x80, s7, s29, $0xb8;
	[tilespmem:$0x1D800] =	vst v63  }
0xce: {  	_ =	swait.ge [sflag:s17], $0x4000  }
0xcf: {  	[sflag:s17] =	ssyncset.done $0x0  }
0xd0: {  	s6 =	simm.s32 @!p0 $0x0;
	[sflag:s17] =	ssyncadd.s32 $0xFFFFC000  }
0xd1: {  	[tilespmem:s20], [sflag:$0x2] =	stream.linear.gather @!p0 [hbm4b:s16+s6], $0x400, $0x38;
	[tilespmem:$0x1D800] =	vst v63  }
0xd2: {  	s0 =	sadd.s32 $0x1, s0  }
0xd3: {  	[tilespmem:s21], [sflag:$0x2] =	stream.linear.gather @!p0 [hbm4b:s15+s6], $0x400, $0x38;
	[tilespmem:$0x1D800] =	vst v63  }
0xd4: {  	p0 =	sne.s32 s0, s14  }
.Ltmp1:
0xd5: {  	s21 =	sor.u32 $0x1C03, s18;
	[bflag:$0x0] =	sbarrier.arrive $0xFFFF;
	(pc) =	sbr.rel @p0 .LBB2_1-.Ltmp1, $4  }
0xd6: {  	[hbm:s13], [sflag:s21] =	dma.local [spmem:s19], $0x2800  }
0xd7: {  	_ =	swait.ge [sflag:s17], $0x2800  }
0xd8: {  	[sflag:s17] =	ssyncset.done $0x0  }
0xd9: {  	[sflag:s17] =	ssyncadd.s32 $0xFFFFD800  }
0xda: {  	_ =	sfence.sel $0x180000  }
0xdb: {  	[bflag:$0x0] =	sbarrier.arrive $0xFFFF  }
0xdc: {  	_ =	strace $0x9000004A  }
0xdd: {  	s0 =	stileid.u32;
	[bflag:$0x2] =	sbarrier.arrive $0xFFFF  }
0xde: {  	p0 =	sne.s32 s0, $0x0;
	s0 =	rddreg [dreg:$0x2]  }
0xdf: {  	s0 =	sadd.s32 @!p0 $0x100000, s0  }
0xe0: {  	[sflag:s0] =	ssyncadd.tile.s32 @!p0 $0x1;
	_ =	shalt  }
.Lfunc_end2:
_tile_overlayer_lowered:
.L_overlay_start_2:
0xe1: {  	(tag) =	ssettag $0x2  }
0xe2: {  	s0 =	rddreg [dreg:$0x0];
	s2 =	stileid.u32  }
0xe3: {  	s1 =	rddreg [dreg:$0x1];
	p0 =	sne.s32 s2, $0x0  }
0xe4: {  	s3 =	rddreg [dreg:$0x2];
	[bflag:$0x3] =	sbarrier.arrive $0xFFFF;
	s2 =	simm.s32 @!p0 $0x1C03  }
0xe5: {  	[timem:s3], [sflag:s2] =	dma.local @!p0 [hbm:s0], s1  }
0xe6: {  	s0 =	simm.s32 @!p0 $0x3  }
0xe7: {  	_ =	swait.ge @!p0 [sflag:s0], s1  }
0xe8: {  	s1 =	ssub.s32 @!p0 $0x0, s1;
	[sflag:s0] =	ssyncset.done @!p0 $0x0  }
0xe9: {  	[sflag:s0] =	ssyncadd.s32 @!p0 s1  }
0xea: {  	[bflag:$0x3] =	sbarrier.arrive $0xFFFF  }
0xeb: {  	_ =	shalt  }

// kernel: kernel.14.cloned.1.call-start
scs
__scs_entry_jumppad:
0x0: {  	(pc) =	sbr.rel $0x88, $3  }
0x1: {  	(tag) =	ssettag $0x0;
	lr =	simm.s32 $0x1  }
0x2: {  	[smem:$0x3F9A] =	sst lr;
	_ =	strace $0xD0000000  }
0x3: {  	_ = 	snop  }
0x4: {  	_ = 	snop  }
0x5: {  	_ = 	snop  }
0x6: {  	_ = 	snop  }
0x7: {  	_ = 	snop  }
__scs_overlays_trampoline_lowered:
0x8: {  	[smem:$0x3FA9] =	sst s0  }
0x9: {  	[smem:$0x3FAA] =	sst s1  }
0xa: {  	[smem:$0x3FAB] =	sst s2  }
0xb: {  	[smem:$0x3FAC] =	sst s3  }
0xc: {  	[smem:$0x3FAD] =	sst s4  }
0xd: {  	[smem:$0x3FAE] =	sst s5  }
0xe: {  	[smem:$0x3FAF] =	sst s6  }
0xf: {  	[smem:$0x3FB0] =	sst s7  }
0x10: {  	[smem:$0x3FB1] =	sst s8  }
0x11: {  	[smem:$0x3FB2] =	sst s9;
	s0 =	simm.s32 @!p0 $0x0  }
0x12: {  	s1 =	sld [smem:$0x3F98];
	s0 =	simm.s32 @p0 $0x1  }
0x13: {  	[smem:$0x3FB3] =	sst s0;
	s0 =	simm.s32 @!p1 $0x0  }
0x14: {  	s2 =	sld [smem:$0x3F97];
	s0 =	simm.s32 @p1 $0x1  }
0x15: {  	[smem:$0x3FB4] =	sst s0;
	s0 =	simm.s32 @!p2 $0x0  }
0x16: {  	s3 =	sld [smem:$0x3FDB];
	s0 =	simm.s32 @p2 $0x1  }
0x17: {  	s4 =	simm.s32 $0x1BF5;
	[smem:$0x3FB6] =	sst s0  }
0x18: {  	s0 =	sld [smem:$0x3F99];
	_ =	swait.ge [sflag:s4], $0x0  }
0x19: {  	s7 =	sld [smem:$0x3F9A]  }
0x1a: {  	s8 =	sadd.s32 $0xFFFFE003, lr  }
0x1b: {  	s9 =	sadd.s32 $0xFFFFFEF7, lr;
	s5 =	simm.s32 $0xFFFFFFFF;
	p2 =	slt.u32 s8, $0xFFFFF086  }
0x1c: {  	p1 =	slt.u32 s9, $0xF7A;
	s5 =	simm.s32 @!p2 $0x0  }
0x1d: {  	s5 =	simm.s32 @p1 $0x1;
	p0 =	seq.s32 s7, s2  }
0x1e: {  	s7 =	smul.u32 @!p0 $0xF7A, s2;
	p2 =	seq.s32 @!p0 s5, $0x0  }
0x1f: {  	s9 =	smul.u32 $0xF7A, s1;
	s8 =	simm.s32 @!p0 $0x1BF5;
	p2 =	por !p2, p0  }
0x20: {  	[sflag:s8] =	ssyncset.s32 @!p0 $0xFFFFF086;
	s6 =	sadd.s32 @!p0 s3, s7;
	s7 =	simm.s32 @!p0 $0x108  }
0x21: {  	s3 =	sadd.s32 s3, s9;
	s6 =	sadd.s32 @!p0 $0x88, s6;
	s7 =	simm.s32 @p2 $0x1082  }
0x22: {  	[simem:s7], [sflag:s8] =	dma.local @!p0 [hbm:s6], $0xF7A  }
0x23: {  	s9 =	sor.u32 $0xD0000000, s2;
	s6 =	simm.s32 $0x108;
	_ =	swait.ge @!p0 [sflag:s8], $0x0  }
0x24: {  	s3 =	sadd.s32 $0x88, s3;
	s6 =	simm.s32 @!p1 $0x1082;
	[sflag:s4] =	ssyncset.s32 $0xFFFFF086  }
0x25: {  	[simem:s6], [sflag:s4] =	dma.local [hbm:s3], $0xF7A  }
0x26: {  	[smem:$0x3F9A] =	sst s1;
	(tag) =	ssettag s2;
	_ =	strace s9  }
0x27: {  	s1 =	sld [smem:$0x3FAA]  }
0x28: {  	s2 =	sld [smem:$0x3FAB]  }
0x29: {  	s4 =	sld [smem:$0x3FAD]  }
0x2a: {  	p0 =	seq.s32 s5, $0x0;
	s5 =	sld [smem:$0x3FAE]  }
0x2b: {  	s6 =	sld [smem:$0x3FAF]  }
0x2c: {  	s7 =	sld [smem:$0x3FB0]  }
0x2d: {  	s3 =	simm.s32 $0x108;
	s8 =	sld [smem:$0x3FB1]  }
0x2e: {  	s3 =	simm.s32 @!p0 $0x1082;
	s9 =	sld [smem:$0x3FB2]  }
0x2f: {  	lr =	sadd.s32 s0, s3;
	s0 =	sld [smem:$0x3FA9]  }
0x30: {  	s3 =	sld [smem:$0x3FAC]  }
0x31: {  	[smem:$0x3FB5] =	sst s10  }
0x32: {  	s10 =	sld [smem:$0x3FB3];
	_ =	sdelay $0x3  }
0x33: {  	p0 =	seq.s32 s10, $0x1;
	s10 =	sld [smem:$0x3FB5];
	_ =	sdelay $0x3  }
0x34: {  	[smem:$0x3FB5] =	sst s10  }
0x35: {  	s10 =	sld [smem:$0x3FB4];
	_ =	sdelay $0x3  }
0x36: {  	p1 =	seq.s32 s10, $0x1;
	s10 =	sld [smem:$0x3FB5];
	_ =	sdelay $0x3  }
0x37: {  	[smem:$0x3FB5] =	sst s10  }
0x38: {  	s10 =	sld [smem:$0x3FB6]  }
0x39: {  	_ = 	snop;
	(pc) =	sbr.ind lr, $3  }
0x3a: {  	_ = 	snop  }
0x3b: {  	_ = 	snop  }
0x3c: {  	p2 =	seq.s32 s10, $0x1;
	s10 =	sld [smem:$0x3FB5]  }
0x3d: {  	_ =	shalt  }
0x3e: {  	_ =	shalt  }
0x3f: {  	_ =	shalt  }
0x40: {  	_ =	shalt  }
0x41: {  	_ =	shalt  }
0x42: {  	_ =	shalt  }
0x43: {  	_ =	shalt  }
0x44: {  	_ =	shalt  }
0x45: {  	_ =	shalt  }
0x46: {  	_ =	shalt  }
0x47: {  	_ =	shalt  }
0x48: {  	_ =	shalt  }
0x49: {  	_ =	shalt  }
0x4a: {  	_ =	shalt  }
0x4b: {  	_ =	shalt  }
0x4c: {  	_ =	shalt  }
0x4d: {  	_ =	shalt  }
0x4e: {  	_ =	shalt  }
0x4f: {  	_ =	shalt  }
0x50: {  	_ =	shalt  }
0x51: {  	_ =	shalt  }
0x52: {  	_ =	shalt  }
0x53: {  	_ =	shalt  }
0x54: {  	_ =	shalt  }
0x55: {  	_ =	shalt  }
0x56: {  	_ =	shalt  }
0x57: {  	_ =	shalt  }
0x58: {  	_ =	shalt  }
0x59: {  	_ =	shalt  }
0x5a: {  	_ =	shalt  }
0x5b: {  	_ =	shalt  }
0x5c: {  	_ =	shalt  }
0x5d: {  	_ =	shalt  }
0x5e: {  	_ =	shalt  }
0x5f: {  	_ =	shalt  }
0x60: {  	_ =	shalt  }
0x61: {  	_ =	shalt  }
0x62: {  	_ =	shalt  }
0x63: {  	_ =	shalt  }
0x64: {  	_ =	shalt  }
0x65: {  	_ =	shalt  }
0x66: {  	_ =	shalt  }
0x67: {  	_ =	shalt  }
0x68: {  	_ =	shalt  }
0x69: {  	_ =	shalt  }
0x6a: {  	_ =	shalt  }
0x6b: {  	_ =	shalt  }
0x6c: {  	_ =	shalt  }
0x6d: {  	_ =	shalt  }
0x6e: {  	_ =	shalt  }
0x6f: {  	_ =	shalt  }
0x70: {  	_ =	shalt  }
0x71: {  	_ =	shalt  }
0x72: {  	_ =	shalt  }
0x73: {  	_ =	shalt  }
0x74: {  	_ =	shalt  }
0x75: {  	_ =	shalt  }
0x76: {  	_ =	shalt  }
0x77: {  	_ =	shalt  }
0x78: {  	_ =	shalt  }
0x79: {  	_ =	shalt  }
0x7a: {  	_ =	shalt  }
0x7b: {  	_ =	shalt  }
0x7c: {  	_ =	shalt  }
0x7d: {  	_ =	shalt  }
0x7e: {  	_ =	shalt  }
0x7f: {  	_ =	shalt  }
0x80: {  	_ =	shalt  }
0x81: {  	_ =	shalt  }
0x82: {  	_ =	shalt  }
0x83: {  	_ =	shalt  }
0x84: {  	_ =	shalt  }
0x85: {  	_ =	shalt  }
0x86: {  	_ =	shalt  }
0x87: {  	_ =	shalt  }
.Lfunc_end0:
.L_simem_size_0:
called_computation.2_lowered:
.L_overlay_start_0:
0x88: {  	s2 =	sld [smem:$0x3FD9]  }
0x89: {  	s3 =	sld [smem:$0x3FFE];
	_ =	sdelay $0x1  }
0x8a: {  	s1 =	srdreg.scid  }
0x8b: {  	s0 =	sand.u32 $0x1, s1  }
0x8c: {  	s16 =	sshll.u32 s0, $0xA;
	s2 =	sadd.s32 s3, s2  }
0x8d: {  	s2 =	sadd.s32 s2, s16  }
0x8e: {  	[smem:$0x3FC1] =	sst s2  }
0x8f: {  	_ = 	snop  }
0x90: {  	(tm) =	ssettm $0x1  }
0x91: {  	s17 =	sld [smem:$0x3FFB];
	_ =	sdelay $0x3  }
0x92: {  	_ =	strace s17  }
0x93: {  	s2 =	sld [smem:$0x3FFC];
	_ =	sdelay $0x3  }
0x94: {  	_ =	strace s2  }
0x95: {  	s2 =	sld [smem:$0x3FFD];
	_ =	sdelay $0x3  }
0x96: {  	_ =	strace s2  }
0x97: {  	_ =	strace $0x8FFFFFFF  }
0x98: {  	s18 =	sld [smem:$0x3FDB];
	_ =	sdelay $0x1  }
0x99: {  	s19 =	simm.s32 $_scs_section_size  }
0x9a: {  	s4 =	simm.s32 $_size__tile_overlayer_lowered;
	s5 =	simm.s32 $_tile_overlayer_lowered  }
0x9b: {  	s22 =	simm.s32 $0x1BFF;
	s21 =	sshll.u32 s5, $0x1;
	s2 =	sadd.s32 s19, s18  }
0x9c: {  	s6 =	simm.s32 $0x0;
	s20 =	sshll.u32 s4, $0x1;
	s4 =	sadd.s32 s21, s2  }
0x9d: {  	[timem:s6], [sflag:s22] =	dma.local [hbm:s4], s20  }
0x9e: {  	_ =	swait.ge [sflag:s22], s20  }
0x9f: {  	s3 =	ssub.s32 $0x0, s20;
	[sflag:s22] =	ssyncset.done $0x0  }
0xa0: {  	[sflag:s22] =	ssyncadd.s32 s3;
	_ =	sdelay $0x1  }
0xa1: {  	s23 =	simm.s32 $0x1B8B  }
0xa2: {  	_ =	swait.ge [sflag:s23], $0x1  }
0xa3: {  	[sflag:s23] =	ssyncset.done $0x0  }
0xa4: {  	s25 =	simm.s32 $0x1B8E;
	s24 =	sld [smem:$0x3FFE];
	[sflag:s23] =	ssyncadd.s32 $0xFFFFFFFF  }
0xa5: {  	s26 =	simm.s32 $execute0_lowered;
	[smem:$0x3FD2] =	sst s25  }
0xa6: {  	s4 =	sshll.u32 s26, $0x1;
	_ =	strace $0x8000004C;
	[dreg:$0x1] =	wrdreg $0xFFFFFFFF  }
0xa7: {  	s28 =	simm.s32 $_size_execute0_lowered;
	s2 =	sadd.s32 s2, s4;
	[dreg:$0x0] =	wrdreg $0x0  }
0xa8: {  	s4 =	sshll.u32 s28, $0x1;
	[dreg:$0x2] =	wrdreg s2  }
0xa9: {  	[dreg:$0x3] =	wrdreg s4  }
0xaa: {  	[dreg:$0x4] =	wrdreg $0xC0  }
0xab: {  	_ =	task [dreg:s6], $0x5FFFF  }
0xac: {  	[dreg:$0x1] =	wrdreg $0xFFFFFFFF  }
0xad: {  	[dreg:$0x0] =	wrdreg $0x60  }
0xae: {  	[dreg:$0x2] =	wrdreg s24  }
0xaf: {  	[dreg:$0x3] =	wrdreg $0x98000  }
0xb0: {  	[dreg:$0x4] =	wrdreg $0x9  }
0xb1: {  	_ =	task.clear_ibuf [dreg:s6], $0x5FFFF;
	_ =	strace $0x9000004C  }
0xb2: {  	s29 =	simm.s32 $0x9;
	_ =	strace $0x8000004E  }
0xb3: {  	_ =	swait.ge [sflag:s29], $0x1  }
0xb4: {  	[sflag:s29] =	ssyncadd.s32 $0xFFFFFFFF  }
0xb5: {  	_ =	strace $0x9000004E  }
0xb6: {  	_ =	sfence  }
0xb7: {  	s30 =	sld [smem:$0x0];
	_ =	sdelay $0x2  }
0xb8: {  	s31 =	sshll.u32 s1, $0xD;
	s1 =	sshrl.u32 s1, $0x2  }
0xb9: {  	s3 =	sand.u32 $0x4000, s31;
	s1 =	sadd.s32 s1, s30  }
0xba: {  	s0 =	sor.u32 s3, s0;
	s1 =	sshll.u32 s1, $0x11  }
0xbb: {  	s0 =	sor.u32 s1, s0  }
0xbc: {  	s0 =	sadd.s32 $0x8F2B, s0  }
0xbd: {  	[sflag:s0] =	ssyncadd.remote.s32 $0x1  }
0xbe: {  	_ =	sfence.sel $0xFFFF  }
0xbf: {  	[dreg:$0x0] =	wrdreg $0xFFFFFFFF;
	(pc) =	sbr.abs _section_cstart, $3  }
0xc0: {  	[dreg:$0x1] =	wrdreg $0xFFFFFFFF  }
0xc1: {  	_ =	task.clear_ibuf [dreg:s6], $0x2FFFF;
	_ =	strace $0x9FFFFFFF  }
0xc2: {  	(tm) =	ssettm $0x7FFFFFFF  }
0xc3: {  	_ =	shalt  }
tec
execute0_lowered:
.L_overlay_start_1:
0x0: {  	(tag) =	ssettag $0x1  }
0x1: {  	s0 =	rddreg [dreg:$0x0]  }
0x2: {  	s1 =	rddreg [dreg:$0x1];
	s2 =	simm.s32 $0x0;
	s3 =	srdreg.scid  }
0x3: {  	s12 =	stileid.u32;
	s28 =	simm.s32 $0x1;
	s29 =	simm.s32 $0x80  }
0x4: {  	s30 =	simm.s32 $0x1800;
	s31 =	simm.s32 $0x5800;
	s6 =	smul.u32 $0x14000, s12  }
0x5: {  	[smem:$0x7FF] =	sst s2;
	s3 =	sand.u32 $0x1, s3;
	s10 =	smul.u32 $0x50000, s12  }
0x6: {  	s4 =	sadd.s32 $0x16A00, s0;
	s15 =	sadd.s32 $0x2A00, s0;
	s13 =	smul.u32 $0x2800, s12  }
0x7: {  	s16 =	sadd.s32 $0xCA00, s0;
	_ =	strace $0x8000004D;
	s5 =	smul.u32 $0x140000, s3  }
0x8: {  	s7 =	sshll.u32 s3, $0x4;
	s8 =	ssub.s32 $0x2, s3;
	s3 =	smul.u32 $0x28000, s3  }
0x9: {  	s7 =	sor.u32 s12, s7;
	s9 =	sshrl.u32 s8, $0x1;
	s11 =	sshrl.u32 s10, $0x2  }
0xa: {  	s6 =	sadd.s32 s6, s5;
	s7 =	smul.u32 $0x2800, s7;
	s5 =	sadd.s32 $0x3EA00, s0  }
0xb: {  	s17 =	ssub.s32 s8, s9;
	s11 =	sadd.s32 s11, s1;
	s3 =	sadd.s32 s13, s3  }
0xc: {  	s6 =	sshrl.u32 s6, $0x3;
	s25 =	sadd.s32 $0x4000, s11;
	s18 =	sadd.s32 $0x8000, s11  }
0xd: {  	s3 =	sadd.s32 $0xC00, s3;
	s14 =	smax.u32 s17, $0x1;
	s17 =	simm.s32 $0x3  }
0xe: {  	s0 =	sadd.s32 s6, s0;
	s7 =	sshrl.u32 s7, $0x3;
	s26 =	sshrl.u32 s3, $0x3  }
0xf: {  	s19 =	sadd.s32 s15, s7;
	s20 =	sor.u32 $0x80, s7;
	s21 =	sadd.s32 s16, s7  }
0x10: {  	s7 =	sadd.s32 $0x100, s7;
	s13 =	sadd.s32 $0x3F200, s0;
	[dreg:$0x3] =	wrdreg s19  }
0x11: {  	s3 =	sadd.s32 s26, s16;
	[dreg:$0x4] =	wrdreg s21;
	s22 =	sadd.s32 s15, s20  }
0x12: {  	s26 =	sadd.s32 s26, s15;
	s23 =	sadd.s32 s16, s20;
	[dreg:$0x5] =	wrdreg s22  }
0x13: {  	s0 =	simm.s32 $0x0;
	s24 =	sadd.s32 s15, s7;
	[dreg:$0x6] =	wrdreg s23  }
0x14: {  	s7 =	sadd.s32 s16, s7;
	s19 =	sadd.s32 $0xC000, s11;
	[dreg:$0x7] =	wrdreg s24  }
0x15: {  	s20 =	sadd.s32 $0x10000, s11;
	[dreg:$0x8] =	wrdreg s7;
	s22 =	sshrl.u32 s25, $0x3  }
0x16: {  	s23 =	sshrl.u32 s18, $0x3;
	s24 =	sshrl.u32 s19, $0x3;
	s25 =	sshrl.u32 s20, $0x3  }
.LBB2_1:
0x17: {  	s6 =	rddreg [dreg:$0x3]  }
0x18: {  	[tilespmem:s2], [sflag:$0x3] =	stream.linear.gather [hbm4b:s6+s2], $0x400, $0x38;
	[tilespmem:$0x1D800] =	vst v63  }
0x19: {  	_ =	swait.ge [sflag:s17], $0x400  }
0x1a: {  	[sflag:s17] =	ssyncset.done $0x0  }
0x1b: {  	s7 =	simm.s32 $0xC00;
	s8 =	rddreg [dreg:$0x4];
	[sflag:s17] =	ssyncadd.s32 $0xFFFFFC00  }
0x1c: {  	[tilespmem:s7], [sflag:$0x3] =	stream.linear.gather [hbm4b:s8+s2], $0x400, $0x38;
	[tilespmem:$0x1D800] =	vst v63  }
0x1d: {  	_ =	swait.ge [sflag:s17], $0x400  }
0x1e: {  	[sflag:s17] =	ssyncset.done $0x0  }
0x1f: {  	s10 =	simm.s32 $0x400;
	s9 =	rddreg [dreg:$0x5];
	[sflag:s17] =	ssyncadd.s32 $0xFFFFFC00  }
0x20: {  	[tilespmem:s10], [sflag:$0x2] =	stream.linear.gather [hbm4b:s9+s2], $0x400, $0x38;
	[tilespmem:$0x1D800] =	vst v63  }
0x21: {  	s15 =	simm.s32 $0x1000;
	s12 =	rddreg [dreg:$0x6]  }
0x22: {  	[tilespmem:s15], [sflag:$0x2] =	stream.linear.gather [hbm4b:s12+s2], $0x400, $0x38;
	[tilespmem:$0x1D800] =	vst v63  }
0x23: {  	s18 =	simm.s32 $0x800;
	s21 =	stileid.u32;
	s16 =	rddreg [dreg:$0x7]  }
0x24: {  	[tilespmem:s18], [sflag:$0x2] =	stream.linear.gather [hbm4b:s16+s2], $0x400, $0x38;
	[tilespmem:$0x1D800] =	vst v63  }
0x25: {  	s20 =	simm.s32 $0x1400;
	s19 =	rddreg [dreg:$0x8];
	s18 =	sshll.u32 s21, $0x6  }
0x26: {  	[tilespmem:s20], [sflag:$0x2] =	stream.linear.gather [hbm4b:s19+s2], $0x400, $0x38;
	[tilespmem:$0x1D800] =	vst v63  }
0x27: {  	s6 =	sor.u32 $0x1C01, s18;
	s19 =	sshrl.u32 s11, $0x3  }
0x28: {  	[spmem:s19], [sflag:s6] =	dma.local [hbm:s5], $0x800  }
0x29: {  	[spmem:s22], [sflag:s6] =	dma.local [hbm:s5], $0x800  }
0x2a: {  	[spmem:s23], [sflag:s6] =	dma.local [hbm:s5], $0x800  }
0x2b: {  	[spmem:s24], [sflag:s6] =	dma.local [hbm:s5], $0x800  }
0x2c: {  	[spmem:s25], [sflag:s6] =	dma.local [hbm:s5], $0x800  }
0x2d: {  	_ =	swait.ge [sflag:s28], $0x800  }
0x2e: {  	[sflag:s28] =	ssyncset.done $0x0  }
0x2f: {  	[sflag:s28] =	ssyncadd.s32 $0xFFFFF800  }
0x30: {  	_ =	swait.ge [sflag:s28], $0x800  }
0x31: {  	[sflag:s28] =	ssyncset.done $0x0  }
0x32: {  	[sflag:s28] =	ssyncadd.s32 $0xFFFFF800  }
0x33: {  	_ =	swait.ge [sflag:s28], $0x800  }
0x34: {  	[sflag:s28] =	ssyncset.done $0x0  }
0x35: {  	[sflag:s28] =	ssyncadd.s32 $0xFFFFF800  }
0x36: {  	_ =	swait.ge [sflag:s28], $0x800  }
0x37: {  	[sflag:s28] =	ssyncset.done $0x0  }
0x38: {  	[sflag:s28] =	ssyncadd.s32 $0xFFFFF800  }
0x39: {  	s7 =	smul.u32 $0xAB, s2;
	_ =	swait.ge [sflag:s28], $0x800  }
0x3a: {  	[sflag:s28] =	ssyncset.done $0x0  }
0x3b: {  	p0 =	por $0x0, $0x0;
	s6 =	sshrl.u32 s7, $0x9;
	[sflag:s28] =	ssyncadd.s32 $0xFFFFF800  }
0x3c: {  	[tilespmem:s30], [sflag:$0x1] =	stream.indirect.gather [hbm4b:s4+s29], $0x80, s2, s29, $0xb8;
	[tilespmem:$0x1D800] =	vst v63  }
0x3d: {  	s7 =	simm.s32 @!p0 $0x2;
	s6 =	sand.u32 $0x7F, s6;
	[bflag:$0x0] =	sbarrier.arrive $0xFFFF  }
0x3e: {  	s6 =	smul.u32 $0x3, s6;
	_ =	swait.ge @!p0 [sflag:s7], $0x400  }
0x3f: {  	[sflag:s7] =	ssyncset.done @!p0 $0x0  }
0x40: {  	s6 =	ssub.s32 $0x0, s6;
	[sflag:s7] =	ssyncadd.s32 @!p0 $0xFFFFFC00  }
0x41: {  	s6 =	sand.u32 $0xFF, s6;
	_ =	swait.ge @!p0 [sflag:s7], $0x400  }
0x42: {  	s20 =	sshll.u32 s6, $0xA;
	[sflag:s7] =	ssyncset.done @!p0 $0x0  }
0x43: {  	s6 =	sor.u32 $0x80, s20;
	[sflag:s7] =	ssyncadd.s32 @!p0 $0xFFFFFC00  }
0x44: {  	[tilespmem:s31], [sflag:$0x1] =	stream.indirect.gather [hbm4b:s4+s29], $0x80, s6, s29, $0xb8;
	[tilespmem:$0x1D800] =	vst v63  }
0x45: {  	_ =	swait.ge [sflag:s28], $0x4000  }
0x46: {  	[sflag:s28] =	ssyncset.done $0x0  }
0x47: {  	s21 =	sadd.s32 $0xC00, s20;
	[sflag:s28] =	ssyncadd.s32 $0xFFFFC000  }
0x48: {  	[spmem:s1] =	stream.indirect.scatter.add.f32 [tilespmem:s30], [sflag:$0x3], $0x80, s21, s29, $0xb8;
	[tilespmem:$0x1D800] =	vst v63  }
0x49: {  	_ =	swait.ge [sflag:s17], $0x4000  }
0x4a: {  	[sflag:s17] =	ssyncset.done $0x0  }
0x4b: {  	s8 =	sor.u32 $0x100, s20;
	[sflag:s17] =	ssyncadd.s32 $0xFFFFC000  }
0x4c: {  	[tilespmem:s30], [sflag:$0x1] =	stream.indirect.gather [hbm4b:s4+s29], $0x80, s8, s29, $0xb8;
	[tilespmem:$0x1D800] =	vst v63  }
0x4d: {  	_ =	swait.ge [sflag:s28], $0x4000  }
0x4e: {  	[sflag:s28] =	ssyncset.done $0x0  }
0x4f: {  	s9 =	sadd.s32 $0xC80, s20;
	[sflag:s28] =	ssyncadd.s32 $0xFFFFC000  }
0x50: {  	[spmem:s1] =	stream.indirect.scatter.add.f32 [tilespmem:s31], [sflag:$0x3], $0x80, s9, s29, $0xb8;
	[tilespmem:$0x1D800] =	vst v63  }
0x51: {  	_ =	swait.ge [sflag:s17], $0x4000  }
0x52: {  	[sflag:s17] =	ssyncset.done $0x0  }
0x53: {  	s10 =	sor.u32 $0x180, s20;
	[sflag:s17] =	ssyncadd.s32 $0xFFFFC000  }
0x54: {  	[tilespmem:s31], [sflag:$0x1] =	stream.indirect.gather [hbm4b:s4+s29], $0x80, s10, s29, $0xb8;
	[tilespmem:$0x1D800] =	vst v63  }
0x55: {  	_ =	swait.ge [sflag:s28], $0x4000  }
0x56: {  	[sflag:s28] =	ssyncset.done $0x0  }
0x57: {  	s12 =	sadd.s32 $0xD00, s20;
	[sflag:s28] =	ssyncadd.s32 $0xFFFFC000  }
0x58: {  	[spmem:s1] =	stream.indirect.scatter.add.f32 [tilespmem:s30], [sflag:$0x3], $0x80, s12, s29, $0xb8;
	[tilespmem:$0x1D800] =	vst v63  }
0x59: {  	_ =	swait.ge [sflag:s17], $0x4000  }
0x5a: {  	[sflag:s17] =	ssyncset.done $0x0  }
0x5b: {  	s15 =	sor.u32 $0x200, s20;
	[sflag:s17] =	ssyncadd.s32 $0xFFFFC000  }
0x5c: {  	[tilespmem:s30], [sflag:$0x1] =	stream.indirect.gather [hbm4b:s4+s29], $0x80, s15, s29, $0xb8;
	[tilespmem:$0x1D800] =	vst v63  }
0x5d: {  	_ =	swait.ge [sflag:s28], $0x4000  }
0x5e: {  	[sflag:s28] =	ssyncset.done $0x0  }
0x5f: {  	s16 =	sadd.s32 $0xD80, s20;
	[sflag:s28] =	ssyncadd.s32 $0xFFFFC000  }
0x60: {  	[spmem:s1] =	stream.indirect.scatter.add.f32 [tilespmem:s31], [sflag:$0x3], $0x80, s16, s29, $0xb8;
	[tilespmem:$0x1D800] =	vst v63  }
0x61: {  	_ =	swait.ge [sflag:s17], $0x4000  }
0x62: {  	[sflag:s17] =	ssyncset.done $0x0  }
0x63: {  	s7 =	sor.u32 $0x280, s20;
	[sflag:s17] =	ssyncadd.s32 $0xFFFFC000  }
0x64: {  	[tilespmem:s31], [sflag:$0x1] =	stream.indirect.gather [hbm4b:s4+s29], $0x80, s7, s29, $0xb8;
	[tilespmem:$0x1D800] =	vst v63  }
0x65: {  	_ =	swait.ge [sflag:s28], $0x4000  }
0x66: {  	[sflag:s28] =	ssyncset.done $0x0  }
0x67: {  	s8 =	sadd.s32 $0xE00, s20;
	[sflag:s28] =	ssyncadd.s32 $0xFFFFC000  }
0x68: {  	[spmem:s1] =	stream.indirect.scatter.add.f32 [tilespmem:s30], [sflag:$0x3], $0x80, s8, s29, $0xb8;
	[tilespmem:$0x1D800] =	vst v63  }
0x69: {  	_ =	swait.ge [sflag:s17], $0x4000  }
0x6a: {  	[sflag:s17] =	ssyncset.done $0x0  }
0x6b: {  	s9 =	sor.u32 $0x300, s20;
	[sflag:s17] =	ssyncadd.s32 $0xFFFFC000  }
0x6c: {  	[tilespmem:s30], [sflag:$0x1] =	stream.indirect.gather [hbm4b:s4+s29], $0x80, s9, s29, $0xb8;
	[tilespmem:$0x1D800] =	vst v63  }
0x6d: {  	_ =	swait.ge [sflag:s28], $0x4000  }
0x6e: {  	s6 =	simm.s32 @!p0 $0x1;
	[sflag:s28] =	ssyncset.done $0x0  }
0x6f: {  	s6 =	sand.u32 @!p0 $0xFF, s6;
	s10 =	sadd.s32 $0xE80, s20;
	[sflag:s28] =	ssyncadd.s32 $0xFFFFC000  }
0x70: {  	[spmem:s1] =	stream.indirect.scatter.add.f32 [tilespmem:s31], [sflag:$0x3], $0x80, s10, s29, $0xb8;
	[tilespmem:$0x1D800] =	vst v63  }
0x71: {  	s6 =	smul.u32 @!p0 $0xAB, s6;
	_ =	swait.ge [sflag:s17], $0x4000  }
0x72: {  	[sflag:s17] =	ssyncset.done $0x0  }
0x73: {  	s6 =	sshrl.u32 @!p0 s6, $0x9;
	s12 =	sor.u32 $0x380, s20;
	[sflag:s17] =	ssyncadd.s32 $0xFFFFC000  }
0x74: {  	[tilespmem:s31], [sflag:$0x1] =	stream.indirect.gather [hbm4b:s4+s29], $0x80, s12, s29, $0xb8;
	[tilespmem:$0x1D800] =	vst v63  }
0x75: {  	s6 =	smul.u32 @!p0 $0x3, s6;
	_ =	swait.ge [sflag:s28], $0x4000  }
0x76: {  	[sflag:s28] =	ssyncset.done $0x0  }
0x77: {  	s6 =	ssub.s32 @!p0 $0x1, s6;
	s15 =	sadd.s32 $0xF00, s20;
	[sflag:s28] =	ssyncadd.s32 $0xFFFFC000  }
0x78: {  	[spmem:s1] =	stream.indirect.scatter.add.f32 [tilespmem:s30], [sflag:$0x3], $0x80, s15, s29, $0xb8;
	[tilespmem:$0x1D800] =	vst v63  }
0x79: {  	s6 =	sand.u32 @!p0 $0xFF, s6;
	_ =	swait.ge [sflag:s17], $0x4000  }
0x7a: {  	s6 =	sshll.u32 @!p0 s6, $0xA;
	[sflag:s17] =	ssyncset.done $0x0  }
0x7b: {  	s16 =	simm.s32 @!p0 $0x1800;
	s15 =	simm.s32 @!p0 $0x80;
	[sflag:s17] =	ssyncadd.s32 $0xFFFFC000  }
0x7c: {  	[tilespmem:s16], [sflag:$0x1] =	stream.indirect.gather @!p0 [hbm4b:s4+s15], $0x80, s6, s15, $0xb8;
	[tilespmem:$0x1D800] =	vst v63  }
0x7d: {  	_ =	swait.ge [sflag:s28], $0x4000  }
0x7e: {  	p6 =	por $0x0, $0x0;
	[sflag:s28] =	ssyncset.done $0x0  }
0x7f: {  	s16 =	sadd.s32 $0xC00, s12;
	s6 =	simm.s32 $0x1;
	[sflag:s28] =	ssyncadd.s32 $0xFFFFC000  }
0x80: {  	[spmem:s1] =	stream.indirect.scatter.add.f32 [tilespmem:s31], [sflag:$0x3], $0x80, s16, s29, $0xb8;
	[tilespmem:$0x1D800] =	vst v63  }
0x81: {  	p0 =	por p6, p6;
	s15 =	smov.u32 s3;
	s16 =	smov.u32 s26  }
.LBB2_2:
0x82: {  	s7 =	smul.u32 $0xAB, s6  }
0x83: {  	p1 =	seq.s32 s6, $0x9;
	_ =	swait.ge [sflag:s17], $0x4000;
	s8 =	smov.u32 s6  }
0x84: {  	s6 =	sadd.s32 $0x1, s6;
	s9 =	simm.s32 @!p0 $0x0;
	[sflag:s17] =	ssyncset.done $0x0  }
0x85: {  	p3 =	sgt.u32 s8, $0x6;
	s7 =	sshrl.u32 s7, $0x9;
	[sflag:s17] =	ssyncadd.s32 $0xFFFFC000  }
0x86: {  	[tilespmem:s20], [sflag:$0x2] =	stream.linear.gather @!p0 [hbm4b:s16+s9], $0x400, $0x38;
	[tilespmem:$0x1D800] =	vst v63  }
0x87: {  	s10 =	sadd.s32 @!p1 $0x1, s8;
	p2 =	sne.s32 s6, $0xA;
	s7 =	sand.u32 $0x7F, s7  }
0x88: {  	s12 =	simm.s32 @!p1 $0x2;
	s20 =	sand.u32 @!p1 $0xFF, s10;
	s7 =	smul.u32 $0x3, s7  }
0x89: {  	[tilespmem:s21], [sflag:$0x2] =	stream.linear.gather @!p0 [hbm4b:s15+s9], $0x400, $0x38;
	[tilespmem:$0x1D800] =	vst v63  }
0x8a: {  	s9 =	smul.u32 @!p1 $0xAB, s20;
	p0 =	por p3, p3;
	_ =	swait.ge @!p1 [sflag:s12], $0x400  }
0x8b: {  	s7 =	ssub.s32 s8, s7;
	[sflag:s12] =	ssyncset.done @!p1 $0x0  }
0x8c: {  	s7 =	sand.u32 $0xFF, s7;
	s8 =	sshrl.u32 @!p1 s9, $0x9;
	[sflag:s12] =	ssyncadd.s32 @!p1 $0xFFFFFC00  }
0x8d: {  	s20 =	sshll.u32 s7, $0xA;
	s7 =	smul.u32 @!p1 $0x3, s8;
	_ =	swait.ge @!p1 [sflag:s12], $0x400  }
0x8e: {  	s8 =	sor.u32 $0x80, s20;
	[sflag:s12] =	ssyncset.done @!p1 $0x0  }
0x8f: {  	s7 =	ssub.s32 @!p1 s10, s7;
	[sflag:s12] =	ssyncadd.s32 @!p1 $0xFFFFFC00  }
0x90: {  	[tilespmem:s31], [sflag:$0x1] =	stream.indirect.gather [hbm4b:s4+s29], $0x80, s8, s29, $0xb8;
	[tilespmem:$0x1D800] =	vst v63  }
0x91: {  	s7 =	sand.u32 @!p1 $0xFF, s7;
	_ =	swait.ge [sflag:s28], $0x4000  }
0x92: {  	s7 =	sshll.u32 @!p1 s7, $0xA;
	[sflag:s28] =	ssyncset.done $0x0  }
0x93: {  	s21 =	sadd.s32 $0xC00, s20;
	[sflag:s28] =	ssyncadd.s32 $0xFFFFC000  }
0x94: {  	[spmem:s1] =	stream.indirect.scatter.add.f32 [tilespmem:s30], [sflag:$0x3], $0x80, s21, s29, $0xb8;
	[tilespmem:$0x1D800] =	vst v63  }
0x95: {  	_ =	swait.ge [sflag:s17], $0x4000  }
0x96: {  	[sflag:s17] =	ssyncset.done $0x0  }
0x97: {  	s8 =	sor.u32 $0x100, s20;
	[sflag:s17] =	ssyncadd.s32 $0xFFFFC000  }
0x98: {  	[tilespmem:s30], [sflag:$0x1] =	stream.indirect.gather [hbm4b:s4+s29], $0x80, s8, s29, $0xb8;
	[tilespmem:$0x1D800] =	vst v63  }
0x99: {  	_ =	swait.ge [sflag:s28], $0x4000  }
0x9a: {  	[sflag:s28] =	ssyncset.done $0x0  }
0x9b: {  	s8 =	sadd.s32 $0xC80, s20;
	[sflag:s28] =	ssyncadd.s32 $0xFFFFC000  }
0x9c: {  	[spmem:s1] =	stream.indirect.scatter.add.f32 [tilespmem:s31], [sflag:$0x3], $0x80, s8, s29, $0xb8;
	[tilespmem:$0x1D800] =	vst v63  }
0x9d: {  	_ =	swait.ge [sflag:s17], $0x4000  }
0x9e: {  	[sflag:s17] =	ssyncset.done $0x0  }
0x9f: {  	s8 =	sor.u32 $0x180, s20;
	[sflag:s17] =	ssyncadd.s32 $0xFFFFC000  }
0xa0: {  	[tilespmem:s31], [sflag:$0x1] =	stream.indirect.gather [hbm4b:s4+s29], $0x80, s8, s29, $0xb8;
	[tilespmem:$0x1D800] =	vst v63  }
0xa1: {  	_ =	swait.ge [sflag:s28], $0x4000  }
0xa2: {  	[sflag:s28] =	ssyncset.done $0x0  }
0xa3: {  	s8 =	sadd.s32 $0xD00, s20;
	[sflag:s28] =	ssyncadd.s32 $0xFFFFC000  }
0xa4: {  	[spmem:s1] =	stream.indirect.scatter.add.f32 [tilespmem:s30], [sflag:$0x3], $0x80, s8, s29, $0xb8;
	[tilespmem:$0x1D800] =	vst v63  }
0xa5: {  	_ =	swait.ge [sflag:s17], $0x4000  }
0xa6: {  	[sflag:s17] =	ssyncset.done $0x0  }
0xa7: {  	s8 =	sor.u32 $0x200, s20;
	[sflag:s17] =	ssyncadd.s32 $0xFFFFC000  }
0xa8: {  	[tilespmem:s30], [sflag:$0x1] =	stream.indirect.gather [hbm4b:s4+s29], $0x80, s8, s29, $0xb8;
	[tilespmem:$0x1D800] =	vst v63  }
0xa9: {  	_ =	swait.ge [sflag:s28], $0x4000  }
0xaa: {  	[sflag:s28] =	ssyncset.done $0x0  }
0xab: {  	s8 =	sadd.s32 $0xD80, s20;
	[sflag:s28] =	ssyncadd.s32 $0xFFFFC000  }
0xac: {  	[spmem:s1] =	stream.indirect.scatter.add.f32 [tilespmem:s31], [sflag:$0x3], $0x80, s8, s29, $0xb8;
	[tilespmem:$0x1D800] =	vst v63  }
0xad: {  	_ =	swait.ge [sflag:s17], $0x4000  }
0xae: {  	[sflag:s17] =	ssyncset.done $0x0  }
0xaf: {  	s8 =	sor.u32 $0x280, s20;
	[sflag:s17] =	ssyncadd.s32 $0xFFFFC000  }
0xb0: {  	[tilespmem:s31], [sflag:$0x1] =	stream.indirect.gather [hbm4b:s4+s29], $0x80, s8, s29, $0xb8;
	[tilespmem:$0x1D800] =	vst v63  }
0xb1: {  	_ =	swait.ge [sflag:s28], $0x4000  }
0xb2: {  	[sflag:s28] =	ssyncset.done $0x0  }
0xb3: {  	s8 =	sadd.s32 $0xE00, s20;
	[sflag:s28] =	ssyncadd.s32 $0xFFFFC000  }
0xb4: {  	[spmem:s1] =	stream.indirect.scatter.add.f32 [tilespmem:s30], [sflag:$0x3], $0x80, s8, s29, $0xb8;
	[tilespmem:$0x1D800] =	vst v63  }
0xb5: {  	_ =	swait.ge [sflag:s17], $0x4000  }
0xb6: {  	[sflag:s17] =	ssyncset.done $0x0  }
0xb7: {  	s8 =	sor.u32 $0x300, s20;
	[sflag:s17] =	ssyncadd.s32 $0xFFFFC000  }
0xb8: {  	[tilespmem:s30], [sflag:$0x1] =	stream.indirect.gather [hbm4b:s4+s29], $0x80, s8, s29, $0xb8;
	[tilespmem:$0x1D800] =	vst v63  }
0xb9: {  	_ =	swait.ge [sflag:s28], $0x4000  }
0xba: {  	[sflag:s28] =	ssyncset.done $0x0  }
0xbb: {  	s8 =	sadd.s32 $0xE80, s20;
	[sflag:s28] =	ssyncadd.s32 $0xFFFFC000  }
0xbc: {  	[spmem:s1] =	stream.indirect.scatter.add.f32 [tilespmem:s31], [sflag:$0x3], $0x80, s8, s29, $0xb8;
	[tilespmem:$0x1D800] =	vst v63  }
0xbd: {  	_ =	swait.ge [sflag:s17], $0x4000  }
0xbe: {  	[sflag:s17] =	ssyncset.done $0x0  }
0xbf: {  	s8 =	sor.u32 $0x380, s20;
	[sflag:s17] =	ssyncadd.s32 $0xFFFFC000  }
0xc0: {  	[tilespmem:s31], [sflag:$0x1] =	stream.indirect.gather [hbm4b:s4+s29], $0x80, s8, s29, $0xb8;
	[tilespmem:$0x1D800] =	vst v63  }
0xc1: {  	_ =	swait.ge [sflag:s28], $0x4000  }
0xc2: {  	[sflag:s28] =	ssyncset.done $0x0  }
0xc3: {  	s9 =	sadd.s32 $0xF00, s20;
	[sflag:s28] =	ssyncadd.s32 $0xFFFFC000  }
0xc4: {  	[spmem:s1] =	stream.indirect.scatter.add.f32 [tilespmem:s30], [sflag:$0x3], $0x80, s9, s29, $0xb8;
	[tilespmem:$0x1D800] =	vst v63  }
0xc5: {  	s10 =	simm.s32 @!p1 $0x1800;
	s9 =	simm.s32 @!p1 $0x80;
	_ =	swait.ge [sflag:s17], $0x4000  }
0xc6: {  	[sflag:s17] =	ssyncset.done $0x0  }
0xc7: {  	[sflag:s17] =	ssyncadd.s32 $0xFFFFC000  }
0xc8: {  	[tilespmem:s10], [sflag:$0x1] =	stream.indirect.gather @!p1 [hbm4b:s4+s9], $0x80, s7, s9, $0xb8;
	[tilespmem:$0x1D800] =	vst v63  }
.Ltmp0:
0xc9: {  	_ = 	snop;
	(pc) =	sbr.rel @p2 .LBB2_2-.Ltmp0, $4  }
0xca: {  	_ =	swait.ge [sflag:s28], $0x4000  }
0xcb: {  	s15 =	sadd.s32 $0x80, s15;
	[sflag:s28] =	ssyncset.done $0x0  }
0xcc: {  	s16 =	sadd.s32 $0x80, s16;
	s7 =	sadd.s32 $0xC00, s8;
	[sflag:s28] =	ssyncadd.s32 $0xFFFFC000  }
0xcd: {  	[spmem:s1] =	stream.indirect.scatter.add.f32 [tilespmem:s31], [sflag:$0x3], $0x80, s7, s29, $0xb8;
	[tilespmem:$0x1D800] =	vst v63  }
0xce: {  	_ =	swait.ge [sflag:s17], $0x4000  }
0xcf: {  	[sflag:s17] =	ssyncset.done $0x0  }
0xd0: {  	s6 =	simm.s32 @!p0 $0x0;
	[sflag:s17] =	ssyncadd.s32 $0xFFFFC000  }
0xd1: {  	[tilespmem:s20], [sflag:$0x2] =	stream.linear.gather @!p0 [hbm4b:s16+s6], $0x400, $0x38;
	[tilespmem:$0x1D800] =	vst v63  }
0xd2: {  	s0 =	sadd.s32 $0x1, s0  }
0xd3: {  	[tilespmem:s21], [sflag:$0x2] =	stream.linear.gather @!p0 [hbm4b:s15+s6], $0x400, $0x38;
	[tilespmem:$0x1D800] =	vst v63  }
0xd4: {  	p0 =	sne.s32 s0, s14  }
.Ltmp1:
0xd5: {  	s21 =	sor.u32 $0x1C03, s18;
	[bflag:$0x0] =	sbarrier.arrive $0xFFFF;
	(pc) =	sbr.rel @p0 .LBB2_1-.Ltmp1, $4  }
0xd6: {  	[hbm:s13], [sflag:s21] =	dma.local [spmem:s19], $0x2800  }
0xd7: {  	_ =	swait.ge [sflag:s17], $0x2800  }
0xd8: {  	[sflag:s17] =	ssyncset.done $0x0  }
0xd9: {  	[sflag:s17] =	ssyncadd.s32 $0xFFFFD800  }
0xda: {  	_ =	sfence.sel $0x180000  }
0xdb: {  	[bflag:$0x0] =	sbarrier.arrive $0xFFFF  }
0xdc: {  	_ =	strace $0x9000004D  }
0xdd: {  	s0 =	stileid.u32;
	[bflag:$0x2] =	sbarrier.arrive $0xFFFF  }
0xde: {  	p0 =	sne.s32 s0, $0x0;
	s0 =	rddreg [dreg:$0x2]  }
0xdf: {  	s0 =	sadd.s32 @!p0 $0x100000, s0  }
0xe0: {  	[sflag:s0] =	ssyncadd.tile.s32 @!p0 $0x1;
	_ =	shalt  }
.Lfunc_end2:
_tile_overlayer_lowered:
.L_overlay_start_2:
0xe1: {  	(tag) =	ssettag $0x2  }
0xe2: {  	s0 =	rddreg [dreg:$0x0];
	s2 =	stileid.u32  }
0xe3: {  	s1 =	rddreg [dreg:$0x1];
	p0 =	sne.s32 s2, $0x0  }
0xe4: {  	s3 =	rddreg [dreg:$0x2];
	[bflag:$0x3] =	sbarrier.arrive $0xFFFF;
	s2 =	simm.s32 @!p0 $0x1C03  }
0xe5: {  	[timem:s3], [sflag:s2] =	dma.local @!p0 [hbm:s0], s1  }
0xe6: {  	s0 =	simm.s32 @!p0 $0x3  }
0xe7: {  	_ =	swait.ge @!p0 [sflag:s0], s1  }
0xe8: {  	s1 =	ssub.s32 @!p0 $0x0, s1;
	[sflag:s0] =	ssyncset.done @!p0 $0x0  }
0xe9: {  	[sflag:s0] =	ssyncadd.s32 @!p0 s1  }
0xea: {  	[bflag:$0x3] =	sbarrier.arrive $0xFFFF  }
0xeb: {  	_ =	shalt  }

// kernel: kernel.8.cloned.1.call-start
scs
__scs_entry_jumppad:
0x0: {  	(pc) =	sbr.rel $0x88, $3  }
0x1: {  	(tag) =	ssettag $0x0;
	lr =	simm.s32 $0x1  }
0x2: {  	[smem:$0x3F9A] =	sst lr;
	_ =	strace $0xD0000000  }
0x3: {  	_ = 	snop  }
0x4: {  	_ = 	snop  }
0x5: {  	_ = 	snop  }
0x6: {  	_ = 	snop  }
0x7: {  	_ = 	snop  }
__scs_overlays_trampoline_lowered:
0x8: {  	[smem:$0x3FA9] =	sst s0  }
0x9: {  	[smem:$0x3FAA] =	sst s1  }
0xa: {  	[smem:$0x3FAB] =	sst s2  }
0xb: {  	[smem:$0x3FAC] =	sst s3  }
0xc: {  	[smem:$0x3FAD] =	sst s4  }
0xd: {  	[smem:$0x3FAE] =	sst s5  }
0xe: {  	[smem:$0x3FAF] =	sst s6  }
0xf: {  	[smem:$0x3FB0] =	sst s7  }
0x10: {  	[smem:$0x3FB1] =	sst s8  }
0x11: {  	[smem:$0x3FB2] =	sst s9;
	s0 =	simm.s32 @!p0 $0x0  }
0x12: {  	s1 =	sld [smem:$0x3F98];
	s0 =	simm.s32 @p0 $0x1  }
0x13: {  	[smem:$0x3FB3] =	sst s0;
	s0 =	simm.s32 @!p1 $0x0  }
0x14: {  	s2 =	sld [smem:$0x3F97];
	s0 =	simm.s32 @p1 $0x1  }
0x15: {  	[smem:$0x3FB4] =	sst s0;
	s0 =	simm.s32 @!p2 $0x0  }
0x16: {  	s3 =	sld [smem:$0x3FDB];
	s0 =	simm.s32 @p2 $0x1  }
0x17: {  	s4 =	simm.s32 $0x1BF5;
	[smem:$0x3FB6] =	sst s0  }
0x18: {  	s0 =	sld [smem:$0x3F99];
	_ =	swait.ge [sflag:s4], $0x0  }
0x19: {  	s7 =	sld [smem:$0x3F9A]  }
0x1a: {  	s8 =	sadd.s32 $0xFFFFE003, lr  }
0x1b: {  	s9 =	sadd.s32 $0xFFFFFEF7, lr;
	s5 =	simm.s32 $0xFFFFFFFF;
	p2 =	slt.u32 s8, $0xFFFFF086  }
0x1c: {  	p1 =	slt.u32 s9, $0xF7A;
	s5 =	simm.s32 @!p2 $0x0  }
0x1d: {  	s5 =	simm.s32 @p1 $0x1;
	p0 =	seq.s32 s7, s2  }
0x1e: {  	s7 =	smul.u32 @!p0 $0xF7A, s2;
	p2 =	seq.s32 @!p0 s5, $0x0  }
0x1f: {  	s9 =	smul.u32 $0xF7A, s1;
	s8 =	simm.s32 @!p0 $0x1BF5;
	p2 =	por !p2, p0  }
0x20: {  	[sflag:s8] =	ssyncset.s32 @!p0 $0xFFFFF086;
	s6 =	sadd.s32 @!p0 s3, s7;
	s7 =	simm.s32 @!p0 $0x108  }
0x21: {  	s3 =	sadd.s32 s3, s9;
	s6 =	sadd.s32 @!p0 $0x88, s6;
	s7 =	simm.s32 @p2 $0x1082  }
0x22: {  	[simem:s7], [sflag:s8] =	dma.local @!p0 [hbm:s6], $0xF7A  }
0x23: {  	s9 =	sor.u32 $0xD0000000, s2;
	s6 =	simm.s32 $0x108;
	_ =	swait.ge @!p0 [sflag:s8], $0x0  }
0x24: {  	s3 =	sadd.s32 $0x88, s3;
	s6 =	simm.s32 @!p1 $0x1082;
	[sflag:s4] =	ssyncset.s32 $0xFFFFF086  }
0x25: {  	[simem:s6], [sflag:s4] =	dma.local [hbm:s3], $0xF7A  }
0x26: {  	[smem:$0x3F9A] =	sst s1;
	(tag) =	ssettag s2;
	_ =	strace s9  }
0x27: {  	s1 =	sld [smem:$0x3FAA]  }
0x28: {  	s2 =	sld [smem:$0x3FAB]  }
0x29: {  	s4 =	sld [smem:$0x3FAD]  }
0x2a: {  	p0 =	seq.s32 s5, $0x0;
	s5 =	sld [smem:$0x3FAE]  }
0x2b: {  	s6 =	sld [smem:$0x3FAF]  }
0x2c: {  	s7 =	sld [smem:$0x3FB0]  }
0x2d: {  	s3 =	simm.s32 $0x108;
	s8 =	sld [smem:$0x3FB1]  }
0x2e: {  	s3 =	simm.s32 @!p0 $0x1082;
	s9 =	sld [smem:$0x3FB2]  }
0x2f: {  	lr =	sadd.s32 s0, s3;
	s0 =	sld [smem:$0x3FA9]  }
0x30: {  	s3 =	sld [smem:$0x3FAC]  }
0x31: {  	[smem:$0x3FB5] =	sst s10  }
0x32: {  	s10 =	sld [smem:$0x3FB3];
	_ =	sdelay $0x3  }
0x33: {  	p0 =	seq.s32 s10, $0x1;
	s10 =	sld [smem:$0x3FB5];
	_ =	sdelay $0x3  }
0x34: {  	[smem:$0x3FB5] =	sst s10  }
0x35: {  	s10 =	sld [smem:$0x3FB4];
	_ =	sdelay $0x3  }
0x36: {  	p1 =	seq.s32 s10, $0x1;
	s10 =	sld [smem:$0x3FB5];
	_ =	sdelay $0x3  }
0x37: {  	[smem:$0x3FB5] =	sst s10  }
0x38: {  	s10 =	sld [smem:$0x3FB6]  }
0x39: {  	_ = 	snop;
	(pc) =	sbr.ind lr, $3  }
0x3a: {  	_ = 	snop  }
0x3b: {  	_ = 	snop  }
0x3c: {  	p2 =	seq.s32 s10, $0x1;
	s10 =	sld [smem:$0x3FB5]  }
0x3d: {  	_ =	shalt  }
0x3e: {  	_ =	shalt  }
0x3f: {  	_ =	shalt  }
0x40: {  	_ =	shalt  }
0x41: {  	_ =	shalt  }
0x42: {  	_ =	shalt  }
0x43: {  	_ =	shalt  }
0x44: {  	_ =	shalt  }
0x45: {  	_ =	shalt  }
0x46: {  	_ =	shalt  }
0x47: {  	_ =	shalt  }
0x48: {  	_ =	shalt  }
0x49: {  	_ =	shalt  }
0x4a: {  	_ =	shalt  }
0x4b: {  	_ =	shalt  }
0x4c: {  	_ =	shalt  }
0x4d: {  	_ =	shalt  }
0x4e: {  	_ =	shalt  }
0x4f: {  	_ =	shalt  }
0x50: {  	_ =	shalt  }
0x51: {  	_ =	shalt  }
0x52: {  	_ =	shalt  }
0x53: {  	_ =	shalt  }
0x54: {  	_ =	shalt  }
0x55: {  	_ =	shalt  }
0x56: {  	_ =	shalt  }
0x57: {  	_ =	shalt  }
0x58: {  	_ =	shalt  }
0x59: {  	_ =	shalt  }
0x5a: {  	_ =	shalt  }
0x5b: {  	_ =	shalt  }
0x5c: {  	_ =	shalt  }
0x5d: {  	_ =	shalt  }
0x5e: {  	_ =	shalt  }
0x5f: {  	_ =	shalt  }
0x60: {  	_ =	shalt  }
0x61: {  	_ =	shalt  }
0x62: {  	_ =	shalt  }
0x63: {  	_ =	shalt  }
0x64: {  	_ =	shalt  }
0x65: {  	_ =	shalt  }
0x66: {  	_ =	shalt  }
0x67: {  	_ =	shalt  }
0x68: {  	_ =	shalt  }
0x69: {  	_ =	shalt  }
0x6a: {  	_ =	shalt  }
0x6b: {  	_ =	shalt  }
0x6c: {  	_ =	shalt  }
0x6d: {  	_ =	shalt  }
0x6e: {  	_ =	shalt  }
0x6f: {  	_ =	shalt  }
0x70: {  	_ =	shalt  }
0x71: {  	_ =	shalt  }
0x72: {  	_ =	shalt  }
0x73: {  	_ =	shalt  }
0x74: {  	_ =	shalt  }
0x75: {  	_ =	shalt  }
0x76: {  	_ =	shalt  }
0x77: {  	_ =	shalt  }
0x78: {  	_ =	shalt  }
0x79: {  	_ =	shalt  }
0x7a: {  	_ =	shalt  }
0x7b: {  	_ =	shalt  }
0x7c: {  	_ =	shalt  }
0x7d: {  	_ =	shalt  }
0x7e: {  	_ =	shalt  }
0x7f: {  	_ =	shalt  }
0x80: {  	_ =	shalt  }
0x81: {  	_ =	shalt  }
0x82: {  	_ =	shalt  }
0x83: {  	_ =	shalt  }
0x84: {  	_ =	shalt  }
0x85: {  	_ =	shalt  }
0x86: {  	_ =	shalt  }
0x87: {  	_ =	shalt  }
.Lfunc_end0:
.L_simem_size_0:
called_computation_lowered:
.L_overlay_start_0:
0x88: {  	s2 =	sld [smem:$0x3FD9]  }
0x89: {  	s3 =	sld [smem:$0x3FFE];
	_ =	sdelay $0x1  }
0x8a: {  	s1 =	srdreg.scid  }
0x8b: {  	s0 =	sand.u32 $0x1, s1  }
0x8c: {  	s16 =	sshll.u32 s0, $0xA;
	s2 =	sadd.s32 s3, s2  }
0x8d: {  	s2 =	sadd.s32 s2, s16  }
0x8e: {  	[smem:$0x3FC1] =	sst s2  }
0x8f: {  	_ = 	snop  }
0x90: {  	(tm) =	ssettm $0x1  }
0x91: {  	s17 =	sld [smem:$0x3FFB];
	_ =	sdelay $0x3  }
0x92: {  	_ =	strace s17  }
0x93: {  	s2 =	sld [smem:$0x3FFC];
	_ =	sdelay $0x3  }
0x94: {  	_ =	strace s2  }
0x95: {  	s2 =	sld [smem:$0x3FFD];
	_ =	sdelay $0x3  }
0x96: {  	_ =	strace s2  }
0x97: {  	_ =	strace $0x8FFFFFFF  }
0x98: {  	s18 =	sld [smem:$0x3FDB];
	_ =	sdelay $0x1  }
0x99: {  	s19 =	simm.s32 $_scs_section_size  }
0x9a: {  	s4 =	simm.s32 $_size__tile_overlayer_lowered;
	s5 =	simm.s32 $_tile_overlayer_lowered  }
0x9b: {  	s22 =	simm.s32 $0x1BFF;
	s21 =	sshll.u32 s5, $0x1;
	s2 =	sadd.s32 s19, s18  }
0x9c: {  	s6 =	simm.s32 $0x0;
	s20 =	sshll.u32 s4, $0x1;
	s4 =	sadd.s32 s21, s2  }
0x9d: {  	[timem:s6], [sflag:s22] =	dma.local [hbm:s4], s20  }
0x9e: {  	_ =	swait.ge [sflag:s22], s20  }
0x9f: {  	s3 =	ssub.s32 $0x0, s20;
	[sflag:s22] =	ssyncset.done $0x0  }
0xa0: {  	[sflag:s22] =	ssyncadd.s32 s3;
	_ =	sdelay $0x1  }
0xa1: {  	s23 =	simm.s32 $0x1B8B  }
0xa2: {  	_ =	swait.ge [sflag:s23], $0x1  }
0xa3: {  	[sflag:s23] =	ssyncset.done $0x0  }
0xa4: {  	s25 =	simm.s32 $0x1B8E;
	s24 =	sld [smem:$0x3FFE];
	[sflag:s23] =	ssyncadd.s32 $0xFFFFFFFF  }
0xa5: {  	s26 =	simm.s32 $execute0_lowered;
	[smem:$0x3FD2] =	sst s25  }
0xa6: {  	s4 =	sshll.u32 s26, $0x1;
	_ =	strace $0x80000046;
	[dreg:$0x1] =	wrdreg $0xFFFFFFFF  }
0xa7: {  	s28 =	simm.s32 $_size_execute0_lowered;
	s2 =	sadd.s32 s2, s4;
	[dreg:$0x0] =	wrdreg $0x0  }
0xa8: {  	s4 =	sshll.u32 s28, $0x1;
	[dreg:$0x2] =	wrdreg s2  }
0xa9: {  	[dreg:$0x3] =	wrdreg s4  }
0xaa: {  	[dreg:$0x4] =	wrdreg $0xC0  }
0xab: {  	_ =	task [dreg:s6], $0x5FFFF  }
0xac: {  	[dreg:$0x1] =	wrdreg $0xFFFFFFFF  }
0xad: {  	[dreg:$0x0] =	wrdreg $0x60  }
0xae: {  	[dreg:$0x2] =	wrdreg s24  }
0xaf: {  	[dreg:$0x3] =	wrdreg $0x2B000  }
0xb0: {  	[dreg:$0x4] =	wrdreg $0x9  }
0xb1: {  	_ =	task.clear_ibuf [dreg:s6], $0x5FFFF;
	_ =	strace $0x90000046  }
0xb2: {  	s29 =	simm.s32 $0x9;
	_ =	strace $0x80000048  }
0xb3: {  	_ =	swait.ge [sflag:s29], $0x1  }
0xb4: {  	[sflag:s29] =	ssyncadd.s32 $0xFFFFFFFF  }
0xb5: {  	_ =	strace $0x90000048  }
0xb6: {  	_ =	sfence  }
0xb7: {  	s30 =	sld [smem:$0x0];
	_ =	sdelay $0x2  }
0xb8: {  	s31 =	sshll.u32 s1, $0xD;
	s1 =	sshrl.u32 s1, $0x2  }
0xb9: {  	s3 =	sand.u32 $0x4000, s31;
	s1 =	sadd.s32 s1, s30  }
0xba: {  	s0 =	sor.u32 s3, s0;
	s1 =	sshll.u32 s1, $0x11  }
0xbb: {  	s0 =	sor.u32 s1, s0  }
0xbc: {  	s0 =	sadd.s32 $0x8F2B, s0  }
0xbd: {  	[sflag:s0] =	ssyncadd.remote.s32 $0x1  }
0xbe: {  	_ =	sfence.sel $0xFFFF  }
0xbf: {  	[dreg:$0x0] =	wrdreg $0xFFFFFFFF;
	(pc) =	sbr.abs _section_cstart, $3  }
0xc0: {  	[dreg:$0x1] =	wrdreg $0xFFFFFFFF  }
0xc1: {  	_ =	task.clear_ibuf [dreg:s6], $0x2FFFF;
	_ =	strace $0x9FFFFFFF  }
0xc2: {  	(tm) =	ssettm $0x7FFFFFFF  }
0xc3: {  	_ =	shalt  }
tec
execute0_lowered:
.L_overlay_start_1:
0x0: {  	(tag) =	ssettag $0x1  }
0x1: {  	s4 =	rddreg [dreg:$0x0]  }
0x2: {  	s1 =	rddreg [dreg:$0x1]  }
0x3: {  	s2 =	srdreg.scid;
	s0 =	rddreg [dreg:$0x2];
	s3 =	simm.s32 $0x0  }
0x4: {  	s10 =	simm.s32 $0x80;
	s11 =	simm.s32 $0x2800;
	s12 =	simm.s32 $0x1  }
0x5: {  	s15 =	simm.s32 $0x20;
	s16 =	simm.s32 $0x10;
	s17 =	simm.s32 $0x0  }
0x6: {  	s5 =	sand.u32 $0x1, s2;
	s2 =	stileid.u32;
	[smem:$0x7FF] =	sst s3  }
0x7: {  	s6 =	sshll.u32 s5, $0x4;
	s7 =	smul.u32 $0x500, s2;
	_ =	strace $0x80000047  }
0x8: {  	s8 =	sshll.u32 s5, $0x7;
	s5 =	ssub.s32 $0x2, s5;
	s30 =	smul.u32 $0xA00, s2  }
0x9: {  	s13 =	sshll.u32 s2, $0x6;
	s6 =	sor.u32 s2, s6;
	s9 =	sshrl.u32 s5, $0x1  }
0xa: {  	s13 =	sor.u32 $0x1C02, s13;
	s6 =	smul.u32 $0x500, s6;
	s7 =	sor.u32 s8, s7  }
0xb: {  	s9 =	ssub.s32 s5, s9;
	s31 =	sshrl.u32 s30, $0x2;
	s8 =	simm.s32 $0x2  }
0xc: {  	s7 =	sshrl.u32 s7, $0x3;
	s5 =	sadd.s32 s31, s1;
	s6 =	sadd.s32 s6, s4  }
0xd: {  	s7 =	sadd.s32 s7, s4;
	s14 =	sshrl.u32 s5, $0x3;
	s4 =	sadd.s32 $0xCA00, s6  }
0xe: {  	v0 =	vimm.f32 $1.000000000e+00;
	v1 =	vimm.f32 $0.0e+00;
	s6 =	sadd.s32 $0x16A00, s7;
	s7 =	smax.u32 s9, $0x1;
	s9 =	simm.s32 $0x2880  }
.LBB2_1:
0xf: {  	[tilespmem:s3], [sflag:$0x2] =	stream.linear.gather [hbm4b:s4+s3], $0x2800, $0x38;
	[tilespmem:$0x2D80] =	vst v63  }
0x10: {  	_ =	swait.ge [sflag:s8], $0x2800  }
0x11: {  	[sflag:s8] =	ssyncset.done $0x0  }
0x12: {  	[sflag:s8] =	ssyncadd.s32 $0xFFFFD800  }
0x13: {  	[tilespmem:$0x2800] =	vst v0  }
0x14: {  	[tilespmem:$0x2810] =	vst v0  }
0x15: {  	[tilespmem:$0x2820] =	vst v0  }
0x16: {  	[tilespmem:$0x2830] =	vst v0  }
0x17: {  	[tilespmem:$0x2840] =	vst v0  }
0x18: {  	[tilespmem:$0x2850] =	vst v0  }
0x19: {  	[tilespmem:$0x2860] =	vst v0  }
0x1a: {  	[tilespmem:$0x2870] =	vst v0  }
0x1b: {  	[tilespmem:$0x2880] =	vst v1  }
0x1c: {  	[tilespmem:$0x2890] =	vst v1  }
0x1d: {  	[tilespmem:$0x28A0] =	vst v1  }
0x1e: {  	[tilespmem:$0x28B0] =	vst v1  }
0x1f: {  	[tilespmem:$0x28C0] =	vst v1  }
0x20: {  	[tilespmem:$0x28D0] =	vst v1  }
0x21: {  	[tilespmem:$0x28E0] =	vst v1  }
0x22: {  	[tilespmem:$0x28F0] =	vst v1  }
0x23: {  	[tilespmem:$0x2900] =	vst v1  }
0x24: {  	[tilespmem:$0x2910] =	vst v1  }
0x25: {  	[tilespmem:$0x2920] =	vst v1  }
0x26: {  	[tilespmem:$0x2930] =	vst v1  }
0x27: {  	[tilespmem:$0x2940] =	vst v1  }
0x28: {  	[tilespmem:$0x2950] =	vst v1  }
0x29: {  	[tilespmem:$0x2960] =	vst v1  }
0x2a: {  	[tilespmem:$0x2970] =	vst v1  }
0x2b: {  	[tilespmem:$0x2980] =	vst v1  }
0x2c: {  	[tilespmem:$0x2990] =	vst v1  }
0x2d: {  	[tilespmem:$0x29A0] =	vst v1  }
0x2e: {  	[tilespmem:$0x29B0] =	vst v1  }
0x2f: {  	[tilespmem:$0x29C0] =	vst v1  }
0x30: {  	[tilespmem:$0x29D0] =	vst v1  }
0x31: {  	[tilespmem:$0x29E0] =	vst v1  }
0x32: {  	[tilespmem:$0x29F0] =	vst v1  }
0x33: {  	[tilespmem:$0x2A00] =	vst v1  }
0x34: {  	[tilespmem:$0x2A10] =	vst v1  }
0x35: {  	[tilespmem:$0x2A20] =	vst v1  }
0x36: {  	[tilespmem:$0x2A30] =	vst v1  }
0x37: {  	[tilespmem:$0x2A40] =	vst v1  }
0x38: {  	[tilespmem:$0x2A50] =	vst v1  }
0x39: {  	[tilespmem:$0x2A60] =	vst v1  }
0x3a: {  	[tilespmem:$0x2A70] =	vst v1  }
0x3b: {  	[tilespmem:$0x2A80] =	vst v1  }
0x3c: {  	[tilespmem:$0x2A90] =	vst v1  }
0x3d: {  	[tilespmem:$0x2AA0] =	vst v1  }
0x3e: {  	[tilespmem:$0x2AB0] =	vst v1  }
0x3f: {  	[tilespmem:$0x2AC0] =	vst v1  }
0x40: {  	[tilespmem:$0x2AD0] =	vst v1  }
0x41: {  	[tilespmem:$0x2AE0] =	vst v1  }
0x42: {  	[tilespmem:$0x2AF0] =	vst v1  }
0x43: {  	[spmem:s5] =	stream.linear.scatter [tilespmem:s9], [sflag:$0x2], $0x280, $0x38;
	[tilespmem:$0x2D80] =	vst v63  }
0x44: {  	_ =	swait.ge [sflag:s8], $0x280  }
0x45: {  	[sflag:s8] =	ssyncset.done $0x0  }
0x46: {  	[sflag:s8] =	ssyncadd.s32 $0xFFFFFD80  }
0x47: {  	s18 =	simm.s32 $0x0;
	[bflag:$0x0] =	sbarrier.arrive $0xFFFF  }
0x48: {  	[spmem:s1] =	stream.indirect.scatter.add.f32 [tilespmem:s11], [sflag:$0x1], $0x1, s18, s10, $0xb8;
	[tilespmem:$0x2D80] =	vst v63  }
0x49: {  	s24 =	simm.s32 $0x80  }
0x4a: {  	[spmem:s1] =	stream.indirect.scatter.add.f32 [tilespmem:s11], [sflag:$0x1], $0x1, s24, s10, $0xb8;
	[tilespmem:$0x2D80] =	vst v63  }
0x4b: {  	s25 =	simm.s32 $0x100  }
0x4c: {  	[spmem:s1] =	stream.indirect.scatter.add.f32 [tilespmem:s11], [sflag:$0x1], $0x1, s25, s10, $0xb8;
	[tilespmem:$0x2D80] =	vst v63  }
0x4d: {  	s26 =	simm.s32 $0x180  }
0x4e: {  	[spmem:s1] =	stream.indirect.scatter.add.f32 [tilespmem:s11], [sflag:$0x1], $0x1, s26, s10, $0xb8;
	[tilespmem:$0x2D80] =	vst v63  }
0x4f: {  	s28 =	simm.s32 $0x200  }
0x50: {  	[spmem:s1] =	stream.indirect.scatter.add.f32 [tilespmem:s11], [sflag:$0x1], $0x1, s28, s10, $0xb8;
	[tilespmem:$0x2D80] =	vst v63  }
0x51: {  	s29 =	simm.s32 $0x280  }
0x52: {  	[spmem:s1] =	stream.indirect.scatter.add.f32 [tilespmem:s11], [sflag:$0x1], $0x1, s29, s10, $0xb8;
	[tilespmem:$0x2D80] =	vst v63  }
0x53: {  	s30 =	simm.s32 $0x300  }
0x54: {  	[spmem:s1] =	stream.indirect.scatter.add.f32 [tilespmem:s11], [sflag:$0x1], $0x1, s30, s10, $0xb8;
	[tilespmem:$0x2D80] =	vst v63  }
0x55: {  	s31 =	simm.s32 $0x380  }
0x56: {  	[spmem:s1] =	stream.indirect.scatter.add.f32 [tilespmem:s11], [sflag:$0x1], $0x1, s31, s10, $0xb8;
	[tilespmem:$0x2D80] =	vst v63  }
0x57: {  	_ =	swait.ge [sflag:s12], $0x80  }
0x58: {  	[sflag:s12] =	ssyncset.done $0x0  }
0x59: {  	[sflag:s12] =	ssyncadd.s32 $0xFFFFFF80  }
0x5a: {  	_ =	swait.ge [sflag:s12], $0x80  }
0x5b: {  	[sflag:s12] =	ssyncset.done $0x0  }
0x5c: {  	[sflag:s12] =	ssyncadd.s32 $0xFFFFFF80  }
0x5d: {  	_ =	swait.ge [sflag:s12], $0x80  }
0x5e: {  	[sflag:s12] =	ssyncset.done $0x0  }
0x5f: {  	[sflag:s12] =	ssyncadd.s32 $0xFFFFFF80  }
0x60: {  	_ =	swait.ge [sflag:s12], $0x80  }
0x61: {  	[sflag:s12] =	ssyncset.done $0x0  }
0x62: {  	[sflag:s12] =	ssyncadd.s32 $0xFFFFFF80  }
0x63: {  	_ =	swait.ge [sflag:s12], $0x80  }
0x64: {  	[sflag:s12] =	ssyncset.done $0x0  }
0x65: {  	[sflag:s12] =	ssyncadd.s32 $0xFFFFFF80  }
0x66: {  	_ =	swait.ge [sflag:s12], $0x80  }
0x67: {  	[sflag:s12] =	ssyncset.done $0x0  }
0x68: {  	[sflag:s12] =	ssyncadd.s32 $0xFFFFFF80  }
0x69: {  	_ =	swait.ge [sflag:s12], $0x80  }
0x6a: {  	[sflag:s12] =	ssyncset.done $0x0  }
0x6b: {  	[sflag:s12] =	ssyncadd.s32 $0xFFFFFF80  }
0x6c: {  	_ =	swait.ge [sflag:s12], $0x80  }
0x6d: {  	s20 =	simm.s32 $0x2000;
	s18 =	simm.s32 $0x1000;
	[sflag:s12] =	ssyncset.done $0x0  }
.LBB2_2:
0x6e: {  	s21 =	sshra.s32 s18, $0x2  }
0x6f: {  	[sflag:s12] =	ssyncadd.s32 $0xFFFFFF80;
	s18 =	smov.u32 s20;
	s19 =	sadd.s32 $0x1000, s20  }
0x70: {  	[spmem:s1] =	stream.indirect.scatter.add.f32 [tilespmem:s11], [sflag:$0x1], $0x1, s21, s10, $0xb8;
	[tilespmem:$0x2D80] =	vst v63  }
0x71: {  	p0 =	sne.s32 s20, $0x9000;
	s20 =	sadd.s32 $0x80, s21  }
0x72: {  	[spmem:s1] =	stream.indirect.scatter.add.f32 [tilespmem:s11], [sflag:$0x1], $0x1, s20, s10, $0xb8;
	[tilespmem:$0x2D80] =	vst v63  }
0x73: {  	s20 =	sadd.s32 $0x100, s21  }
0x74: {  	[spmem:s1] =	stream.indirect.scatter.add.f32 [tilespmem:s11], [sflag:$0x1], $0x1, s20, s10, $0xb8;
	[tilespmem:$0x2D80] =	vst v63  }
0x75: {  	s20 =	sadd.s32 $0x180, s21  }
0x76: {  	[spmem:s1] =	stream.indirect.scatter.add.f32 [tilespmem:s11], [sflag:$0x1], $0x1, s20, s10, $0xb8;
	[tilespmem:$0x2D80] =	vst v63  }
0x77: {  	s20 =	sadd.s32 $0x200, s21  }
0x78: {  	[spmem:s1] =	stream.indirect.scatter.add.f32 [tilespmem:s11], [sflag:$0x1], $0x1, s20, s10, $0xb8;
	[tilespmem:$0x2D80] =	vst v63  }
0x79: {  	s20 =	sadd.s32 $0x280, s21  }
0x7a: {  	[spmem:s1] =	stream.indirect.scatter.add.f32 [tilespmem:s11], [sflag:$0x1], $0x1, s20, s10, $0xb8;
	[tilespmem:$0x2D80] =	vst v63  }
0x7b: {  	s20 =	sadd.s32 $0x300, s21  }
0x7c: {  	[spmem:s1] =	stream.indirect.scatter.add.f32 [tilespmem:s11], [sflag:$0x1], $0x1, s20, s10, $0xb8;
	[tilespmem:$0x2D80] =	vst v63  }
0x7d: {  	s20 =	sadd.s32 $0x380, s21  }
0x7e: {  	[spmem:s1] =	stream.indirect.scatter.add.f32 [tilespmem:s11], [sflag:$0x1], $0x1, s20, s10, $0xb8;
	[tilespmem:$0x2D80] =	vst v63  }
0x7f: {  	_ =	swait.ge [sflag:s12], $0x80  }
0x80: {  	[sflag:s12] =	ssyncset.done $0x0  }
0x81: {  	[sflag:s12] =	ssyncadd.s32 $0xFFFFFF80  }
0x82: {  	_ =	swait.ge [sflag:s12], $0x80  }
0x83: {  	[sflag:s12] =	ssyncset.done $0x0  }
0x84: {  	[sflag:s12] =	ssyncadd.s32 $0xFFFFFF80  }
0x85: {  	_ =	swait.ge [sflag:s12], $0x80  }
0x86: {  	[sflag:s12] =	ssyncset.done $0x0  }
0x87: {  	[sflag:s12] =	ssyncadd.s32 $0xFFFFFF80  }
0x88: {  	_ =	swait.ge [sflag:s12], $0x80  }
0x89: {  	[sflag:s12] =	ssyncset.done $0x0  }
0x8a: {  	[sflag:s12] =	ssyncadd.s32 $0xFFFFFF80  }
0x8b: {  	_ =	swait.ge [sflag:s12], $0x80  }
0x8c: {  	[sflag:s12] =	ssyncset.done $0x0  }
0x8d: {  	[sflag:s12] =	ssyncadd.s32 $0xFFFFFF80  }
0x8e: {  	_ =	swait.ge [sflag:s12], $0x80  }
0x8f: {  	[sflag:s12] =	ssyncset.done $0x0  }
0x90: {  	[sflag:s12] =	ssyncadd.s32 $0xFFFFFF80  }
.Ltmp0:
0x91: {  	_ =	swait.ge [sflag:s12], $0x80;
	(pc) =	sbr.rel @p0 .LBB2_2-.Ltmp0, $4  }
0x92: {  	[sflag:s12] =	ssyncset.done $0x0  }
0x93: {  	[sflag:s12] =	ssyncadd.s32 $0xFFFFFF80  }
0x94: {  	_ =	swait.ge [sflag:s12], $0x80  }
0x95: {  	s20 =	smov.u32 s19;
	[sflag:s12] =	ssyncset.done $0x0  }
0x96: {  	s18 =	sshra.s32 s18, $0x2;
	[sflag:s12] =	ssyncadd.s32 $0xFFFFFF80  }
0x97: {  	[spmem:s1] =	stream.indirect.scatter.add.f32 [tilespmem:s11], [sflag:$0x1], $0x1, s18, s10, $0xb8;
	[tilespmem:$0x2D80] =	vst v63  }
0x98: {  	s19 =	sadd.s32 $0x80, s18  }
0x99: {  	[spmem:s1] =	stream.indirect.scatter.add.f32 [tilespmem:s11], [sflag:$0x1], $0x1, s19, s10, $0xb8;
	[tilespmem:$0x2D80] =	vst v63  }
0x9a: {  	s26 =	sadd.s32 $0x100, s18  }
0x9b: {  	[spmem:s1] =	stream.indirect.scatter.add.f32 [tilespmem:s11], [sflag:$0x1], $0x1, s26, s10, $0xb8;
	[tilespmem:$0x2D80] =	vst v63  }
0x9c: {  	s28 =	sadd.s32 $0x180, s18  }
0x9d: {  	[spmem:s1] =	stream.indirect.scatter.add.f32 [tilespmem:s11], [sflag:$0x1], $0x1, s28, s10, $0xb8;
	[tilespmem:$0x2D80] =	vst v63  }
0x9e: {  	s29 =	sadd.s32 $0x200, s18  }
0x9f: {  	[spmem:s1] =	stream.indirect.scatter.add.f32 [tilespmem:s11], [sflag:$0x1], $0x1, s29, s10, $0xb8;
	[tilespmem:$0x2D80] =	vst v63  }
0xa0: {  	s30 =	sadd.s32 $0x280, s18  }
0xa1: {  	[spmem:s1] =	stream.indirect.scatter.add.f32 [tilespmem:s11], [sflag:$0x1], $0x1, s30, s10, $0xb8;
	[tilespmem:$0x2D80] =	vst v63  }
0xa2: {  	s31 =	sadd.s32 $0x300, s18  }
0xa3: {  	[spmem:s1] =	stream.indirect.scatter.add.f32 [tilespmem:s11], [sflag:$0x1], $0x1, s31, s10, $0xb8;
	[tilespmem:$0x2D80] =	vst v63  }
0xa4: {  	s18 =	sadd.s32 $0x380, s18  }
0xa5: {  	[spmem:s1] =	stream.indirect.scatter.add.f32 [tilespmem:s11], [sflag:$0x1], $0x1, s18, s10, $0xb8;
	[tilespmem:$0x2D80] =	vst v63  }
0xa6: {  	_ =	swait.ge [sflag:s12], $0x80  }
0xa7: {  	[sflag:s12] =	ssyncset.done $0x0  }
0xa8: {  	[sflag:s12] =	ssyncadd.s32 $0xFFFFFF80  }
0xa9: {  	_ =	swait.ge [sflag:s12], $0x80  }
0xaa: {  	[sflag:s12] =	ssyncset.done $0x0  }
0xab: {  	[sflag:s12] =	ssyncadd.s32 $0xFFFFFF80  }
0xac: {  	_ =	swait.ge [sflag:s12], $0x80  }
0xad: {  	[sflag:s12] =	ssyncset.done $0x0  }
0xae: {  	[sflag:s12] =	ssyncadd.s32 $0xFFFFFF80  }
0xaf: {  	_ =	swait.ge [sflag:s12], $0x80  }
0xb0: {  	[sflag:s12] =	ssyncset.done $0x0  }
0xb1: {  	[sflag:s12] =	ssyncadd.s32 $0xFFFFFF80  }
0xb2: {  	_ =	swait.ge [sflag:s12], $0x80  }
0xb3: {  	[sflag:s12] =	ssyncset.done $0x0  }
0xb4: {  	[sflag:s12] =	ssyncadd.s32 $0xFFFFFF80  }
0xb5: {  	_ =	swait.ge [sflag:s12], $0x80  }
0xb6: {  	[sflag:s12] =	ssyncset.done $0x0  }
0xb7: {  	[sflag:s12] =	ssyncadd.s32 $0xFFFFFF80  }
0xb8: {  	_ =	swait.ge [sflag:s12], $0x80  }
0xb9: {  	[sflag:s12] =	ssyncset.done $0x0  }
0xba: {  	[sflag:s12] =	ssyncadd.s32 $0xFFFFFF80  }
0xbb: {  	_ =	swait.ge [sflag:s12], $0x80  }
0xbc: {  	s17 =	sadd.s32 $0x1, s17;
	[sflag:s12] =	ssyncset.done $0x0  }
0xbd: {  	p0 =	sne.s32 s17, s7;
	[sflag:s12] =	ssyncadd.s32 $0xFFFFFF80  }
.Ltmp1:
0xbe: {  	[bflag:$0x0] =	sbarrier.arrive $0xFFFF;
	(pc) =	sbr.rel @p0 .LBB2_1-.Ltmp1, $4  }
0xbf: {  	[hbm:s6@s15], [sflag:s13] =	dma.strided [spmem:s14@s16], $0x50, s12, $0x10   }
0xc0: {  	_ =	swait.ge [sflag:s8], $0x50  }
0xc1: {  	[sflag:s8] =	ssyncset.done $0x0  }
0xc2: {  	[sflag:s8] =	ssyncadd.s32 $0xFFFFFFB0  }
0xc3: {  	_ =	sfence.sel $0x180000  }
0xc4: {  	[bflag:$0x0] =	sbarrier.arrive $0xFFFF  }
0xc5: {  	p0 =	sne.s32 s2, $0x0;
	_ =	strace $0x90000047  }
0xc6: {  	s0 =	sadd.s32 @!p0 $0x100000, s0;
	[bflag:$0x2] =	sbarrier.arrive $0xFFFF  }
0xc7: {  	[sflag:s0] =	ssyncadd.tile.s32 @!p0 $0x1;
	_ =	shalt  }
.Lfunc_end2:
_tile_overlayer_lowered:
.L_overlay_start_2:
0xc8: {  	(tag) =	ssettag $0x2  }
0xc9: {  	s0 =	rddreg [dreg:$0x0];
	s2 =	stileid.u32  }
0xca: {  	s1 =	rddreg [dreg:$0x1];
	p0 =	sne.s32 s2, $0x0  }
0xcb: {  	s3 =	rddreg [dreg:$0x2];
	[bflag:$0x3] =	sbarrier.arrive $0xFFFF;
	s2 =	simm.s32 @!p0 $0x1C02  }
0xcc: {  	[timem:s3], [sflag:s2] =	dma.local @!p0 [hbm:s0], s1  }
0xcd: {  	s0 =	simm.s32 @!p0 $0x2  }
0xce: {  	_ =	swait.ge @!p0 [sflag:s0], s1  }
0xcf: {  	s1 =	ssub.s32 @!p0 $0x0, s1;
	[sflag:s0] =	ssyncset.done @!p0 $0x0  }
0xd0: {  	[sflag:s0] =	ssyncadd.s32 @!p0 s1  }
0xd1: {  	[bflag:$0x3] =	sbarrier.arrive $0xFFFF  }
0xd2: {  	_ =	shalt  }

</sc_bundles>
